<compile_context>
chip_gen: v7x
topology: tpu7x:2x2x1
jax: 0.10.2.dev20260603
libtpu: 0.0.44.dev20260713+nightly
codegen_flags: <defaults>
</compile_context>

<pallas_src>
import functools

import jax
import jax.numpy as jnp
from jax import lax
from jax.experimental import pallas as pl
from jax.experimental.pallas import tpu as pltpu
from jax.experimental.pallas import tpu_sc as plsc


_LOG2E = 1.4426950408889634
_LN2 = 0.6931471805599453


def _softplus(v):
    return jnp.log2(1.0 + jnp.exp2(v * _LOG2E)) * _LN2




def _emb_body(nf_ref, w_ref, b_ref, o_ref):
    o_ref[...] = _softplus(
        jnp.dot(nf_ref[...], w_ref[...], preferred_element_type=jnp.float32)
        + b_ref[...]
    )


def _emb(nf, W, b_row):
    N, F = nf.shape
    B = 1000
    return pl.pallas_call(
        _emb_body,
        grid=(N // B,),
        in_specs=[
            pl.BlockSpec((B, F), lambda i: (i, 0)),
            pl.BlockSpec((F, F), lambda i: (0, 0)),
            pl.BlockSpec((1, F), lambda i: (0, 0)),
        ],
        out_specs=pl.BlockSpec((B, F), lambda i: (i, 0)),
        out_shape=jax.ShapeDtypeStruct((N, F), jnp.float32),
    )(nf, W, b_row)




_NBUF = 5


def _gather_rows(table, idx3):
    NW, nch, CH = idx3.shape
    F = table.shape[1]
    per = nch * CH
    NEp = NW * per
    ngrp = nch // _NBUF
    mesh = plsc.VectorSubcoreMesh(core_axis_name="c", subcore_axis_name="s")

    @functools.partial(
        pl.kernel,
        out_type=jax.ShapeDtypeStruct((NEp, F), table.dtype),
        mesh=mesh,
        scratch_types=[
            pltpu.VMEM((nch, CH), jnp.int32),
            pltpu.VMEM((_NBUF, CH, F), table.dtype),
        ]
        + [pltpu.SemaphoreType.DMA] * (2 * _NBUF),
    )
    def gk(table_hbm, idx_hbm, out_hbm, idx_v, rows_v, *sems):
        sem_g = sems[:_NBUF]
        sem_s = sems[_NBUF:]
        wid = lax.axis_index("s") * 2 + lax.axis_index("c")
        base = wid * per
        pltpu.sync_copy(idx_hbm.at[wid], idx_v)

        def wait_scatter(b):
            pltpu.make_async_copy(
                rows_v.at[b], out_hbm.at[pl.ds(0, CH)], sem_s[b]
            ).wait()

        def step(g, carry):
            handles = []
            for b in range(_NBUF):

                @pl.when(g > 0)
                def _():
                    wait_scatter(b)

                handles.append(
                    pltpu.async_copy(
                        table_hbm.at[idx_v.at[g * _NBUF + b]],
                        rows_v.at[b],
                        sem_g[b],
                    )
                )
            for b in range(_NBUF):
                handles[b].wait()
                pltpu.async_copy(
                    rows_v.at[b],
                    out_hbm.at[pl.ds(base + (g * _NBUF + b) * CH, CH)],
                    sem_s[b],
                )
            return carry

        lax.fori_loop(0, ngrp, step, 0)
        for b in range(_NBUF):
            wait_scatter(b)

    return gk(table, idx3)




def _layer(x, nbr_rows, edge_flat, M, att_ws, msg_ws, B, off, G):
    N, F = x.shape
    E = edge_flat.shape[1]
    nh = len(msg_ws) // 3
    Nout = G * B

    def body(*refs):
        x_ref, nbr_ref, ed_ref = refs[0:3]
        wa_c, wa_n, wa_e, vsel = refs[3:7]
        w = refs[7 : 7 + nh * 3]
        xn_ref, al_ref = refs[7 + nh * 3 :]
        xv = x_ref[...]
        nbr = nbr_ref[...].astype(jnp.float32)
        ed = ed_ref[...]

        def spl(v):
            return jnp.log2(1.0 + jnp.exp2(v))

        pre_a = jnp.dot(nbr, wa_n[...], preferred_element_type=jnp.float32)
        pre_a = pre_a + jnp.dot(ed, wa_e[...], preferred_element_type=jnp.float32)
        ca = jnp.dot(xv, wa_c[...], preferred_element_type=jnp.float32)
        KaT = pre_a.shape[1]
        spa = spl(pre_a.reshape(B, M, KaT) + ca[:, None, :]).reshape(B * M, KaT)
        e3 = jnp.dot(spa, vsel[...], preferred_element_type=jnp.float32).reshape(
            B, M, nh
        )
        wexp = jnp.exp(e3)
        alpha3 = wexp / jnp.sum(wexp, axis=1, keepdims=True)

        acc = None
        for h in range(nh):
            Wc_m, Wn_m, We_m = w[h * 3 : (h + 1) * 3]
            pre_m = jnp.dot(nbr, Wn_m[...], preferred_element_type=jnp.float32)
            pre_m = pre_m + jnp.dot(ed, We_m[...], preferred_element_type=jnp.float32)
            cm = jnp.dot(xv, Wc_m[...], preferred_element_type=jnp.float32)
            msg = spl(pre_m.reshape(B, M, F) + cm[:, None, :])
            out = jnp.sum(alpha3[:, :, h : h + 1] * msg, axis=1)
            acc = out if acc is None else acc + out
        xn_ref[...] = xv + acc * (_LN2 / nh)
        al_ref[...] = alpha3[:, :, 0]

    in_specs = [
        pl.BlockSpec((B, F), lambda i: (i + off, 0)),
        pl.BlockSpec((B * M, F), lambda i: (i, 0)),
        pl.BlockSpec((B * M, E), lambda i: (i + off, 0)),
    ]
    for wa in att_ws + msg_ws:
        s = wa.shape
        in_specs.append(pl.BlockSpec(s, lambda i: (0, 0)))
    return pl.pallas_call(
        body,
        grid=(G,),
        in_specs=in_specs,
        out_specs=[
            pl.BlockSpec((B, F), lambda i: (i, 0)),
            pl.BlockSpec((B, M), lambda i: (i, 0)),
        ],
        out_shape=[
            jax.ShapeDtypeStruct((Nout, F), jnp.float32),
            jax.ShapeDtypeStruct((Nout, M), jnp.float32),
        ],
    )(x, nbr_rows, edge_flat, *att_ws, *msg_ws)




def _pool_body(x_ref, wg_ref, wo_ref, bo_ref, o_ref):
    xv = x_ref[...]
    s = _softplus(jnp.sum(xv * wg_ref[...], axis=1, keepdims=True))
    mx = jnp.max(s)
    g = jnp.exp(s - mx)
    gf = jnp.sum(g * xv, axis=0, keepdims=True) / jnp.sum(g)
    z = jnp.sum(gf * wo_ref[...], axis=1)[None, :] + bo_ref[...]
    mz = jnp.max(z, axis=1, keepdims=True)
    o_ref[...] = z - (mz + jnp.log(jnp.sum(jnp.exp(z - mz), axis=1, keepdims=True)))


def _pool(x, Wg_row, Wo_t, bo_row):
    N, F = x.shape
    return pl.pallas_call(
        _pool_body,
        grid=(1,),
        in_specs=[
            pl.BlockSpec((N, F), lambda i: (0, 0)),
            pl.BlockSpec((1, F), lambda i: (0, 0)),
            pl.BlockSpec((2, F), lambda i: (0, 0)),
            pl.BlockSpec((1, 2), lambda i: (0, 0)),
        ],
        out_specs=pl.BlockSpec((1, 2), lambda i: (0, 0)),
        out_shape=jax.ShapeDtypeStruct((1, 2), jnp.float32),
    )(x, Wg_row, Wo_t, bo_row)


def _att_pack(heads, F):
    Was = [W * _LOG2E for W, _ in heads]
    Wa = jnp.concatenate(Was, axis=1) if len(Was) > 1 else Was[0]
    KaT = Wa.shape[1]
    cols = []
    off = 0
    for W, v in heads:
        k = W.shape[1]
        col = jnp.zeros((KaT,), jnp.float32).at[off : off + k].set(v * _LN2)
        cols.append(col)
        off += k
    vsel = jnp.stack(cols, axis=1)
    return [Wa[:F], Wa[F : 2 * F], Wa[2 * F :], vsel]


def _msg_ws(W_msg, F):
    Wm = W_msg * _LOG2E
    return [Wm[:F], Wm[F : 2 * F], Wm[2 * F :]]


def kernel(node_features, edge_features, neighbor_indices, neighbor_masks,
           W_emb, b_emb, W_att_0_0, v_att_0_0, W_msg_0_0, W_att_0_1, v_att_0_1,
           W_msg_0_1, W_att_1_0, v_att_1_0, W_msg_1_0, W_graph, W_out, b_out):
    N, F = node_features.shape
    M = neighbor_indices.shape[1]
    E = edge_features.shape[2]
    NE = N * M

    NW, CH = 32, 80
    idx3 = neighbor_indices.astype(jnp.int32).reshape(NW, NE // (NW * CH), CH)
    edge_flat = edge_features.reshape(NE, E)

    B = 200
    G = N // B

    x0 = _emb(node_features, W_emb, b_emb.reshape(1, F))

    att0 = _att_pack([(W_att_0_0, v_att_0_0), (W_att_0_1, v_att_0_1)], F)
    msg0 = _msg_ws(W_msg_0_0, F) + _msg_ws(W_msg_0_1, F)
    g0 = _gather_rows(x0, idx3)
    x1, _ = _layer(x0, g0, edge_flat, M, att0, msg0, B, 0, G)

    att1 = _att_pack([(W_att_1_0, v_att_1_0)], F)
    msg1 = _msg_ws(W_msg_1_0, F)
    g1 = _gather_rows(x1, idx3)
    x2, alpha = _layer(x1, g1, edge_flat, M, att1, msg1, B, 0, G)

    preds = _pool(x2, W_graph.reshape(1, F), W_out.T, b_out.reshape(1, 2))
    return preds, alpha

# --- scband reference (transcript-rebuilt; emitter-appended) ---
"""Pipeline reference for scband-gnnmodel-49770081026089 (READ-ONLY COPY).

The authoritative reference and input builder live on the scoring server;
editing this copy changes nothing except your own understanding.
"""

import jax, jax.numpy as jnp
import numpy as np

N = 10000
M = 32
F = 128
E = 16
D = 2 * F + E

def setup_inputs(seed: int = 0):
    key = jax.random.key(seed)
    ks = jax.random.split(key, 16)
    s = 0.05
    inp = {}
    inp['node_features'] = jax.random.normal(ks[0], (N, F), dtype=jnp.float32)
    inp['edge_features'] = jax.random.normal(ks[1], (N, M, E), dtype=jnp.float32)
    inp['neighbor_indices'] = jax.random.randint(ks[2], (N, M), 0, N)
    inp['neighbor_masks'] = jnp.ones((N, M), dtype=jnp.float32)
    inp['W_emb'] = jax.random.normal(ks[3], (F, F), dtype=jnp.float32) * s
    inp['b_emb'] = jnp.zeros((F,), dtype=jnp.float32)
    inp['W_att_0_0'] = jax.random.normal(ks[4], (D, 30), dtype=jnp.float32) * s
    inp['v_att_0_0'] = jax.random.normal(ks[5], (30,), dtype=jnp.float32) * s
    inp['W_msg_0_0'] = jax.random.normal(ks[6], (D, F), dtype=jnp.float32) * s
    inp['W_att_0_1'] = jax.random.normal(ks[7], (D, 30), dtype=jnp.float32) * s
    inp['v_att_0_1'] = jax.random.normal(ks[8], (30,), dtype=jnp.float32) * s
    inp['W_msg_0_1'] = jax.random.normal(ks[9], (D, F), dtype=jnp.float32) * s
    inp['W_att_1_0'] = jax.random.normal(ks[10], (D, 15), dtype=jnp.float32) * s
    inp['v_att_1_0'] = jax.random.normal(ks[11], (15,), dtype=jnp.float32) * s
    inp['W_msg_1_0'] = jax.random.normal(ks[12], (D, F), dtype=jnp.float32) * s
    inp['W_graph'] = jax.random.normal(ks[13], (F, 1), dtype=jnp.float32) * s
    inp['W_out'] = jax.random.normal(ks[14], (F, 2), dtype=jnp.float32) * s
    inp['b_out'] = jnp.zeros((2,), dtype=jnp.float32)
    return inp

def _gnn_layer(x, edge_features, nbr_idx, nbr_mask, heads, Wg):
    sp = jax.nn.softplus
    nbr = x[nbr_idx]
    center = jnp.broadcast_to(x[:, None, :], nbr.shape)
    feat = jnp.concatenate([center, nbr, edge_features], axis=-1)
    outs = []
    atts = []
    for (Wa, va, Wm) in heads:
        e = sp(feat @ Wa) @ va
        e = jnp.where(nbr_mask > 0, e, -1e9)
        alpha = jax.nn.softmax(e, axis=1) * nbr_mask
        msg = sp(feat @ Wm)
        outs.append(jnp.sum(alpha[..., None] * msg, axis=1))
        atts.append(alpha)
    agg = jnp.mean(jnp.stack(outs, 0), axis=0)
    x_new = x + agg
    if Wg is not None:
        g = jax.nn.softmax(sp(x_new @ Wg), axis=0)
        graph_feature = jnp.sum(g * x_new, axis=0, keepdims=True)
    else:
        graph_feature = jnp.sum(x_new, axis=0, keepdims=True)
    return graph_feature, x_new, atts

def reference(node_features, edge_features, neighbor_indices, neighbor_masks, W_emb, b_emb, W_att_0_0, v_att_0_0, W_msg_0_0, W_att_0_1, v_att_0_1, W_msg_0_1, W_att_1_0, v_att_1_0, W_msg_1_0, W_graph, W_out, b_out):
    sp = jax.nn.softplus
    idx = neighbor_indices.astype(jnp.int32)
    x = sp(node_features @ W_emb + b_emb)
    gf, x, _ = _gnn_layer(x, edge_features, idx, neighbor_masks, [(W_att_0_0, v_att_0_0, W_msg_0_0), (W_att_0_1, v_att_0_1, W_msg_0_1)], None)
    gf, x, atts = _gnn_layer(x, edge_features, idx, neighbor_masks, [(W_att_1_0, v_att_1_0, W_msg_1_0)], W_graph)
    preds = jax.nn.log_softmax(gf @ W_out + b_out[None, :], axis=1)
    return preds, atts[0]

if __name__ == "__main__":
    import jax
    _d = setup_inputs()
    print(jax.jit(kernel)(*tuple(_d.values())))

</pallas_src>

<mosaic_0001>
#map = affine_map<(d0, d1) -> (0, 0)>
#map1 = affine_map<(d0, d1) -> (0, 0, 0)>
module attributes {stable_mosaic.version = 14 : i64} {
  func.func @gk(%arg0: i32, %arg1: i32, %arg2: memref<10000x128xf32, #tpu.memory_space<hbm>>, %arg3: memref<32x125x80xi32, #tpu.memory_space<hbm>>, %arg4: memref<320000x128xf32, #tpu.memory_space<hbm>>, %arg5: memref<125x80xi32, #tpu.memory_space<vmem>>, %arg6: memref<5x80x128xf32, #tpu.memory_space<vmem>>, %arg7: memref<!tpu.dma_semaphore, #tpu.memory_space<semaphore_mem>>, %arg8: memref<!tpu.dma_semaphore, #tpu.memory_space<semaphore_mem>>, %arg9: memref<!tpu.dma_semaphore, #tpu.memory_space<semaphore_mem>>, %arg10: memref<!tpu.dma_semaphore, #tpu.memory_space<semaphore_mem>>, %arg11: memref<!tpu.dma_semaphore, #tpu.memory_space<semaphore_mem>>, %arg12: memref<!tpu.dma_semaphore, #tpu.memory_space<semaphore_mem>>, %arg13: memref<!tpu.dma_semaphore, #tpu.memory_space<semaphore_mem>>, %arg14: memref<!tpu.dma_semaphore, #tpu.memory_space<semaphore_mem>>, %arg15: memref<!tpu.dma_semaphore, #tpu.memory_space<semaphore_mem>>, %arg16: memref<!tpu.dma_semaphore, #tpu.memory_space<semaphore_mem>>) attributes {dimension_semantics = [#tpu.dimension_semantics<core_parallel>, #tpu.dimension_semantics<subcore_parallel>], iteration_bounds = array<i64: 2, 16>, scalar_prefetch = 0 : i64, scratch_operands = 12 : i64, tpu.core_type = #tpu.core_type<sc_vector_subcore>, window_params = [{transform_indices = #map}, {transform_indices = #map1}, {transform_indices = #map}]} {
    %mul3A = arith.constant 2 : i32
    %mul3A_0 = arith.muli %arg1, %mul3A : i32
    %add3A = arith.addi %mul3A_0, %arg0 : i32
    %mul3A_1 = arith.constant 10000 : i32
    %mul3A_2 = arith.muli %add3A, %mul3A_1 : i32
    "tpu.region"() ({
      %run_scoped3A = tpu.sem_alloc : memref<!tpu.dma_semaphore, #tpu.memory_space<semaphore_mem>>
      %dma_start3A = arith.constant 0 : i32
      %dma_start3A_82 = arith.constant 0 : i32
      %dma_start3A_83 = tpu.memref_slice %arg3[%add3A, %dma_start3A, %dma_start3A_82] : memref<32x125x80xi32, #tpu.memory_space<hbm>> -> memref<1x125x80xi32, #tpu.memory_space<hbm>>
      %dma_start3A_84 = tpu.memref_squeeze %dma_start3A_83 : memref<1x125x80xi32, #tpu.memory_space<hbm>> -> memref<125x80xi32, #tpu.memory_space<hbm>>
      %dma_start3A_85 = arith.constant 0 : i32
      %dma_start3A_86 = arith.constant 0 : i32
      %dma_start3A_87 = tpu.memref_slice %arg3[%add3A, %dma_start3A_85, %dma_start3A_86] : memref<32x125x80xi32, #tpu.memory_space<hbm>> -> memref<1x125x80xi32, #tpu.memory_space<hbm>>
      %dma_start3A_88 = tpu.memref_squeeze %dma_start3A_87 : memref<1x125x80xi32, #tpu.memory_space<hbm>> -> memref<125x80xi32, #tpu.memory_space<hbm>>
      tpu.enqueue_dma source(%dma_start3A_88 : memref<125x80xi32, #tpu.memory_space<hbm>>) target(%arg5 : memref<125x80xi32, #tpu.memory_space<vmem>>) target_semaphore(%run_scoped3A : memref<!tpu.dma_semaphore, #tpu.memory_space<semaphore_mem>>)
      %dma_wait3A_89 = arith.constant 0 : i32
      %dma_wait3A_90 = arith.constant 0 : i32
      %dma_wait3A_91 = tpu.memref_slice %arg3[%add3A, %dma_wait3A_89, %dma_wait3A_90] : memref<32x125x80xi32, #tpu.memory_space<hbm>> -> memref<1x125x80xi32, #tpu.memory_space<hbm>>
      %dma_wait3A_92 = tpu.memref_squeeze %dma_wait3A_91 : memref<1x125x80xi32, #tpu.memory_space<hbm>> -> memref<125x80xi32, #tpu.memory_space<hbm>>
      %dma_wait3A_93 = arith.constant 0 : i32
      %dma_wait3A_94 = arith.constant 0 : i32
      %dma_wait3A_95 = tpu.memref_slice %arg3[%add3A, %dma_wait3A_93, %dma_wait3A_94] : memref<32x125x80xi32, #tpu.memory_space<hbm>> -> memref<1x125x80xi32, #tpu.memory_space<hbm>>
      %dma_wait3A_96 = tpu.memref_squeeze %dma_wait3A_95 : memref<1x125x80xi32, #tpu.memory_space<hbm>> -> memref<125x80xi32, #tpu.memory_space<hbm>>
      tpu.wait_dma2 semaphore(%run_scoped3A : memref<!tpu.dma_semaphore, #tpu.memory_space<semaphore_mem>>) src(%dma_wait3A_96 : memref<125x80xi32, #tpu.memory_space<hbm>>) dst(%arg5 : memref<125x80xi32, #tpu.memory_space<vmem>>)
      tpu.yield
    }) : () -> ()
    %scan3A = arith.constant 0 : i32
    %scan3A_3 = arith.constant 0 : i32
    %scan3A_4 = arith.constant 25 : i32
    %scan3A_5 = arith.addi %scan3A_3, %scan3A_4 : i32
    %scan3A_6 = arith.constant 1 : i32
    scf.for %scan3A_82 = %scan3A_3 to %scan3A_5 step %scan3A_6  : i32 {
      %gt3A = arith.constant 0 : i32
      %gt3A_83 = arith.cmpi sgt, %scan3A_82, %gt3A : i32
      %convert_element_type3A = arith.extui %gt3A_83 : i1 to i32
      %cond3A = arith.constant 0 : i32
      %cond3A_84 = arith.cmpi ne, %convert_element_type3A, %cond3A : i32
      scf.if %cond3A_84 {
        %dma_wait3A_334 = arith.constant 0 : i32
        %dma_wait3A_335 = arith.constant 0 : i32
        %dma_wait3A_336 = arith.constant 0 : i32
        %dma_wait3A_337 = tpu.memref_slice %arg6[%dma_wait3A_334, %dma_wait3A_335, %dma_wait3A_336] : memref<5x80x128xf32, #tpu.memory_space<vmem>> -> memref<1x80x128xf32, #tpu.memory_space<vmem>>
        %dma_wait3A_338 = tpu.memref_squeeze %dma_wait3A_337 : memref<1x80x128xf32, #tpu.memory_space<vmem>> -> memref<80x128xf32, #tpu.memory_space<vmem>>
        %dma_wait3A_339 = arith.constant 0 : i32
        %dma_wait3A_340 = arith.constant 0 : i32
        %dma_wait3A_341 = tpu.memref_slice %arg4[%dma_wait3A_339, %dma_wait3A_340] : memref<320000x128xf32, #tpu.memory_space<hbm>> -> memref<80x128xf32, #tpu.memory_space<hbm>>
        %dma_wait3A_342 = arith.constant 0 : i32
        %dma_wait3A_343 = arith.constant 0 : i32
        %dma_wait3A_344 = tpu.memref_slice %arg4[%dma_wait3A_342, %dma_wait3A_343] : memref<320000x128xf32, #tpu.memory_space<hbm>> -> memref<80x128xf32, #tpu.memory_space<hbm>>
        %dma_wait3A_345 = arith.constant 0 : i32
        %dma_wait3A_346 = arith.constant 0 : i32
        %dma_wait3A_347 = tpu.memref_slice %arg6[%dma_wait3A_334, %dma_wait3A_345, %dma_wait3A_346] : memref<5x80x128xf32, #tpu.memory_space<vmem>> -> memref<1x80x128xf32, #tpu.memory_space<vmem>>
        %dma_wait3A_348 = tpu.memref_squeeze %dma_wait3A_347 : memref<1x80x128xf32, #tpu.memory_space<vmem>> -> memref<80x128xf32, #tpu.memory_space<vmem>>
        tpu.wait_dma2 semaphore(%arg12 : memref<!tpu.dma_semaphore, #tpu.memory_space<semaphore_mem>>) src(%dma_wait3A_348 : memref<80x128xf32, #tpu.memory_space<vmem>>) dst(%dma_wait3A_344 : memref<80x128xf32, #tpu.memory_space<hbm>>)
      } else {
      }
      %mul3A_85 = arith.constant 5 : i32
      %mul3A_86 = arith.muli %scan3A_82, %mul3A_85 : i32
      %add3A_87 = arith.constant 0 : i32
      %add3A_88 = arith.addi %mul3A_86, %add3A_87 : i32
      %dma_start3A = arith.constant 0 : i32
      %dma_start3A_89 = arith.constant 0 : i32
      %dma_start3A_90 = arith.constant 0 : i32
      %dma_start3A_91 = tpu.memref_slice %arg6[%dma_start3A, %dma_start3A_89, %dma_start3A_90] : memref<5x80x128xf32, #tpu.memory_space<vmem>> -> memref<1x80x128xf32, #tpu.memory_space<vmem>>
      %dma_start3A_92 = tpu.memref_squeeze %dma_start3A_91 : memref<1x80x128xf32, #tpu.memory_space<vmem>> -> memref<80x128xf32, #tpu.memory_space<vmem>>
      %dma_start3A_93 = arith.constant 0 : i32
      %dma_start3A_94 = tpu.memref_slice %arg5[%add3A_88, %dma_start3A_93] : memref<125x80xi32, #tpu.memory_space<vmem>> -> memref<1x80xi32, #tpu.memory_space<vmem>>
      %dma_start3A_95 = tpu.memref_squeeze %dma_start3A_94 : memref<1x80xi32, #tpu.memory_space<vmem>> -> memref<80xi32, #tpu.memory_space<vmem>>
      %dma_start3A_96 = arith.constant 0 : i32
      %dma_start3A_97 = arith.constant 0 : i32
      %dma_start3A_98 = tpu.memref_slice %arg2[%dma_start3A_96, %dma_start3A_97] : memref<10000x128xf32, #tpu.memory_space<hbm>> -> memref<10000x128xf32, #tpu.memory_space<hbm>>
      tpu.enqueue_indirect_dma source(%dma_start3A_98 : memref<10000x128xf32, #tpu.memory_space<hbm>>) target(%dma_start3A_92 : memref<80x128xf32, #tpu.memory_space<vmem>>) offsets(%dma_start3A_95 : memref<80xi32, #tpu.memory_space<vmem>>) semaphore(%arg7 : memref<!tpu.dma_semaphore, #tpu.memory_space<semaphore_mem>>)
      %gt3A_99 = arith.constant 0 : i32
      %gt3A_100 = arith.cmpi sgt, %scan3A_82, %gt3A_99 : i32
      %convert_element_type3A_101 = arith.extui %gt3A_100 : i1 to i32
      %cond3A_102 = arith.constant 0 : i32
      %cond3A_103 = arith.cmpi ne, %convert_element_type3A_101, %cond3A_102 : i32
      scf.if %cond3A_103 {
        %dma_wait3A_334 = arith.constant 1 : i32
        %dma_wait3A_335 = arith.constant 0 : i32
        %dma_wait3A_336 = arith.constant 0 : i32
        %dma_wait3A_337 = tpu.memref_slice %arg6[%dma_wait3A_334, %dma_wait3A_335, %dma_wait3A_336] : memref<5x80x128xf32, #tpu.memory_space<vmem>> -> memref<1x80x128xf32, #tpu.memory_space<vmem>>
        %dma_wait3A_338 = tpu.memref_squeeze %dma_wait3A_337 : memref<1x80x128xf32, #tpu.memory_space<vmem>> -> memref<80x128xf32, #tpu.memory_space<vmem>>
        %dma_wait3A_339 = arith.constant 0 : i32
        %dma_wait3A_340 = arith.constant 0 : i32
        %dma_wait3A_341 = tpu.memref_slice %arg4[%dma_wait3A_339, %dma_wait3A_340] : memref<320000x128xf32, #tpu.memory_space<hbm>> -> memref<80x128xf32, #tpu.memory_space<hbm>>
        %dma_wait3A_342 = arith.constant 0 : i32
        %dma_wait3A_343 = arith.constant 0 : i32
        %dma_wait3A_344 = tpu.memref_slice %arg4[%dma_wait3A_342, %dma_wait3A_343] : memref<320000x128xf32, #tpu.memory_space<hbm>> -> memref<80x128xf32, #tpu.memory_space<hbm>>
        %dma_wait3A_345 = arith.constant 0 : i32
        %dma_wait3A_346 = arith.constant 0 : i32
        %dma_wait3A_347 = tpu.memref_slice %arg6[%dma_wait3A_334, %dma_wait3A_345, %dma_wait3A_346] : memref<5x80x128xf32, #tpu.memory_space<vmem>> -> memref<1x80x128xf32, #tpu.memory_space<vmem>>
        %dma_wait3A_348 = tpu.memref_squeeze %dma_wait3A_347 : memref<1x80x128xf32, #tpu.memory_space<vmem>> -> memref<80x128xf32, #tpu.memory_space<vmem>>
        tpu.wait_dma2 semaphore(%arg13 : memref<!tpu.dma_semaphore, #tpu.memory_space<semaphore_mem>>) src(%dma_wait3A_348 : memref<80x128xf32, #tpu.memory_space<vmem>>) dst(%dma_wait3A_344 : memref<80x128xf32, #tpu.memory_space<hbm>>)
      } else {
      }
      %mul3A_104 = arith.constant 5 : i32
      %mul3A_105 = arith.muli %scan3A_82, %mul3A_104 : i32
      %add3A_106 = arith.constant 1 : i32
      %add3A_107 = arith.addi %mul3A_105, %add3A_106 : i32
      %dma_start3A_108 = arith.constant 1 : i32
      %dma_start3A_109 = arith.constant 0 : i32
      %dma_start3A_110 = arith.constant 0 : i32
      %dma_start3A_111 = tpu.memref_slice %arg6[%dma_start3A_108, %dma_start3A_109, %dma_start3A_110] : memref<5x80x128xf32, #tpu.memory_space<vmem>> -> memref<1x80x128xf32, #tpu.memory_space<vmem>>
      %dma_start3A_112 = tpu.memref_squeeze %dma_start3A_111 : memref<1x80x128xf32, #tpu.memory_space<vmem>> -> memref<80x128xf32, #tpu.memory_space<vmem>>
      %dma_start3A_113 = arith.constant 0 : i32
      %dma_start3A_114 = tpu.memref_slice %arg5[%add3A_107, %dma_start3A_113] : memref<125x80xi32, #tpu.memory_space<vmem>> -> memref<1x80xi32, #tpu.memory_space<vmem>>
      %dma_start3A_115 = tpu.memref_squeeze %dma_start3A_114 : memref<1x80xi32, #tpu.memory_space<vmem>> -> memref<80xi32, #tpu.memory_space<vmem>>
      %dma_start3A_116 = arith.constant 0 : i32
      %dma_start3A_117 = arith.constant 0 : i32
      %dma_start3A_118 = tpu.memref_slice %arg2[%dma_start3A_116, %dma_start3A_117] : memref<10000x128xf32, #tpu.memory_space<hbm>> -> memref<10000x128xf32, #tpu.memory_space<hbm>>
      tpu.enqueue_indirect_dma source(%dma_start3A_118 : memref<10000x128xf32, #tpu.memory_space<hbm>>) target(%dma_start3A_112 : memref<80x128xf32, #tpu.memory_space<vmem>>) offsets(%dma_start3A_115 : memref<80xi32, #tpu.memory_space<vmem>>) semaphore(%arg8 : memref<!tpu.dma_semaphore, #tpu.memory_space<semaphore_mem>>)
      %gt3A_119 = arith.constant 0 : i32
      %gt3A_120 = arith.cmpi sgt, %scan3A_82, %gt3A_119 : i32
      %convert_element_type3A_121 = arith.extui %gt3A_120 : i1 to i32
      %cond3A_122 = arith.constant 0 : i32
      %cond3A_123 = arith.cmpi ne, %convert_element_type3A_121, %cond3A_122 : i32
      scf.if %cond3A_123 {
        %dma_wait3A_334 = arith.constant 2 : i32
        %dma_wait3A_335 = arith.constant 0 : i32
        %dma_wait3A_336 = arith.constant 0 : i32
        %dma_wait3A_337 = tpu.memref_slice %arg6[%dma_wait3A_334, %dma_wait3A_335, %dma_wait3A_336] : memref<5x80x128xf32, #tpu.memory_space<vmem>> -> memref<1x80x128xf32, #tpu.memory_space<vmem>>
        %dma_wait3A_338 = tpu.memref_squeeze %dma_wait3A_337 : memref<1x80x128xf32, #tpu.memory_space<vmem>> -> memref<80x128xf32, #tpu.memory_space<vmem>>
        %dma_wait3A_339 = arith.constant 0 : i32
        %dma_wait3A_340 = arith.constant 0 : i32
        %dma_wait3A_341 = tpu.memref_slice %arg4[%dma_wait3A_339, %dma_wait3A_340] : memref<320000x128xf32, #tpu.memory_space<hbm>> -> memref<80x128xf32, #tpu.memory_space<hbm>>
        %dma_wait3A_342 = arith.constant 0 : i32
        %dma_wait3A_343 = arith.constant 0 : i32
        %dma_wait3A_344 = tpu.memref_slice %arg4[%dma_wait3A_342, %dma_wait3A_343] : memref<320000x128xf32, #tpu.memory_space<hbm>> -> memref<80x128xf32, #tpu.memory_space<hbm>>
        %dma_wait3A_345 = arith.constant 0 : i32
        %dma_wait3A_346 = arith.constant 0 : i32
        %dma_wait3A_347 = tpu.memref_slice %arg6[%dma_wait3A_334, %dma_wait3A_345, %dma_wait3A_346] : memref<5x80x128xf32, #tpu.memory_space<vmem>> -> memref<1x80x128xf32, #tpu.memory_space<vmem>>
        %dma_wait3A_348 = tpu.memref_squeeze %dma_wait3A_347 : memref<1x80x128xf32, #tpu.memory_space<vmem>> -> memref<80x128xf32, #tpu.memory_space<vmem>>
        tpu.wait_dma2 semaphore(%arg14 : memref<!tpu.dma_semaphore, #tpu.memory_space<semaphore_mem>>) src(%dma_wait3A_348 : memref<80x128xf32, #tpu.memory_space<vmem>>) dst(%dma_wait3A_344 : memref<80x128xf32, #tpu.memory_space<hbm>>)
      } else {
      }
      %mul3A_124 = arith.constant 5 : i32
      %mul3A_125 = arith.muli %scan3A_82, %mul3A_124 : i32
      %add3A_126 = arith.constant 2 : i32
      %add3A_127 = arith.addi %mul3A_125, %add3A_126 : i32
      %dma_start3A_128 = arith.constant 2 : i32
      %dma_start3A_129 = arith.constant 0 : i32
      %dma_start3A_130 = arith.constant 0 : i32
      %dma_start3A_131 = tpu.memref_slice %arg6[%dma_start3A_128, %dma_start3A_129, %dma_start3A_130] : memref<5x80x128xf32, #tpu.memory_space<vmem>> -> memref<1x80x128xf32, #tpu.memory_space<vmem>>
      %dma_start3A_132 = tpu.memref_squeeze %dma_start3A_131 : memref<1x80x128xf32, #tpu.memory_space<vmem>> -> memref<80x128xf32, #tpu.memory_space<vmem>>
      %dma_start3A_133 = arith.constant 0 : i32
      %dma_start3A_134 = tpu.memref_slice %arg5[%add3A_127, %dma_start3A_133] : memref<125x80xi32, #tpu.memory_space<vmem>> -> memref<1x80xi32, #tpu.memory_space<vmem>>
      %dma_start3A_135 = tpu.memref_squeeze %dma_start3A_134 : memref<1x80xi32, #tpu.memory_space<vmem>> -> memref<80xi32, #tpu.memory_space<vmem>>
      %dma_start3A_136 = arith.constant 0 : i32
      %dma_start3A_137 = arith.constant 0 : i32
      %dma_start3A_138 = tpu.memref_slice %arg2[%dma_start3A_136, %dma_start3A_137] : memref<10000x128xf32, #tpu.memory_space<hbm>> -> memref<10000x128xf32, #tpu.memory_space<hbm>>
      tpu.enqueue_indirect_dma source(%dma_start3A_138 : memref<10000x128xf32, #tpu.memory_space<hbm>>) target(%dma_start3A_132 : memref<80x128xf32, #tpu.memory_space<vmem>>) offsets(%dma_start3A_135 : memref<80xi32, #tpu.memory_space<vmem>>) semaphore(%arg9 : memref<!tpu.dma_semaphore, #tpu.memory_space<semaphore_mem>>)
      %gt3A_139 = arith.constant 0 : i32
      %gt3A_140 = arith.cmpi sgt, %scan3A_82, %gt3A_139 : i32
      %convert_element_type3A_141 = arith.extui %gt3A_140 : i1 to i32
      %cond3A_142 = arith.constant 0 : i32
      %cond3A_143 = arith.cmpi ne, %convert_element_type3A_141, %cond3A_142 : i32
      scf.if %cond3A_143 {
        %dma_wait3A_334 = arith.constant 3 : i32
        %dma_wait3A_335 = arith.constant 0 : i32
        %dma_wait3A_336 = arith.constant 0 : i32
        %dma_wait3A_337 = tpu.memref_slice %arg6[%dma_wait3A_334, %dma_wait3A_335, %dma_wait3A_336] : memref<5x80x128xf32, #tpu.memory_space<vmem>> -> memref<1x80x128xf32, #tpu.memory_space<vmem>>
        %dma_wait3A_338 = tpu.memref_squeeze %dma_wait3A_337 : memref<1x80x128xf32, #tpu.memory_space<vmem>> -> memref<80x128xf32, #tpu.memory_space<vmem>>
        %dma_wait3A_339 = arith.constant 0 : i32
        %dma_wait3A_340 = arith.constant 0 : i32
        %dma_wait3A_341 = tpu.memref_slice %arg4[%dma_wait3A_339, %dma_wait3A_340] : memref<320000x128xf32, #tpu.memory_space<hbm>> -> memref<80x128xf32, #tpu.memory_space<hbm>>
        %dma_wait3A_342 = arith.constant 0 : i32
        %dma_wait3A_343 = arith.constant 0 : i32
        %dma_wait3A_344 = tpu.memref_slice %arg4[%dma_wait3A_342, %dma_wait3A_343] : memref<320000x128xf32, #tpu.memory_space<hbm>> -> memref<80x128xf32, #tpu.memory_space<hbm>>
        %dma_wait3A_345 = arith.constant 0 : i32
        %dma_wait3A_346 = arith.constant 0 : i32
        %dma_wait3A_347 = tpu.memref_slice %arg6[%dma_wait3A_334, %dma_wait3A_345, %dma_wait3A_346] : memref<5x80x128xf32, #tpu.memory_space<vmem>> -> memref<1x80x128xf32, #tpu.memory_space<vmem>>
        %dma_wait3A_348 = tpu.memref_squeeze %dma_wait3A_347 : memref<1x80x128xf32, #tpu.memory_space<vmem>> -> memref<80x128xf32, #tpu.memory_space<vmem>>
        tpu.wait_dma2 semaphore(%arg15 : memref<!tpu.dma_semaphore, #tpu.memory_space<semaphore_mem>>) src(%dma_wait3A_348 : memref<80x128xf32, #tpu.memory_space<vmem>>) dst(%dma_wait3A_344 : memref<80x128xf32, #tpu.memory_space<hbm>>)
      } else {
      }
      %mul3A_144 = arith.constant 5 : i32
      %mul3A_145 = arith.muli %scan3A_82, %mul3A_144 : i32
      %add3A_146 = arith.constant 3 : i32
      %add3A_147 = arith.addi %mul3A_145, %add3A_146 : i32
      %dma_start3A_148 = arith.constant 3 : i32
      %dma_start3A_149 = arith.constant 0 : i32
      %dma_start3A_150 = arith.constant 0 : i32
      %dma_start3A_151 = tpu.memref_slice %arg6[%dma_start3A_148, %dma_start3A_149, %dma_start3A_150] : memref<5x80x128xf32, #tpu.memory_space<vmem>> -> memref<1x80x128xf32, #tpu.memory_space<vmem>>
      %dma_start3A_152 = tpu.memref_squeeze %dma_start3A_151 : memref<1x80x128xf32, #tpu.memory_space<vmem>> -> memref<80x128xf32, #tpu.memory_space<vmem>>
      %dma_start3A_153 = arith.constant 0 : i32
      %dma_start3A_154 = tpu.memref_slice %arg5[%add3A_147, %dma_start3A_153] : memref<125x80xi32, #tpu.memory_space<vmem>> -> memref<1x80xi32, #tpu.memory_space<vmem>>
      %dma_start3A_155 = tpu.memref_squeeze %dma_start3A_154 : memref<1x80xi32, #tpu.memory_space<vmem>> -> memref<80xi32, #tpu.memory_space<vmem>>
      %dma_start3A_156 = arith.constant 0 : i32
      %dma_start3A_157 = arith.constant 0 : i32
      %dma_start3A_158 = tpu.memref_slice %arg2[%dma_start3A_156, %dma_start3A_157] : memref<10000x128xf32, #tpu.memory_space<hbm>> -> memref<10000x128xf32, #tpu.memory_space<hbm>>
      tpu.enqueue_indirect_dma source(%dma_start3A_158 : memref<10000x128xf32, #tpu.memory_space<hbm>>) target(%dma_start3A_152 : memref<80x128xf32, #tpu.memory_space<vmem>>) offsets(%dma_start3A_155 : memref<80xi32, #tpu.memory_space<vmem>>) semaphore(%arg10 : memref<!tpu.dma_semaphore, #tpu.memory_space<semaphore_mem>>)
      %gt3A_159 = arith.constant 0 : i32
      %gt3A_160 = arith.cmpi sgt, %scan3A_82, %gt3A_159 : i32
      %convert_element_type3A_161 = arith.extui %gt3A_160 : i1 to i32
      %cond3A_162 = arith.constant 0 : i32
      %cond3A_163 = arith.cmpi ne, %convert_element_type3A_161, %cond3A_162 : i32
      scf.if %cond3A_163 {
        %dma_wait3A_334 = arith.constant 4 : i32
        %dma_wait3A_335 = arith.constant 0 : i32
        %dma_wait3A_336 = arith.constant 0 : i32
        %dma_wait3A_337 = tpu.memref_slice %arg6[%dma_wait3A_334, %dma_wait3A_335, %dma_wait3A_336] : memref<5x80x128xf32, #tpu.memory_space<vmem>> -> memref<1x80x128xf32, #tpu.memory_space<vmem>>
        %dma_wait3A_338 = tpu.memref_squeeze %dma_wait3A_337 : memref<1x80x128xf32, #tpu.memory_space<vmem>> -> memref<80x128xf32, #tpu.memory_space<vmem>>
        %dma_wait3A_339 = arith.constant 0 : i32
        %dma_wait3A_340 = arith.constant 0 : i32
        %dma_wait3A_341 = tpu.memref_slice %arg4[%dma_wait3A_339, %dma_wait3A_340] : memref<320000x128xf32, #tpu.memory_space<hbm>> -> memref<80x128xf32, #tpu.memory_space<hbm>>
        %dma_wait3A_342 = arith.constant 0 : i32
        %dma_wait3A_343 = arith.constant 0 : i32
        %dma_wait3A_344 = tpu.memref_slice %arg4[%dma_wait3A_342, %dma_wait3A_343] : memref<320000x128xf32, #tpu.memory_space<hbm>> -> memref<80x128xf32, #tpu.memory_space<hbm>>
        %dma_wait3A_345 = arith.constant 0 : i32
        %dma_wait3A_346 = arith.constant 0 : i32
        %dma_wait3A_347 = tpu.memref_slice %arg6[%dma_wait3A_334, %dma_wait3A_345, %dma_wait3A_346] : memref<5x80x128xf32, #tpu.memory_space<vmem>> -> memref<1x80x128xf32, #tpu.memory_space<vmem>>
        %dma_wait3A_348 = tpu.memref_squeeze %dma_wait3A_347 : memref<1x80x128xf32, #tpu.memory_space<vmem>> -> memref<80x128xf32, #tpu.memory_space<vmem>>
        tpu.wait_dma2 semaphore(%arg16 : memref<!tpu.dma_semaphore, #tpu.memory_space<semaphore_mem>>) src(%dma_wait3A_348 : memref<80x128xf32, #tpu.memory_space<vmem>>) dst(%dma_wait3A_344 : memref<80x128xf32, #tpu.memory_space<hbm>>)
      } else {
      }
      %mul3A_164 = arith.constant 5 : i32
      %mul3A_165 = arith.muli %scan3A_82, %mul3A_164 : i32
      %add3A_166 = arith.constant 4 : i32
      %add3A_167 = arith.addi %mul3A_165, %add3A_166 : i32
      %dma_start3A_168 = arith.constant 4 : i32
      %dma_start3A_169 = arith.constant 0 : i32
      %dma_start3A_170 = arith.constant 0 : i32
      %dma_start3A_171 = tpu.memref_slice %arg6[%dma_start3A_168, %dma_start3A_169, %dma_start3A_170] : memref<5x80x128xf32, #tpu.memory_space<vmem>> -> memref<1x80x128xf32, #tpu.memory_space<vmem>>
      %dma_start3A_172 = tpu.memref_squeeze %dma_start3A_171 : memref<1x80x128xf32, #tpu.memory_space<vmem>> -> memref<80x128xf32, #tpu.memory_space<vmem>>
      %dma_start3A_173 = arith.constant 0 : i32
      %dma_start3A_174 = tpu.memref_slice %arg5[%add3A_167, %dma_start3A_173] : memref<125x80xi32, #tpu.memory_space<vmem>> -> memref<1x80xi32, #tpu.memory_space<vmem>>
      %dma_start3A_175 = tpu.memref_squeeze %dma_start3A_174 : memref<1x80xi32, #tpu.memory_space<vmem>> -> memref<80xi32, #tpu.memory_space<vmem>>
      %dma_start3A_176 = arith.constant 0 : i32
      %dma_start3A_177 = arith.constant 0 : i32
      %dma_start3A_178 = tpu.memref_slice %arg2[%dma_start3A_176, %dma_start3A_177] : memref<10000x128xf32, #tpu.memory_space<hbm>> -> memref<10000x128xf32, #tpu.memory_space<hbm>>
      tpu.enqueue_indirect_dma source(%dma_start3A_178 : memref<10000x128xf32, #tpu.memory_space<hbm>>) target(%dma_start3A_172 : memref<80x128xf32, #tpu.memory_space<vmem>>) offsets(%dma_start3A_175 : memref<80xi32, #tpu.memory_space<vmem>>) semaphore(%arg11 : memref<!tpu.dma_semaphore, #tpu.memory_space<semaphore_mem>>)
      %dma_wait3A_179 = arith.constant 0 : i32
      %dma_wait3A_180 = arith.constant 0 : i32
      %dma_wait3A_181 = arith.constant 0 : i32
      %dma_wait3A_182 = tpu.memref_slice %arg6[%dma_wait3A_179, %dma_wait3A_180, %dma_wait3A_181] : memref<5x80x128xf32, #tpu.memory_space<vmem>> -> memref<1x80x128xf32, #tpu.memory_space<vmem>>
      %dma_wait3A_183 = tpu.memref_squeeze %dma_wait3A_182 : memref<1x80x128xf32, #tpu.memory_space<vmem>> -> memref<80x128xf32, #tpu.memory_space<vmem>>
      %dma_wait3A_184 = arith.constant 0 : i32
      %dma_wait3A_185 = tpu.memref_slice %arg5[%add3A_88, %dma_wait3A_184] : memref<125x80xi32, #tpu.memory_space<vmem>> -> memref<1x80xi32, #tpu.memory_space<vmem>>
      %dma_wait3A_186 = tpu.memref_squeeze %dma_wait3A_185 : memref<1x80xi32, #tpu.memory_space<vmem>> -> memref<80xi32, #tpu.memory_space<vmem>>
      %dma_wait3A_187 = arith.constant 0 : i32
      %dma_wait3A_188 = arith.constant 0 : i32
      %dma_wait3A_189 = tpu.memref_slice %arg2[%dma_wait3A_187, %dma_wait3A_188] : memref<10000x128xf32, #tpu.memory_space<hbm>> -> memref<10000x128xf32, #tpu.memory_space<hbm>>
      tpu.wait_indirect_dma semaphore(%arg7 : memref<!tpu.dma_semaphore, #tpu.memory_space<semaphore_mem>>) src(%dma_wait3A_189 : memref<10000x128xf32, #tpu.memory_space<hbm>>) dst(%dma_wait3A_183 : memref<80x128xf32, #tpu.memory_space<vmem>>)
      %mul3A_190 = arith.constant 5 : i32
      %mul3A_191 = arith.muli %scan3A_82, %mul3A_190 : i32
      %add3A_192 = arith.constant 0 : i32
      %add3A_193 = arith.addi %mul3A_191, %add3A_192 : i32
      %mul3A_194 = arith.constant 80 : i32
      %mul3A_195 = arith.muli %add3A_193, %mul3A_194 : i32
      %add3A_196 = arith.addi %mul3A_2, %mul3A_195 : i32
      %dma_start3A_197 = arith.constant 0 : i32
      %dma_start3A_198 = arith.constant 0 : i32
      %dma_start3A_199 = arith.constant 0 : i32
      %dma_start3A_200 = tpu.memref_slice %arg6[%dma_start3A_197, %dma_start3A_198, %dma_start3A_199] : memref<5x80x128xf32, #tpu.memory_space<vmem>> -> memref<1x80x128xf32, #tpu.memory_space<vmem>>
      %dma_start3A_201 = tpu.memref_squeeze %dma_start3A_200 : memref<1x80x128xf32, #tpu.memory_space<vmem>> -> memref<80x128xf32, #tpu.memory_space<vmem>>
      %dma_start3A_202 = arith.constant 0 : i32
      %dma_start3A_203 = tpu.memref_slice %arg4[%add3A_196, %dma_start3A_202] : memref<320000x128xf32, #tpu.memory_space<hbm>> -> memref<80x128xf32, #tpu.memory_space<hbm>>
      %dma_start3A_204 = arith.constant 0 : i32
      %dma_start3A_205 = tpu.memref_slice %arg4[%add3A_196, %dma_start3A_204] : memref<320000x128xf32, #tpu.memory_space<hbm>> -> memref<80x128xf32, #tpu.memory_space<hbm>>
      %dma_start3A_206 = arith.constant 0 : i32
      %dma_start3A_207 = arith.constant 0 : i32
      %dma_start3A_208 = tpu.memref_slice %arg6[%dma_start3A_197, %dma_start3A_206, %dma_start3A_207] : memref<5x80x128xf32, #tpu.memory_space<vmem>> -> memref<1x80x128xf32, #tpu.memory_space<vmem>>
      %dma_start3A_209 = tpu.memref_squeeze %dma_start3A_208 : memref<1x80x128xf32, #tpu.memory_space<vmem>> -> memref<80x128xf32, #tpu.memory_space<vmem>>
      tpu.enqueue_dma source(%dma_start3A_209 : memref<80x128xf32, #tpu.memory_space<vmem>>) target(%dma_start3A_205 : memref<80x128xf32, #tpu.memory_space<hbm>>) target_semaphore(%arg12 : memref<!tpu.dma_semaphore, #tpu.memory_space<semaphore_mem>>)
      %dma_wait3A_210 = arith.constant 1 : i32
      %dma_wait3A_211 = arith.constant 0 : i32
      %dma_wait3A_212 = arith.constant 0 : i32
      %dma_wait3A_213 = tpu.memref_slice %arg6[%dma_wait3A_210, %dma_wait3A_211, %dma_wait3A_212] : memref<5x80x128xf32, #tpu.memory_space<vmem>> -> memref<1x80x128xf32, #tpu.memory_space<vmem>>
      %dma_wait3A_214 = tpu.memref_squeeze %dma_wait3A_213 : memref<1x80x128xf32, #tpu.memory_space<vmem>> -> memref<80x128xf32, #tpu.memory_space<vmem>>
      %dma_wait3A_215 = arith.constant 0 : i32
      %dma_wait3A_216 = tpu.memref_slice %arg5[%add3A_107, %dma_wait3A_215] : memref<125x80xi32, #tpu.memory_space<vmem>> -> memref<1x80xi32, #tpu.memory_space<vmem>>
      %dma_wait3A_217 = tpu.memref_squeeze %dma_wait3A_216 : memref<1x80xi32, #tpu.memory_space<vmem>> -> memref<80xi32, #tpu.memory_space<vmem>>
      %dma_wait3A_218 = arith.constant 0 : i32
      %dma_wait3A_219 = arith.constant 0 : i32
      %dma_wait3A_220 = tpu.memref_slice %arg2[%dma_wait3A_218, %dma_wait3A_219] : memref<10000x128xf32, #tpu.memory_space<hbm>> -> memref<10000x128xf32, #tpu.memory_space<hbm>>
      tpu.wait_indirect_dma semaphore(%arg8 : memref<!tpu.dma_semaphore, #tpu.memory_space<semaphore_mem>>) src(%dma_wait3A_220 : memref<10000x128xf32, #tpu.memory_space<hbm>>) dst(%dma_wait3A_214 : memref<80x128xf32, #tpu.memory_space<vmem>>)
      %mul3A_221 = arith.constant 5 : i32
      %mul3A_222 = arith.muli %scan3A_82, %mul3A_221 : i32
      %add3A_223 = arith.constant 1 : i32
      %add3A_224 = arith.addi %mul3A_222, %add3A_223 : i32
      %mul3A_225 = arith.constant 80 : i32
      %mul3A_226 = arith.muli %add3A_224, %mul3A_225 : i32
      %add3A_227 = arith.addi %mul3A_2, %mul3A_226 : i32
      %dma_start3A_228 = arith.constant 1 : i32
      %dma_start3A_229 = arith.constant 0 : i32
      %dma_start3A_230 = arith.constant 0 : i32
      %dma_start3A_231 = tpu.memref_slice %arg6[%dma_start3A_228, %dma_start3A_229, %dma_start3A_230] : memref<5x80x128xf32, #tpu.memory_space<vmem>> -> memref<1x80x128xf32, #tpu.memory_space<vmem>>
      %dma_start3A_232 = tpu.memref_squeeze %dma_start3A_231 : memref<1x80x128xf32, #tpu.memory_space<vmem>> -> memref<80x128xf32, #tpu.memory_space<vmem>>
      %dma_start3A_233 = arith.constant 0 : i32
      %dma_start3A_234 = tpu.memref_slice %arg4[%add3A_227, %dma_start3A_233] : memref<320000x128xf32, #tpu.memory_space<hbm>> -> memref<80x128xf32, #tpu.memory_space<hbm>>
      %dma_start3A_235 = arith.constant 0 : i32
      %dma_start3A_236 = tpu.memref_slice %arg4[%add3A_227, %dma_start3A_235] : memref<320000x128xf32, #tpu.memory_space<hbm>> -> memref<80x128xf32, #tpu.memory_space<hbm>>
      %dma_start3A_237 = arith.constant 0 : i32
      %dma_start3A_238 = arith.constant 0 : i32
      %dma_start3A_239 = tpu.memref_slice %arg6[%dma_start3A_228, %dma_start3A_237, %dma_start3A_238] : memref<5x80x128xf32, #tpu.memory_space<vmem>> -> memref<1x80x128xf32, #tpu.memory_space<vmem>>
      %dma_start3A_240 = tpu.memref_squeeze %dma_start3A_239 : memref<1x80x128xf32, #tpu.memory_space<vmem>> -> memref<80x128xf32, #tpu.memory_space<vmem>>
      tpu.enqueue_dma source(%dma_start3A_240 : memref<80x128xf32, #tpu.memory_space<vmem>>) target(%dma_start3A_236 : memref<80x128xf32, #tpu.memory_space<hbm>>) target_semaphore(%arg13 : memref<!tpu.dma_semaphore, #tpu.memory_space<semaphore_mem>>)
      %dma_wait3A_241 = arith.constant 2 : i32
      %dma_wait3A_242 = arith.constant 0 : i32
      %dma_wait3A_243 = arith.constant 0 : i32
      %dma_wait3A_244 = tpu.memref_slice %arg6[%dma_wait3A_241, %dma_wait3A_242, %dma_wait3A_243] : memref<5x80x128xf32, #tpu.memory_space<vmem>> -> memref<1x80x128xf32, #tpu.memory_space<vmem>>
      %dma_wait3A_245 = tpu.memref_squeeze %dma_wait3A_244 : memref<1x80x128xf32, #tpu.memory_space<vmem>> -> memref<80x128xf32, #tpu.memory_space<vmem>>
      %dma_wait3A_246 = arith.constant 0 : i32
      %dma_wait3A_247 = tpu.memref_slice %arg5[%add3A_127, %dma_wait3A_246] : memref<125x80xi32, #tpu.memory_space<vmem>> -> memref<1x80xi32, #tpu.memory_space<vmem>>
      %dma_wait3A_248 = tpu.memref_squeeze %dma_wait3A_247 : memref<1x80xi32, #tpu.memory_space<vmem>> -> memref<80xi32, #tpu.memory_space<vmem>>
      %dma_wait3A_249 = arith.constant 0 : i32
      %dma_wait3A_250 = arith.constant 0 : i32
      %dma_wait3A_251 = tpu.memref_slice %arg2[%dma_wait3A_249, %dma_wait3A_250] : memref<10000x128xf32, #tpu.memory_space<hbm>> -> memref<10000x128xf32, #tpu.memory_space<hbm>>
      tpu.wait_indirect_dma semaphore(%arg9 : memref<!tpu.dma_semaphore, #tpu.memory_space<semaphore_mem>>) src(%dma_wait3A_251 : memref<10000x128xf32, #tpu.memory_space<hbm>>) dst(%dma_wait3A_245 : memref<80x128xf32, #tpu.memory_space<vmem>>)
      %mul3A_252 = arith.constant 5 : i32
      %mul3A_253 = arith.muli %scan3A_82, %mul3A_252 : i32
      %add3A_254 = arith.constant 2 : i32
      %add3A_255 = arith.addi %mul3A_253, %add3A_254 : i32
      %mul3A_256 = arith.constant 80 : i32
      %mul3A_257 = arith.muli %add3A_255, %mul3A_256 : i32
      %add3A_258 = arith.addi %mul3A_2, %mul3A_257 : i32
      %dma_start3A_259 = arith.constant 2 : i32
      %dma_start3A_260 = arith.constant 0 : i32
      %dma_start3A_261 = arith.constant 0 : i32
      %dma_start3A_262 = tpu.memref_slice %arg6[%dma_start3A_259, %dma_start3A_260, %dma_start3A_261] : memref<5x80x128xf32, #tpu.memory_space<vmem>> -> memref<1x80x128xf32, #tpu.memory_space<vmem>>
      %dma_start3A_263 = tpu.memref_squeeze %dma_start3A_262 : memref<1x80x128xf32, #tpu.memory_space<vmem>> -> memref<80x128xf32, #tpu.memory_space<vmem>>
      %dma_start3A_264 = arith.constant 0 : i32
      %dma_start3A_265 = tpu.memref_slice %arg4[%add3A_258, %dma_start3A_264] : memref<320000x128xf32, #tpu.memory_space<hbm>> -> memref<80x128xf32, #tpu.memory_space<hbm>>
      %dma_start3A_266 = arith.constant 0 : i32
      %dma_start3A_267 = tpu.memref_slice %arg4[%add3A_258, %dma_start3A_266] : memref<320000x128xf32, #tpu.memory_space<hbm>> -> memref<80x128xf32, #tpu.memory_space<hbm>>
      %dma_start3A_268 = arith.constant 0 : i32
      %dma_start3A_269 = arith.constant 0 : i32
      %dma_start3A_270 = tpu.memref_slice %arg6[%dma_start3A_259, %dma_start3A_268, %dma_start3A_269] : memref<5x80x128xf32, #tpu.memory_space<vmem>> -> memref<1x80x128xf32, #tpu.memory_space<vmem>>
      %dma_start3A_271 = tpu.memref_squeeze %dma_start3A_270 : memref<1x80x128xf32, #tpu.memory_space<vmem>> -> memref<80x128xf32, #tpu.memory_space<vmem>>
      tpu.enqueue_dma source(%dma_start3A_271 : memref<80x128xf32, #tpu.memory_space<vmem>>) target(%dma_start3A_267 : memref<80x128xf32, #tpu.memory_space<hbm>>) target_semaphore(%arg14 : memref<!tpu.dma_semaphore, #tpu.memory_space<semaphore_mem>>)
      %dma_wait3A_272 = arith.constant 3 : i32
      %dma_wait3A_273 = arith.constant 0 : i32
      %dma_wait3A_274 = arith.constant 0 : i32
      %dma_wait3A_275 = tpu.memref_slice %arg6[%dma_wait3A_272, %dma_wait3A_273, %dma_wait3A_274] : memref<5x80x128xf32, #tpu.memory_space<vmem>> -> memref<1x80x128xf32, #tpu.memory_space<vmem>>
      %dma_wait3A_276 = tpu.memref_squeeze %dma_wait3A_275 : memref<1x80x128xf32, #tpu.memory_space<vmem>> -> memref<80x128xf32, #tpu.memory_space<vmem>>
      %dma_wait3A_277 = arith.constant 0 : i32
      %dma_wait3A_278 = tpu.memref_slice %arg5[%add3A_147, %dma_wait3A_277] : memref<125x80xi32, #tpu.memory_space<vmem>> -> memref<1x80xi32, #tpu.memory_space<vmem>>
      %dma_wait3A_279 = tpu.memref_squeeze %dma_wait3A_278 : memref<1x80xi32, #tpu.memory_space<vmem>> -> memref<80xi32, #tpu.memory_space<vmem>>
      %dma_wait3A_280 = arith.constant 0 : i32
      %dma_wait3A_281 = arith.constant 0 : i32
      %dma_wait3A_282 = tpu.memref_slice %arg2[%dma_wait3A_280, %dma_wait3A_281] : memref<10000x128xf32, #tpu.memory_space<hbm>> -> memref<10000x128xf32, #tpu.memory_space<hbm>>
      tpu.wait_indirect_dma semaphore(%arg10 : memref<!tpu.dma_semaphore, #tpu.memory_space<semaphore_mem>>) src(%dma_wait3A_282 : memref<10000x128xf32, #tpu.memory_space<hbm>>) dst(%dma_wait3A_276 : memref<80x128xf32, #tpu.memory_space<vmem>>)
      %mul3A_283 = arith.constant 5 : i32
      %mul3A_284 = arith.muli %scan3A_82, %mul3A_283 : i32
      %add3A_285 = arith.constant 3 : i32
      %add3A_286 = arith.addi %mul3A_284, %add3A_285 : i32
      %mul3A_287 = arith.constant 80 : i32
      %mul3A_288 = arith.muli %add3A_286, %mul3A_287 : i32
      %add3A_289 = arith.addi %mul3A_2, %mul3A_288 : i32
      %dma_start3A_290 = arith.constant 3 : i32
      %dma_start3A_291 = arith.constant 0 : i32
      %dma_start3A_292 = arith.constant 0 : i32
      %dma_start3A_293 = tpu.memref_slice %arg6[%dma_start3A_290, %dma_start3A_291, %dma_start3A_292] : memref<5x80x128xf32, #tpu.memory_space<vmem>> -> memref<1x80x128xf32, #tpu.memory_space<vmem>>
      %dma_start3A_294 = tpu.memref_squeeze %dma_start3A_293 : memref<1x80x128xf32, #tpu.memory_space<vmem>> -> memref<80x128xf32, #tpu.memory_space<vmem>>
      %dma_start3A_295 = arith.constant 0 : i32
      %dma_start3A_296 = tpu.memref_slice %arg4[%add3A_289, %dma_start3A_295] : memref<320000x128xf32, #tpu.memory_space<hbm>> -> memref<80x128xf32, #tpu.memory_space<hbm>>
      %dma_start3A_297 = arith.constant 0 : i32
      %dma_start3A_298 = tpu.memref_slice %arg4[%add3A_289, %dma_start3A_297] : memref<320000x128xf32, #tpu.memory_space<hbm>> -> memref<80x128xf32, #tpu.memory_space<hbm>>
      %dma_start3A_299 = arith.constant 0 : i32
      %dma_start3A_300 = arith.constant 0 : i32
      %dma_start3A_301 = tpu.memref_slice %arg6[%dma_start3A_290, %dma_start3A_299, %dma_start3A_300] : memref<5x80x128xf32, #tpu.memory_space<vmem>> -> memref<1x80x128xf32, #tpu.memory_space<vmem>>
      %dma_start3A_302 = tpu.memref_squeeze %dma_start3A_301 : memref<1x80x128xf32, #tpu.memory_space<vmem>> -> memref<80x128xf32, #tpu.memory_space<vmem>>
      tpu.enqueue_dma source(%dma_start3A_302 : memref<80x128xf32, #tpu.memory_space<vmem>>) target(%dma_start3A_298 : memref<80x128xf32, #tpu.memory_space<hbm>>) target_semaphore(%arg15 : memref<!tpu.dma_semaphore, #tpu.memory_space<semaphore_mem>>)
      %dma_wait3A_303 = arith.constant 4 : i32
      %dma_wait3A_304 = arith.constant 0 : i32
      %dma_wait3A_305 = arith.constant 0 : i32
      %dma_wait3A_306 = tpu.memref_slice %arg6[%dma_wait3A_303, %dma_wait3A_304, %dma_wait3A_305] : memref<5x80x128xf32, #tpu.memory_space<vmem>> -> memref<1x80x128xf32, #tpu.memory_space<vmem>>
      %dma_wait3A_307 = tpu.memref_squeeze %dma_wait3A_306 : memref<1x80x128xf32, #tpu.memory_space<vmem>> -> memref<80x128xf32, #tpu.memory_space<vmem>>
      %dma_wait3A_308 = arith.constant 0 : i32
      %dma_wait3A_309 = tpu.memref_slice %arg5[%add3A_167, %dma_wait3A_308] : memref<125x80xi32, #tpu.memory_space<vmem>> -> memref<1x80xi32, #tpu.memory_space<vmem>>
      %dma_wait3A_310 = tpu.memref_squeeze %dma_wait3A_309 : memref<1x80xi32, #tpu.memory_space<vmem>> -> memref<80xi32, #tpu.memory_space<vmem>>
      %dma_wait3A_311 = arith.constant 0 : i32
      %dma_wait3A_312 = arith.constant 0 : i32
      %dma_wait3A_313 = tpu.memref_slice %arg2[%dma_wait3A_311, %dma_wait3A_312] : memref<10000x128xf32, #tpu.memory_space<hbm>> -> memref<10000x128xf32, #tpu.memory_space<hbm>>
      tpu.wait_indirect_dma semaphore(%arg11 : memref<!tpu.dma_semaphore, #tpu.memory_space<semaphore_mem>>) src(%dma_wait3A_313 : memref<10000x128xf32, #tpu.memory_space<hbm>>) dst(%dma_wait3A_307 : memref<80x128xf32, #tpu.memory_space<vmem>>)
      %mul3A_314 = arith.constant 5 : i32
      %mul3A_315 = arith.muli %scan3A_82, %mul3A_314 : i32
      %add3A_316 = arith.constant 4 : i32
      %add3A_317 = arith.addi %mul3A_315, %add3A_316 : i32
      %mul3A_318 = arith.constant 80 : i32
      %mul3A_319 = arith.muli %add3A_317, %mul3A_318 : i32
      %add3A_320 = arith.addi %mul3A_2, %mul3A_319 : i32
      %dma_start3A_321 = arith.constant 4 : i32
      %dma_start3A_322 = arith.constant 0 : i32
      %dma_start3A_323 = arith.constant 0 : i32
      %dma_start3A_324 = tpu.memref_slice %arg6[%dma_start3A_321, %dma_start3A_322, %dma_start3A_323] : memref<5x80x128xf32, #tpu.memory_space<vmem>> -> memref<1x80x128xf32, #tpu.memory_space<vmem>>
      %dma_start3A_325 = tpu.memref_squeeze %dma_start3A_324 : memref<1x80x128xf32, #tpu.memory_space<vmem>> -> memref<80x128xf32, #tpu.memory_space<vmem>>
      %dma_start3A_326 = arith.constant 0 : i32
      %dma_start3A_327 = tpu.memref_slice %arg4[%add3A_320, %dma_start3A_326] : memref<320000x128xf32, #tpu.memory_space<hbm>> -> memref<80x128xf32, #tpu.memory_space<hbm>>
      %dma_start3A_328 = arith.constant 0 : i32
      %dma_start3A_329 = tpu.memref_slice %arg4[%add3A_320, %dma_start3A_328] : memref<320000x128xf32, #tpu.memory_space<hbm>> -> memref<80x128xf32, #tpu.memory_space<hbm>>
      %dma_start3A_330 = arith.constant 0 : i32
      %dma_start3A_331 = arith.constant 0 : i32
      %dma_start3A_332 = tpu.memref_slice %arg6[%dma_start3A_321, %dma_start3A_330, %dma_start3A_331] : memref<5x80x128xf32, #tpu.memory_space<vmem>> -> memref<1x80x128xf32, #tpu.memory_space<vmem>>
      %dma_start3A_333 = tpu.memref_squeeze %dma_start3A_332 : memref<1x80x128xf32, #tpu.memory_space<vmem>> -> memref<80x128xf32, #tpu.memory_space<vmem>>
      tpu.enqueue_dma source(%dma_start3A_333 : memref<80x128xf32, #tpu.memory_space<vmem>>) target(%dma_start3A_329 : memref<80x128xf32, #tpu.memory_space<hbm>>) target_semaphore(%arg16 : memref<!tpu.dma_semaphore, #tpu.memory_space<semaphore_mem>>)
    }
    %scan3A_7 = arith.constant 25 : i32
    %dma_wait3A = arith.constant 0 : i32
    %dma_wait3A_8 = arith.constant 0 : i32
    %dma_wait3A_9 = arith.constant 0 : i32
    %dma_wait3A_10 = tpu.memref_slice %arg6[%dma_wait3A, %dma_wait3A_8, %dma_wait3A_9] : memref<5x80x128xf32, #tpu.memory_space<vmem>> -> memref<1x80x128xf32, #tpu.memory_space<vmem>>
    %dma_wait3A_11 = tpu.memref_squeeze %dma_wait3A_10 : memref<1x80x128xf32, #tpu.memory_space<vmem>> -> memref<80x128xf32, #tpu.memory_space<vmem>>
    %dma_wait3A_12 = arith.constant 0 : i32
    %dma_wait3A_13 = arith.constant 0 : i32
    %dma_wait3A_14 = tpu.memref_slice %arg4[%dma_wait3A_12, %dma_wait3A_13] : memref<320000x128xf32, #tpu.memory_space<hbm>> -> memref<80x128xf32, #tpu.memory_space<hbm>>
    %dma_wait3A_15 = arith.constant 0 : i32
    %dma_wait3A_16 = arith.constant 0 : i32
    %dma_wait3A_17 = tpu.memref_slice %arg4[%dma_wait3A_15, %dma_wait3A_16] : memref<320000x128xf32, #tpu.memory_space<hbm>> -> memref<80x128xf32, #tpu.memory_space<hbm>>
    %dma_wait3A_18 = arith.constant 0 : i32
    %dma_wait3A_19 = arith.constant 0 : i32
    %dma_wait3A_20 = tpu.memref_slice %arg6[%dma_wait3A, %dma_wait3A_18, %dma_wait3A_19] : memref<5x80x128xf32, #tpu.memory_space<vmem>> -> memref<1x80x128xf32, #tpu.memory_space<vmem>>
    %dma_wait3A_21 = tpu.memref_squeeze %dma_wait3A_20 : memref<1x80x128xf32, #tpu.memory_space<vmem>> -> memref<80x128xf32, #tpu.memory_space<vmem>>
    tpu.wait_dma2 semaphore(%arg12 : memref<!tpu.dma_semaphore, #tpu.memory_space<semaphore_mem>>) src(%dma_wait3A_21 : memref<80x128xf32, #tpu.memory_space<vmem>>) dst(%dma_wait3A_17 : memref<80x128xf32, #tpu.memory_space<hbm>>)
    %dma_wait3A_22 = arith.constant 1 : i32
    %dma_wait3A_23 = arith.constant 0 : i32
    %dma_wait3A_24 = arith.constant 0 : i32
    %dma_wait3A_25 = tpu.memref_slice %arg6[%dma_wait3A_22, %dma_wait3A_23, %dma_wait3A_24] : memref<5x80x128xf32, #tpu.memory_space<vmem>> -> memref<1x80x128xf32, #tpu.memory_space<vmem>>
    %dma_wait3A_26 = tpu.memref_squeeze %dma_wait3A_25 : memref<1x80x128xf32, #tpu.memory_space<vmem>> -> memref<80x128xf32, #tpu.memory_space<vmem>>
    %dma_wait3A_27 = arith.constant 0 : i32
    %dma_wait3A_28 = arith.constant 0 : i32
    %dma_wait3A_29 = tpu.memref_slice %arg4[%dma_wait3A_27, %dma_wait3A_28] : memref<320000x128xf32, #tpu.memory_space<hbm>> -> memref<80x128xf32, #tpu.memory_space<hbm>>
    %dma_wait3A_30 = arith.constant 0 : i32
    %dma_wait3A_31 = arith.constant 0 : i32
    %dma_wait3A_32 = tpu.memref_slice %arg4[%dma_wait3A_30, %dma_wait3A_31] : memref<320000x128xf32, #tpu.memory_space<hbm>> -> memref<80x128xf32, #tpu.memory_space<hbm>>
    %dma_wait3A_33 = arith.constant 0 : i32
    %dma_wait3A_34 = arith.constant 0 : i32
    %dma_wait3A_35 = tpu.memref_slice %arg6[%dma_wait3A_22, %dma_wait3A_33, %dma_wait3A_34] : memref<5x80x128xf32, #tpu.memory_space<vmem>> -> memref<1x80x128xf32, #tpu.memory_space<vmem>>
    %dma_wait3A_36 = tpu.memref_squeeze %dma_wait3A_35 : memref<1x80x128xf32, #tpu.memory_space<vmem>> -> memref<80x128xf32, #tpu.memory_space<vmem>>
    tpu.wait_dma2 semaphore(%arg13 : memref<!tpu.dma_semaphore, #tpu.memory_space<semaphore_mem>>) src(%dma_wait3A_36 : memref<80x128xf32, #tpu.memory_space<vmem>>) dst(%dma_wait3A_32 : memref<80x128xf32, #tpu.memory_space<hbm>>)
    %dma_wait3A_37 = arith.constant 2 : i32
    %dma_wait3A_38 = arith.constant 0 : i32
    %dma_wait3A_39 = arith.constant 0 : i32
    %dma_wait3A_40 = tpu.memref_slice %arg6[%dma_wait3A_37, %dma_wait3A_38, %dma_wait3A_39] : memref<5x80x128xf32, #tpu.memory_space<vmem>> -> memref<1x80x128xf32, #tpu.memory_space<vmem>>
    %dma_wait3A_41 = tpu.memref_squeeze %dma_wait3A_40 : memref<1x80x128xf32, #tpu.memory_space<vmem>> -> memref<80x128xf32, #tpu.memory_space<vmem>>
    %dma_wait3A_42 = arith.constant 0 : i32
    %dma_wait3A_43 = arith.constant 0 : i32
    %dma_wait3A_44 = tpu.memref_slice %arg4[%dma_wait3A_42, %dma_wait3A_43] : memref<320000x128xf32, #tpu.memory_space<hbm>> -> memref<80x128xf32, #tpu.memory_space<hbm>>
    %dma_wait3A_45 = arith.constant 0 : i32
    %dma_wait3A_46 = arith.constant 0 : i32
    %dma_wait3A_47 = tpu.memref_slice %arg4[%dma_wait3A_45, %dma_wait3A_46] : memref<320000x128xf32, #tpu.memory_space<hbm>> -> memref<80x128xf32, #tpu.memory_space<hbm>>
    %dma_wait3A_48 = arith.constant 0 : i32
    %dma_wait3A_49 = arith.constant 0 : i32
    %dma_wait3A_50 = tpu.memref_slice %arg6[%dma_wait3A_37, %dma_wait3A_48, %dma_wait3A_49] : memref<5x80x128xf32, #tpu.memory_space<vmem>> -> memref<1x80x128xf32, #tpu.memory_space<vmem>>
    %dma_wait3A_51 = tpu.memref_squeeze %dma_wait3A_50 : memref<1x80x128xf32, #tpu.memory_space<vmem>> -> memref<80x128xf32, #tpu.memory_space<vmem>>
    tpu.wait_dma2 semaphore(%arg14 : memref<!tpu.dma_semaphore, #tpu.memory_space<semaphore_mem>>) src(%dma_wait3A_51 : memref<80x128xf32, #tpu.memory_space<vmem>>) dst(%dma_wait3A_47 : memref<80x128xf32, #tpu.memory_space<hbm>>)
    %dma_wait3A_52 = arith.constant 3 : i32
    %dma_wait3A_53 = arith.constant 0 : i32
    %dma_wait3A_54 = arith.constant 0 : i32
    %dma_wait3A_55 = tpu.memref_slice %arg6[%dma_wait3A_52, %dma_wait3A_53, %dma_wait3A_54] : memref<5x80x128xf32, #tpu.memory_space<vmem>> -> memref<1x80x128xf32, #tpu.memory_space<vmem>>
    %dma_wait3A_56 = tpu.memref_squeeze %dma_wait3A_55 : memref<1x80x128xf32, #tpu.memory_space<vmem>> -> memref<80x128xf32, #tpu.memory_space<vmem>>
    %dma_wait3A_57 = arith.constant 0 : i32
    %dma_wait3A_58 = arith.constant 0 : i32
    %dma_wait3A_59 = tpu.memref_slice %arg4[%dma_wait3A_57, %dma_wait3A_58] : memref<320000x128xf32, #tpu.memory_space<hbm>> -> memref<80x128xf32, #tpu.memory_space<hbm>>
    %dma_wait3A_60 = arith.constant 0 : i32
    %dma_wait3A_61 = arith.constant 0 : i32
    %dma_wait3A_62 = tpu.memref_slice %arg4[%dma_wait3A_60, %dma_wait3A_61] : memref<320000x128xf32, #tpu.memory_space<hbm>> -> memref<80x128xf32, #tpu.memory_space<hbm>>
    %dma_wait3A_63 = arith.constant 0 : i32
    %dma_wait3A_64 = arith.constant 0 : i32
    %dma_wait3A_65 = tpu.memref_slice %arg6[%dma_wait3A_52, %dma_wait3A_63, %dma_wait3A_64] : memref<5x80x128xf32, #tpu.memory_space<vmem>> -> memref<1x80x128xf32, #tpu.memory_space<vmem>>
    %dma_wait3A_66 = tpu.memref_squeeze %dma_wait3A_65 : memref<1x80x128xf32, #tpu.memory_space<vmem>> -> memref<80x128xf32, #tpu.memory_space<vmem>>
    tpu.wait_dma2 semaphore(%arg15 : memref<!tpu.dma_semaphore, #tpu.memory_space<semaphore_mem>>) src(%dma_wait3A_66 : memref<80x128xf32, #tpu.memory_space<vmem>>) dst(%dma_wait3A_62 : memref<80x128xf32, #tpu.memory_space<hbm>>)
    %dma_wait3A_67 = arith.constant 4 : i32
    %dma_wait3A_68 = arith.constant 0 : i32
    %dma_wait3A_69 = arith.constant 0 : i32
    %dma_wait3A_70 = tpu.memref_slice %arg6[%dma_wait3A_67, %dma_wait3A_68, %dma_wait3A_69] : memref<5x80x128xf32, #tpu.memory_space<vmem>> -> memref<1x80x128xf32, #tpu.memory_space<vmem>>
    %dma_wait3A_71 = tpu.memref_squeeze %dma_wait3A_70 : memref<1x80x128xf32, #tpu.memory_space<vmem>> -> memref<80x128xf32, #tpu.memory_space<vmem>>
    %dma_wait3A_72 = arith.constant 0 : i32
    %dma_wait3A_73 = arith.constant 0 : i32
    %dma_wait3A_74 = tpu.memref_slice %arg4[%dma_wait3A_72, %dma_wait3A_73] : memref<320000x128xf32, #tpu.memory_space<hbm>> -> memref<80x128xf32, #tpu.memory_space<hbm>>
    %dma_wait3A_75 = arith.constant 0 : i32
    %dma_wait3A_76 = arith.constant 0 : i32
    %dma_wait3A_77 = tpu.memref_slice %arg4[%dma_wait3A_75, %dma_wait3A_76] : memref<320000x128xf32, #tpu.memory_space<hbm>> -> memref<80x128xf32, #tpu.memory_space<hbm>>
    %dma_wait3A_78 = arith.constant 0 : i32
    %dma_wait3A_79 = arith.constant 0 : i32
    %dma_wait3A_80 = tpu.memref_slice %arg6[%dma_wait3A_67, %dma_wait3A_78, %dma_wait3A_79] : memref<5x80x128xf32, #tpu.memory_space<vmem>> -> memref<1x80x128xf32, #tpu.memory_space<vmem>>
    %dma_wait3A_81 = tpu.memref_squeeze %dma_wait3A_80 : memref<1x80x128xf32, #tpu.memory_space<vmem>> -> memref<80x128xf32, #tpu.memory_space<vmem>>
    tpu.wait_dma2 semaphore(%arg16 : memref<!tpu.dma_semaphore, #tpu.memory_space<semaphore_mem>>) src(%dma_wait3A_81 : memref<80x128xf32, #tpu.memory_space<vmem>>) dst(%dma_wait3A_77 : memref<80x128xf32, #tpu.memory_space<hbm>>)
    return
  }
}

#map = affine_map<(d0, d1) -> (0, 0)>
#map1 = affine_map<(d0, d1) -> (0, 0, 0)>
module attributes {stable_mosaic.version = 14 : i64} {
  func.func @gk(%arg0: i32, %arg1: i32, %arg2: memref<10000x128xf32, #tpu.memory_space<hbm>>, %arg3: memref<32x125x80xi32, #tpu.memory_space<hbm>>, %arg4: memref<320000x128xf32, #tpu.memory_space<hbm>>, %arg5: memref<125x80xi32, #tpu.memory_space<vmem>>, %arg6: memref<5x80x128xf32, #tpu.memory_space<vmem>>, %arg7: memref<!tpu.dma_semaphore, #tpu.memory_space<semaphore_mem>>, %arg8: memref<!tpu.dma_semaphore, #tpu.memory_space<semaphore_mem>>, %arg9: memref<!tpu.dma_semaphore, #tpu.memory_space<semaphore_mem>>, %arg10: memref<!tpu.dma_semaphore, #tpu.memory_space<semaphore_mem>>, %arg11: memref<!tpu.dma_semaphore, #tpu.memory_space<semaphore_mem>>, %arg12: memref<!tpu.dma_semaphore, #tpu.memory_space<semaphore_mem>>, %arg13: memref<!tpu.dma_semaphore, #tpu.memory_space<semaphore_mem>>, %arg14: memref<!tpu.dma_semaphore, #tpu.memory_space<semaphore_mem>>, %arg15: memref<!tpu.dma_semaphore, #tpu.memory_space<semaphore_mem>>, %arg16: memref<!tpu.dma_semaphore, #tpu.memory_space<semaphore_mem>>) attributes {dimension_semantics = [#tpu.dimension_semantics<core_parallel>, #tpu.dimension_semantics<subcore_parallel>], iteration_bounds = array<i64: 2, 16>, scalar_prefetch = 0 : i64, scratch_operands = 12 : i64, tpu.core_type = #tpu.core_type<sc_vector_subcore>, window_params = [{transform_indices = #map}, {transform_indices = #map1}, {transform_indices = #map}]} {
    %mul3A = arith.constant 2 : i32
    %mul3A_0 = arith.muli %arg1, %mul3A : i32
    %add3A = arith.addi %mul3A_0, %arg0 : i32
    %mul3A_1 = arith.constant 10000 : i32
    %mul3A_2 = arith.muli %add3A, %mul3A_1 : i32
    "tpu.region"() ({
      %run_scoped3A = tpu.sem_alloc : memref<!tpu.dma_semaphore, #tpu.memory_space<semaphore_mem>>
      %dma_start3A = arith.constant 0 : i32
      %dma_start3A_82 = arith.constant 0 : i32
      %dma_start3A_83 = tpu.memref_slice %arg3[%add3A, %dma_start3A, %dma_start3A_82] : memref<32x125x80xi32, #tpu.memory_space<hbm>> -> memref<1x125x80xi32, #tpu.memory_space<hbm>>
      %dma_start3A_84 = tpu.memref_squeeze %dma_start3A_83 : memref<1x125x80xi32, #tpu.memory_space<hbm>> -> memref<125x80xi32, #tpu.memory_space<hbm>>
      %dma_start3A_85 = arith.constant 0 : i32
      %dma_start3A_86 = arith.constant 0 : i32
      %dma_start3A_87 = tpu.memref_slice %arg3[%add3A, %dma_start3A_85, %dma_start3A_86] : memref<32x125x80xi32, #tpu.memory_space<hbm>> -> memref<1x125x80xi32, #tpu.memory_space<hbm>>
      %dma_start3A_88 = tpu.memref_squeeze %dma_start3A_87 : memref<1x125x80xi32, #tpu.memory_space<hbm>> -> memref<125x80xi32, #tpu.memory_space<hbm>>
      tpu.enqueue_dma source(%dma_start3A_88 : memref<125x80xi32, #tpu.memory_space<hbm>>) target(%arg5 : memref<125x80xi32, #tpu.memory_space<vmem>>) target_semaphore(%run_scoped3A : memref<!tpu.dma_semaphore, #tpu.memory_space<semaphore_mem>>)
      %dma_wait3A_89 = arith.constant 0 : i32
      %dma_wait3A_90 = arith.constant 0 : i32
      %dma_wait3A_91 = tpu.memref_slice %arg3[%add3A, %dma_wait3A_89, %dma_wait3A_90] : memref<32x125x80xi32, #tpu.memory_space<hbm>> -> memref<1x125x80xi32, #tpu.memory_space<hbm>>
      %dma_wait3A_92 = tpu.memref_squeeze %dma_wait3A_91 : memref<1x125x80xi32, #tpu.memory_space<hbm>> -> memref<125x80xi32, #tpu.memory_space<hbm>>
      %dma_wait3A_93 = arith.constant 0 : i32
      %dma_wait3A_94 = arith.constant 0 : i32
      %dma_wait3A_95 = tpu.memref_slice %arg3[%add3A, %dma_wait3A_93, %dma_wait3A_94] : memref<32x125x80xi32, #tpu.memory_space<hbm>> -> memref<1x125x80xi32, #tpu.memory_space<hbm>>
      %dma_wait3A_96 = tpu.memref_squeeze %dma_wait3A_95 : memref<1x125x80xi32, #tpu.memory_space<hbm>> -> memref<125x80xi32, #tpu.memory_space<hbm>>
      tpu.wait_dma2 semaphore(%run_scoped3A : memref<!tpu.dma_semaphore, #tpu.memory_space<semaphore_mem>>) src(%dma_wait3A_96 : memref<125x80xi32, #tpu.memory_space<hbm>>) dst(%arg5 : memref<125x80xi32, #tpu.memory_space<vmem>>)
      tpu.yield
    }) : () -> ()
    %scan3A = arith.constant 0 : i32
    %scan3A_3 = arith.constant 0 : i32
    %scan3A_4 = arith.constant 25 : i32
    %scan3A_5 = arith.addi %scan3A_3, %scan3A_4 : i32
    %scan3A_6 = arith.constant 1 : i32
    scf.for %scan3A_82 = %scan3A_3 to %scan3A_5 step %scan3A_6  : i32 {
      %gt3A = arith.constant 0 : i32
      %gt3A_83 = arith.cmpi sgt, %scan3A_82, %gt3A : i32
      %convert_element_type3A = arith.extui %gt3A_83 : i1 to i32
      %cond3A = arith.constant 0 : i32
      %cond3A_84 = arith.cmpi ne, %convert_element_type3A, %cond3A : i32
      scf.if %cond3A_84 {
        %dma_wait3A_334 = arith.constant 0 : i32
        %dma_wait3A_335 = arith.constant 0 : i32
        %dma_wait3A_336 = arith.constant 0 : i32
        %dma_wait3A_337 = tpu.memref_slice %arg6[%dma_wait3A_334, %dma_wait3A_335, %dma_wait3A_336] : memref<5x80x128xf32, #tpu.memory_space<vmem>> -> memref<1x80x128xf32, #tpu.memory_space<vmem>>
        %dma_wait3A_338 = tpu.memref_squeeze %dma_wait3A_337 : memref<1x80x128xf32, #tpu.memory_space<vmem>> -> memref<80x128xf32, #tpu.memory_space<vmem>>
        %dma_wait3A_339 = arith.constant 0 : i32
        %dma_wait3A_340 = arith.constant 0 : i32
        %dma_wait3A_341 = tpu.memref_slice %arg4[%dma_wait3A_339, %dma_wait3A_340] : memref<320000x128xf32, #tpu.memory_space<hbm>> -> memref<80x128xf32, #tpu.memory_space<hbm>>
        %dma_wait3A_342 = arith.constant 0 : i32
        %dma_wait3A_343 = arith.constant 0 : i32
        %dma_wait3A_344 = tpu.memref_slice %arg4[%dma_wait3A_342, %dma_wait3A_343] : memref<320000x128xf32, #tpu.memory_space<hbm>> -> memref<80x128xf32, #tpu.memory_space<hbm>>
        %dma_wait3A_345 = arith.constant 0 : i32
        %dma_wait3A_346 = arith.constant 0 : i32
        %dma_wait3A_347 = tpu.memref_slice %arg6[%dma_wait3A_334, %dma_wait3A_345, %dma_wait3A_346] : memref<5x80x128xf32, #tpu.memory_space<vmem>> -> memref<1x80x128xf32, #tpu.memory_space<vmem>>
        %dma_wait3A_348 = tpu.memref_squeeze %dma_wait3A_347 : memref<1x80x128xf32, #tpu.memory_space<vmem>> -> memref<80x128xf32, #tpu.memory_space<vmem>>
        tpu.wait_dma2 semaphore(%arg12 : memref<!tpu.dma_semaphore, #tpu.memory_space<semaphore_mem>>) src(%dma_wait3A_348 : memref<80x128xf32, #tpu.memory_space<vmem>>) dst(%dma_wait3A_344 : memref<80x128xf32, #tpu.memory_space<hbm>>)
      } else {
      }
      %mul3A_85 = arith.constant 5 : i32
      %mul3A_86 = arith.muli %scan3A_82, %mul3A_85 : i32
      %add3A_87 = arith.constant 0 : i32
      %add3A_88 = arith.addi %mul3A_86, %add3A_87 : i32
      %dma_start3A = arith.constant 0 : i32
      %dma_start3A_89 = arith.constant 0 : i32
      %dma_start3A_90 = arith.constant 0 : i32
      %dma_start3A_91 = tpu.memref_slice %arg6[%dma_start3A, %dma_start3A_89, %dma_start3A_90] : memref<5x80x128xf32, #tpu.memory_space<vmem>> -> memref<1x80x128xf32, #tpu.memory_space<vmem>>
      %dma_start3A_92 = tpu.memref_squeeze %dma_start3A_91 : memref<1x80x128xf32, #tpu.memory_space<vmem>> -> memref<80x128xf32, #tpu.memory_space<vmem>>
      %dma_start3A_93 = arith.constant 0 : i32
      %dma_start3A_94 = tpu.memref_slice %arg5[%add3A_88, %dma_start3A_93] : memref<125x80xi32, #tpu.memory_space<vmem>> -> memref<1x80xi32, #tpu.memory_space<vmem>>
      %dma_start3A_95 = tpu.memref_squeeze %dma_start3A_94 : memref<1x80xi32, #tpu.memory_space<vmem>> -> memref<80xi32, #tpu.memory_space<vmem>>
      %dma_start3A_96 = arith.constant 0 : i32
      %dma_start3A_97 = arith.constant 0 : i32
      %dma_start3A_98 = tpu.memref_slice %arg2[%dma_start3A_96, %dma_start3A_97] : memref<10000x128xf32, #tpu.memory_space<hbm>> -> memref<10000x128xf32, #tpu.memory_space<hbm>>
      tpu.enqueue_indirect_dma source(%dma_start3A_98 : memref<10000x128xf32, #tpu.memory_space<hbm>>) target(%dma_start3A_92 : memref<80x128xf32, #tpu.memory_space<vmem>>) offsets(%dma_start3A_95 : memref<80xi32, #tpu.memory_space<vmem>>) semaphore(%arg7 : memref<!tpu.dma_semaphore, #tpu.memory_space<semaphore_mem>>)
      %gt3A_99 = arith.constant 0 : i32
      %gt3A_100 = arith.cmpi sgt, %scan3A_82, %gt3A_99 : i32
      %convert_element_type3A_101 = arith.extui %gt3A_100 : i1 to i32
      %cond3A_102 = arith.constant 0 : i32
      %cond3A_103 = arith.cmpi ne, %convert_element_type3A_101, %cond3A_102 : i32
      scf.if %cond3A_103 {
        %dma_wait3A_334 = arith.constant 1 : i32
        %dma_wait3A_335 = arith.constant 0 : i32
        %dma_wait3A_336 = arith.constant 0 : i32
        %dma_wait3A_337 = tpu.memref_slice %arg6[%dma_wait3A_334, %dma_wait3A_335, %dma_wait3A_336] : memref<5x80x128xf32, #tpu.memory_space<vmem>> -> memref<1x80x128xf32, #tpu.memory_space<vmem>>
        %dma_wait3A_338 = tpu.memref_squeeze %dma_wait3A_337 : memref<1x80x128xf32, #tpu.memory_space<vmem>> -> memref<80x128xf32, #tpu.memory_space<vmem>>
        %dma_wait3A_339 = arith.constant 0 : i32
        %dma_wait3A_340 = arith.constant 0 : i32
        %dma_wait3A_341 = tpu.memref_slice %arg4[%dma_wait3A_339, %dma_wait3A_340] : memref<320000x128xf32, #tpu.memory_space<hbm>> -> memref<80x128xf32, #tpu.memory_space<hbm>>
        %dma_wait3A_342 = arith.constant 0 : i32
        %dma_wait3A_343 = arith.constant 0 : i32
        %dma_wait3A_344 = tpu.memref_slice %arg4[%dma_wait3A_342, %dma_wait3A_343] : memref<320000x128xf32, #tpu.memory_space<hbm>> -> memref<80x128xf32, #tpu.memory_space<hbm>>
        %dma_wait3A_345 = arith.constant 0 : i32
        %dma_wait3A_346 = arith.constant 0 : i32
        %dma_wait3A_347 = tpu.memref_slice %arg6[%dma_wait3A_334, %dma_wait3A_345, %dma_wait3A_346] : memref<5x80x128xf32, #tpu.memory_space<vmem>> -> memref<1x80x128xf32, #tpu.memory_space<vmem>>
        %dma_wait3A_348 = tpu.memref_squeeze %dma_wait3A_347 : memref<1x80x128xf32, #tpu.memory_space<vmem>> -> memref<80x128xf32, #tpu.memory_space<vmem>>
        tpu.wait_dma2 semaphore(%arg13 : memref<!tpu.dma_semaphore, #tpu.memory_space<semaphore_mem>>) src(%dma_wait3A_348 : memref<80x128xf32, #tpu.memory_space<vmem>>) dst(%dma_wait3A_344 : memref<80x128xf32, #tpu.memory_space<hbm>>)
      } else {
      }
      %mul3A_104 = arith.constant 5 : i32
      %mul3A_105 = arith.muli %scan3A_82, %mul3A_104 : i32
      %add3A_106 = arith.constant 1 : i32
      %add3A_107 = arith.addi %mul3A_105, %add3A_106 : i32
      %dma_start3A_108 = arith.constant 1 : i32
      %dma_start3A_109 = arith.constant 0 : i32
      %dma_start3A_110 = arith.constant 0 : i32
      %dma_start3A_111 = tpu.memref_slice %arg6[%dma_start3A_108, %dma_start3A_109, %dma_start3A_110] : memref<5x80x128xf32, #tpu.memory_space<vmem>> -> memref<1x80x128xf32, #tpu.memory_space<vmem>>
      %dma_start3A_112 = tpu.memref_squeeze %dma_start3A_111 : memref<1x80x128xf32, #tpu.memory_space<vmem>> -> memref<80x128xf32, #tpu.memory_space<vmem>>
      %dma_start3A_113 = arith.constant 0 : i32
      %dma_start3A_114 = tpu.memref_slice %arg5[%add3A_107, %dma_start3A_113] : memref<125x80xi32, #tpu.memory_space<vmem>> -> memref<1x80xi32, #tpu.memory_space<vmem>>
      %dma_start3A_115 = tpu.memref_squeeze %dma_start3A_114 : memref<1x80xi32, #tpu.memory_space<vmem>> -> memref<80xi32, #tpu.memory_space<vmem>>
      %dma_start3A_116 = arith.constant 0 : i32
      %dma_start3A_117 = arith.constant 0 : i32
      %dma_start3A_118 = tpu.memref_slice %arg2[%dma_start3A_116, %dma_start3A_117] : memref<10000x128xf32, #tpu.memory_space<hbm>> -> memref<10000x128xf32, #tpu.memory_space<hbm>>
      tpu.enqueue_indirect_dma source(%dma_start3A_118 : memref<10000x128xf32, #tpu.memory_space<hbm>>) target(%dma_start3A_112 : memref<80x128xf32, #tpu.memory_space<vmem>>) offsets(%dma_start3A_115 : memref<80xi32, #tpu.memory_space<vmem>>) semaphore(%arg8 : memref<!tpu.dma_semaphore, #tpu.memory_space<semaphore_mem>>)
      %gt3A_119 = arith.constant 0 : i32
      %gt3A_120 = arith.cmpi sgt, %scan3A_82, %gt3A_119 : i32
      %convert_element_type3A_121 = arith.extui %gt3A_120 : i1 to i32
      %cond3A_122 = arith.constant 0 : i32
      %cond3A_123 = arith.cmpi ne, %convert_element_type3A_121, %cond3A_122 : i32
      scf.if %cond3A_123 {
        %dma_wait3A_334 = arith.constant 2 : i32
        %dma_wait3A_335 = arith.constant 0 : i32
        %dma_wait3A_336 = arith.constant 0 : i32
        %dma_wait3A_337 = tpu.memref_slice %arg6[%dma_wait3A_334, %dma_wait3A_335, %dma_wait3A_336] : memref<5x80x128xf32, #tpu.memory_space<vmem>> -> memref<1x80x128xf32, #tpu.memory_space<vmem>>
        %dma_wait3A_338 = tpu.memref_squeeze %dma_wait3A_337 : memref<1x80x128xf32, #tpu.memory_space<vmem>> -> memref<80x128xf32, #tpu.memory_space<vmem>>
        %dma_wait3A_339 = arith.constant 0 : i32
        %dma_wait3A_340 = arith.constant 0 : i32
        %dma_wait3A_341 = tpu.memref_slice %arg4[%dma_wait3A_339, %dma_wait3A_340] : memref<320000x128xf32, #tpu.memory_space<hbm>> -> memref<80x128xf32, #tpu.memory_space<hbm>>
        %dma_wait3A_342 = arith.constant 0 : i32
        %dma_wait3A_343 = arith.constant 0 : i32
        %dma_wait3A_344 = tpu.memref_slice %arg4[%dma_wait3A_342, %dma_wait3A_343] : memref<320000x128xf32, #tpu.memory_space<hbm>> -> memref<80x128xf32, #tpu.memory_space<hbm>>
        %dma_wait3A_345 = arith.constant 0 : i32
        %dma_wait3A_346 = arith.constant 0 : i32
        %dma_wait3A_347 = tpu.memref_slice %arg6[%dma_wait3A_334, %dma_wait3A_345, %dma_wait3A_346] : memref<5x80x128xf32, #tpu.memory_space<vmem>> -> memref<1x80x128xf32, #tpu.memory_space<vmem>>
        %dma_wait3A_348 = tpu.memref_squeeze %dma_wait3A_347 : memref<1x80x128xf32, #tpu.memory_space<vmem>> -> memref<80x128xf32, #tpu.memory_space<vmem>>
        tpu.wait_dma2 semaphore(%arg14 : memref<!tpu.dma_semaphore, #tpu.memory_space<semaphore_mem>>) src(%dma_wait3A_348 : memref<80x128xf32, #tpu.memory_space<vmem>>) dst(%dma_wait3A_344 : memref<80x128xf32, #tpu.memory_space<hbm>>)
      } else {
      }
      %mul3A_124 = arith.constant 5 : i32
      %mul3A_125 = arith.muli %scan3A_82, %mul3A_124 : i32
      %add3A_126 = arith.constant 2 : i32
      %add3A_127 = arith.addi %mul3A_125, %add3A_126 : i32
      %dma_start3A_128 = arith.constant 2 : i32
      %dma_start3A_129 = arith.constant 0 : i32
      %dma_start3A_130 = arith.constant 0 : i32
      %dma_start3A_131 = tpu.memref_slice %arg6[%dma_start3A_128, %dma_start3A_129, %dma_start3A_130] : memref<5x80x128xf32, #tpu.memory_space<vmem>> -> memref<1x80x128xf32, #tpu.memory_space<vmem>>
      %dma_start3A_132 = tpu.memref_squeeze %dma_start3A_131 : memref<1x80x128xf32, #tpu.memory_space<vmem>> -> memref<80x128xf32, #tpu.memory_space<vmem>>
      %dma_start3A_133 = arith.constant 0 : i32
      %dma_start3A_134 = tpu.memref_slice %arg5[%add3A_127, %dma_start3A_133] : memref<125x80xi32, #tpu.memory_space<vmem>> -> memref<1x80xi32, #tpu.memory_space<vmem>>
      %dma_start3A_135 = tpu.memref_squeeze %dma_start3A_134 : memref<1x80xi32, #tpu.memory_space<vmem>> -> memref<80xi32, #tpu.memory_space<vmem>>
      %dma_start3A_136 = arith.constant 0 : i32
      %dma_start3A_137 = arith.constant 0 : i32
      %dma_start3A_138 = tpu.memref_slice %arg2[%dma_start3A_136, %dma_start3A_137] : memref<10000x128xf32, #tpu.memory_space<hbm>> -> memref<10000x128xf32, #tpu.memory_space<hbm>>
      tpu.enqueue_indirect_dma source(%dma_start3A_138 : memref<10000x128xf32, #tpu.memory_space<hbm>>) target(%dma_start3A_132 : memref<80x128xf32, #tpu.memory_space<vmem>>) offsets(%dma_start3A_135 : memref<80xi32, #tpu.memory_space<vmem>>) semaphore(%arg9 : memref<!tpu.dma_semaphore, #tpu.memory_space<semaphore_mem>>)
      %gt3A_139 = arith.constant 0 : i32
      %gt3A_140 = arith.cmpi sgt, %scan3A_82, %gt3A_139 : i32
      %convert_element_type3A_141 = arith.extui %gt3A_140 : i1 to i32
      %cond3A_142 = arith.constant 0 : i32
      %cond3A_143 = arith.cmpi ne, %convert_element_type3A_141, %cond3A_142 : i32
      scf.if %cond3A_143 {
        %dma_wait3A_334 = arith.constant 3 : i32
        %dma_wait3A_335 = arith.constant 0 : i32
        %dma_wait3A_336 = arith.constant 0 : i32
        %dma_wait3A_337 = tpu.memref_slice %arg6[%dma_wait3A_334, %dma_wait3A_335, %dma_wait3A_336] : memref<5x80x128xf32, #tpu.memory_space<vmem>> -> memref<1x80x128xf32, #tpu.memory_space<vmem>>
        %dma_wait3A_338 = tpu.memref_squeeze %dma_wait3A_337 : memref<1x80x128xf32, #tpu.memory_space<vmem>> -> memref<80x128xf32, #tpu.memory_space<vmem>>
        %dma_wait3A_339 = arith.constant 0 : i32
        %dma_wait3A_340 = arith.constant 0 : i32
        %dma_wait3A_341 = tpu.memref_slice %arg4[%dma_wait3A_339, %dma_wait3A_340] : memref<320000x128xf32, #tpu.memory_space<hbm>> -> memref<80x128xf32, #tpu.memory_space<hbm>>
        %dma_wait3A_342 = arith.constant 0 : i32
        %dma_wait3A_343 = arith.constant 0 : i32
        %dma_wait3A_344 = tpu.memref_slice %arg4[%dma_wait3A_342, %dma_wait3A_343] : memref<320000x128xf32, #tpu.memory_space<hbm>> -> memref<80x128xf32, #tpu.memory_space<hbm>>
        %dma_wait3A_345 = arith.constant 0 : i32
        %dma_wait3A_346 = arith.constant 0 : i32
        %dma_wait3A_347 = tpu.memref_slice %arg6[%dma_wait3A_334, %dma_wait3A_345, %dma_wait3A_346] : memref<5x80x128xf32, #tpu.memory_space<vmem>> -> memref<1x80x128xf32, #tpu.memory_space<vmem>>
        %dma_wait3A_348 = tpu.memref_squeeze %dma_wait3A_347 : memref<1x80x128xf32, #tpu.memory_space<vmem>> -> memref<80x128xf32, #tpu.memory_space<vmem>>
        tpu.wait_dma2 semaphore(%arg15 : memref<!tpu.dma_semaphore, #tpu.memory_space<semaphore_mem>>) src(%dma_wait3A_348 : memref<80x128xf32, #tpu.memory_space<vmem>>) dst(%dma_wait3A_344 : memref<80x128xf32, #tpu.memory_space<hbm>>)
      } else {
      }
      %mul3A_144 = arith.constant 5 : i32
      %mul3A_145 = arith.muli %scan3A_82, %mul3A_144 : i32
      %add3A_146 = arith.constant 3 : i32
      %add3A_147 = arith.addi %mul3A_145, %add3A_146 : i32
      %dma_start3A_148 = arith.constant 3 : i32
      %dma_start3A_149 = arith.constant 0 : i32
      %dma_start3A_150 = arith.constant 0 : i32
      %dma_start3A_151 = tpu.memref_slice %arg6[%dma_start3A_148, %dma_start3A_149, %dma_start3A_150] : memref<5x80x128xf32, #tpu.memory_space<vmem>> -> memref<1x80x128xf32, #tpu.memory_space<vmem>>
      %dma_start3A_152 = tpu.memref_squeeze %dma_start3A_151 : memref<1x80x128xf32, #tpu.memory_space<vmem>> -> memref<80x128xf32, #tpu.memory_space<vmem>>
      %dma_start3A_153 = arith.constant 0 : i32
      %dma_start3A_154 = tpu.memref_slice %arg5[%add3A_147, %dma_start3A_153] : memref<125x80xi32, #tpu.memory_space<vmem>> -> memref<1x80xi32, #tpu.memory_space<vmem>>
      %dma_start3A_155 = tpu.memref_squeeze %dma_start3A_154 : memref<1x80xi32, #tpu.memory_space<vmem>> -> memref<80xi32, #tpu.memory_space<vmem>>
      %dma_start3A_156 = arith.constant 0 : i32
      %dma_start3A_157 = arith.constant 0 : i32
      %dma_start3A_158 = tpu.memref_slice %arg2[%dma_start3A_156, %dma_start3A_157] : memref<10000x128xf32, #tpu.memory_space<hbm>> -> memref<10000x128xf32, #tpu.memory_space<hbm>>
      tpu.enqueue_indirect_dma source(%dma_start3A_158 : memref<10000x128xf32, #tpu.memory_space<hbm>>) target(%dma_start3A_152 : memref<80x128xf32, #tpu.memory_space<vmem>>) offsets(%dma_start3A_155 : memref<80xi32, #tpu.memory_space<vmem>>) semaphore(%arg10 : memref<!tpu.dma_semaphore, #tpu.memory_space<semaphore_mem>>)
      %gt3A_159 = arith.constant 0 : i32
      %gt3A_160 = arith.cmpi sgt, %scan3A_82, %gt3A_159 : i32
      %convert_element_type3A_161 = arith.extui %gt3A_160 : i1 to i32
      %cond3A_162 = arith.constant 0 : i32
      %cond3A_163 = arith.cmpi ne, %convert_element_type3A_161, %cond3A_162 : i32
      scf.if %cond3A_163 {
        %dma_wait3A_334 = arith.constant 4 : i32
        %dma_wait3A_335 = arith.constant 0 : i32
        %dma_wait3A_336 = arith.constant 0 : i32
        %dma_wait3A_337 = tpu.memref_slice %arg6[%dma_wait3A_334, %dma_wait3A_335, %dma_wait3A_336] : memref<5x80x128xf32, #tpu.memory_space<vmem>> -> memref<1x80x128xf32, #tpu.memory_space<vmem>>
        %dma_wait3A_338 = tpu.memref_squeeze %dma_wait3A_337 : memref<1x80x128xf32, #tpu.memory_space<vmem>> -> memref<80x128xf32, #tpu.memory_space<vmem>>
        %dma_wait3A_339 = arith.constant 0 : i32
        %dma_wait3A_340 = arith.constant 0 : i32
        %dma_wait3A_341 = tpu.memref_slice %arg4[%dma_wait3A_339, %dma_wait3A_340] : memref<320000x128xf32, #tpu.memory_space<hbm>> -> memref<80x128xf32, #tpu.memory_space<hbm>>
        %dma_wait3A_342 = arith.constant 0 : i32
        %dma_wait3A_343 = arith.constant 0 : i32
        %dma_wait3A_344 = tpu.memref_slice %arg4[%dma_wait3A_342, %dma_wait3A_343] : memref<320000x128xf32, #tpu.memory_space<hbm>> -> memref<80x128xf32, #tpu.memory_space<hbm>>
        %dma_wait3A_345 = arith.constant 0 : i32
        %dma_wait3A_346 = arith.constant 0 : i32
        %dma_wait3A_347 = tpu.memref_slice %arg6[%dma_wait3A_334, %dma_wait3A_345, %dma_wait3A_346] : memref<5x80x128xf32, #tpu.memory_space<vmem>> -> memref<1x80x128xf32, #tpu.memory_space<vmem>>
        %dma_wait3A_348 = tpu.memref_squeeze %dma_wait3A_347 : memref<1x80x128xf32, #tpu.memory_space<vmem>> -> memref<80x128xf32, #tpu.memory_space<vmem>>
        tpu.wait_dma2 semaphore(%arg16 : memref<!tpu.dma_semaphore, #tpu.memory_space<semaphore_mem>>) src(%dma_wait3A_348 : memref<80x128xf32, #tpu.memory_space<vmem>>) dst(%dma_wait3A_344 : memref<80x128xf32, #tpu.memory_space<hbm>>)
      } else {
      }
      %mul3A_164 = arith.constant 5 : i32
      %mul3A_165 = arith.muli %scan3A_82, %mul3A_164 : i32
      %add3A_166 = arith.constant 4 : i32
      %add3A_167 = arith.addi %mul3A_165, %add3A_166 : i32
      %dma_start3A_168 = arith.constant 4 : i32
      %dma_start3A_169 = arith.constant 0 : i32
      %dma_start3A_170 = arith.constant 0 : i32
      %dma_start3A_171 = tpu.memref_slice %arg6[%dma_start3A_168, %dma_start3A_169, %dma_start3A_170] : memref<5x80x128xf32, #tpu.memory_space<vmem>> -> memref<1x80x128xf32, #tpu.memory_space<vmem>>
      %dma_start3A_172 = tpu.memref_squeeze %dma_start3A_171 : memref<1x80x128xf32, #tpu.memory_space<vmem>> -> memref<80x128xf32, #tpu.memory_space<vmem>>
      %dma_start3A_173 = arith.constant 0 : i32
      %dma_start3A_174 = tpu.memref_slice %arg5[%add3A_167, %dma_start3A_173] : memref<125x80xi32, #tpu.memory_space<vmem>> -> memref<1x80xi32, #tpu.memory_space<vmem>>
      %dma_start3A_175 = tpu.memref_squeeze %dma_start3A_174 : memref<1x80xi32, #tpu.memory_space<vmem>> -> memref<80xi32, #tpu.memory_space<vmem>>
      %dma_start3A_176 = arith.constant 0 : i32
      %dma_start3A_177 = arith.constant 0 : i32
      %dma_start3A_178 = tpu.memref_slice %arg2[%dma_start3A_176, %dma_start3A_177] : memref<10000x128xf32, #tpu.memory_space<hbm>> -> memref<10000x128xf32, #tpu.memory_space<hbm>>
      tpu.enqueue_indirect_dma source(%dma_start3A_178 : memref<10000x128xf32, #tpu.memory_space<hbm>>) target(%dma_start3A_172 : memref<80x128xf32, #tpu.memory_space<vmem>>) offsets(%dma_start3A_175 : memref<80xi32, #tpu.memory_space<vmem>>) semaphore(%arg11 : memref<!tpu.dma_semaphore, #tpu.memory_space<semaphore_mem>>)
      %dma_wait3A_179 = arith.constant 0 : i32
      %dma_wait3A_180 = arith.constant 0 : i32
      %dma_wait3A_181 = arith.constant 0 : i32
      %dma_wait3A_182 = tpu.memref_slice %arg6[%dma_wait3A_179, %dma_wait3A_180, %dma_wait3A_181] : memref<5x80x128xf32, #tpu.memory_space<vmem>> -> memref<1x80x128xf32, #tpu.memory_space<vmem>>
      %dma_wait3A_183 = tpu.memref_squeeze %dma_wait3A_182 : memref<1x80x128xf32, #tpu.memory_space<vmem>> -> memref<80x128xf32, #tpu.memory_space<vmem>>
      %dma_wait3A_184 = arith.constant 0 : i32
      %dma_wait3A_185 = tpu.memref_slice %arg5[%add3A_88, %dma_wait3A_184] : memref<125x80xi32, #tpu.memory_space<vmem>> -> memref<1x80xi32, #tpu.memory_space<vmem>>
      %dma_wait3A_186 = tpu.memref_squeeze %dma_wait3A_185 : memref<1x80xi32, #tpu.memory_space<vmem>> -> memref<80xi32, #tpu.memory_space<vmem>>
      %dma_wait3A_187 = arith.constant 0 : i32
      %dma_wait3A_188 = arith.constant 0 : i32
      %dma_wait3A_189 = tpu.memref_slice %arg2[%dma_wait3A_187, %dma_wait3A_188] : memref<10000x128xf32, #tpu.memory_space<hbm>> -> memref<10000x128xf32, #tpu.memory_space<hbm>>
      tpu.wait_indirect_dma semaphore(%arg7 : memref<!tpu.dma_semaphore, #tpu.memory_space<semaphore_mem>>) src(%dma_wait3A_189 : memref<10000x128xf32, #tpu.memory_space<hbm>>) dst(%dma_wait3A_183 : memref<80x128xf32, #tpu.memory_space<vmem>>)
      %mul3A_190 = arith.constant 5 : i32
      %mul3A_191 = arith.muli %scan3A_82, %mul3A_190 : i32
      %add3A_192 = arith.constant 0 : i32
      %add3A_193 = arith.addi %mul3A_191, %add3A_192 : i32
      %mul3A_194 = arith.constant 80 : i32
      %mul3A_195 = arith.muli %add3A_193, %mul3A_194 : i32
      %add3A_196 = arith.addi %mul3A_2, %mul3A_195 : i32
      %dma_start3A_197 = arith.constant 0 : i32
      %dma_start3A_198 = arith.constant 0 : i32
      %dma_start3A_199 = arith.constant 0 : i32
      %dma_start3A_200 = tpu.memref_slice %arg6[%dma_start3A_197, %dma_start3A_198, %dma_start3A_199] : memref<5x80x128xf32, #tpu.memory_space<vmem>> -> memref<1x80x128xf32, #tpu.memory_space<vmem>>
      %dma_start3A_201 = tpu.memref_squeeze %dma_start3A_200 : memref<1x80x128xf32, #tpu.memory_space<vmem>> -> memref<80x128xf32, #tpu.memory_space<vmem>>
      %dma_start3A_202 = arith.constant 0 : i32
      %dma_start3A_203 = tpu.memref_slice %arg4[%add3A_196, %dma_start3A_202] : memref<320000x128xf32, #tpu.memory_space<hbm>> -> memref<80x128xf32, #tpu.memory_space<hbm>>
      %dma_start3A_204 = arith.constant 0 : i32
      %dma_start3A_205 = tpu.memref_slice %arg4[%add3A_196, %dma_start3A_204] : memref<320000x128xf32, #tpu.memory_space<hbm>> -> memref<80x128xf32, #tpu.memory_space<hbm>>
      %dma_start3A_206 = arith.constant 0 : i32
      %dma_start3A_207 = arith.constant 0 : i32
      %dma_start3A_208 = tpu.memref_slice %arg6[%dma_start3A_197, %dma_start3A_206, %dma_start3A_207] : memref<5x80x128xf32, #tpu.memory_space<vmem>> -> memref<1x80x128xf32, #tpu.memory_space<vmem>>
      %dma_start3A_209 = tpu.memref_squeeze %dma_start3A_208 : memref<1x80x128xf32, #tpu.memory_space<vmem>> -> memref<80x128xf32, #tpu.memory_space<vmem>>
      tpu.enqueue_dma source(%dma_start3A_209 : memref<80x128xf32, #tpu.memory_space<vmem>>) target(%dma_start3A_205 : memref<80x128xf32, #tpu.memory_space<hbm>>) target_semaphore(%arg12 : memref<!tpu.dma_semaphore, #tpu.memory_space<semaphore_mem>>)
      %dma_wait3A_210 = arith.constant 1 : i32
      %dma_wait3A_211 = arith.constant 0 : i32
      %dma_wait3A_212 = arith.constant 0 : i32
      %dma_wait3A_213 = tpu.memref_slice %arg6[%dma_wait3A_210, %dma_wait3A_211, %dma_wait3A_212] : memref<5x80x128xf32, #tpu.memory_space<vmem>> -> memref<1x80x128xf32, #tpu.memory_space<vmem>>
      %dma_wait3A_214 = tpu.memref_squeeze %dma_wait3A_213 : memref<1x80x128xf32, #tpu.memory_space<vmem>> -> memref<80x128xf32, #tpu.memory_space<vmem>>
      %dma_wait3A_215 = arith.constant 0 : i32
      %dma_wait3A_216 = tpu.memref_slice %arg5[%add3A_107, %dma_wait3A_215] : memref<125x80xi32, #tpu.memory_space<vmem>> -> memref<1x80xi32, #tpu.memory_space<vmem>>
      %dma_wait3A_217 = tpu.memref_squeeze %dma_wait3A_216 : memref<1x80xi32, #tpu.memory_space<vmem>> -> memref<80xi32, #tpu.memory_space<vmem>>
      %dma_wait3A_218 = arith.constant 0 : i32
      %dma_wait3A_219 = arith.constant 0 : i32
      %dma_wait3A_220 = tpu.memref_slice %arg2[%dma_wait3A_218, %dma_wait3A_219] : memref<10000x128xf32, #tpu.memory_space<hbm>> -> memref<10000x128xf32, #tpu.memory_space<hbm>>
      tpu.wait_indirect_dma semaphore(%arg8 : memref<!tpu.dma_semaphore, #tpu.memory_space<semaphore_mem>>) src(%dma_wait3A_220 : memref<10000x128xf32, #tpu.memory_space<hbm>>) dst(%dma_wait3A_214 : memref<80x128xf32, #tpu.memory_space<vmem>>)
      %mul3A_221 = arith.constant 5 : i32
      %mul3A_222 = arith.muli %scan3A_82, %mul3A_221 : i32
      %add3A_223 = arith.constant 1 : i32
      %add3A_224 = arith.addi %mul3A_222, %add3A_223 : i32
      %mul3A_225 = arith.constant 80 : i32
      %mul3A_226 = arith.muli %add3A_224, %mul3A_225 : i32
      %add3A_227 = arith.addi %mul3A_2, %mul3A_226 : i32
      %dma_start3A_228 = arith.constant 1 : i32
      %dma_start3A_229 = arith.constant 0 : i32
      %dma_start3A_230 = arith.constant 0 : i32
      %dma_start3A_231 = tpu.memref_slice %arg6[%dma_start3A_228, %dma_start3A_229, %dma_start3A_230] : memref<5x80x128xf32, #tpu.memory_space<vmem>> -> memref<1x80x128xf32, #tpu.memory_space<vmem>>
      %dma_start3A_232 = tpu.memref_squeeze %dma_start3A_231 : memref<1x80x128xf32, #tpu.memory_space<vmem>> -> memref<80x128xf32, #tpu.memory_space<vmem>>
      %dma_start3A_233 = arith.constant 0 : i32
      %dma_start3A_234 = tpu.memref_slice %arg4[%add3A_227, %dma_start3A_233] : memref<320000x128xf32, #tpu.memory_space<hbm>> -> memref<80x128xf32, #tpu.memory_space<hbm>>
      %dma_start3A_235 = arith.constant 0 : i32
      %dma_start3A_236 = tpu.memref_slice %arg4[%add3A_227, %dma_start3A_235] : memref<320000x128xf32, #tpu.memory_space<hbm>> -> memref<80x128xf32, #tpu.memory_space<hbm>>
      %dma_start3A_237 = arith.constant 0 : i32
      %dma_start3A_238 = arith.constant 0 : i32
      %dma_start3A_239 = tpu.memref_slice %arg6[%dma_start3A_228, %dma_start3A_237, %dma_start3A_238] : memref<5x80x128xf32, #tpu.memory_space<vmem>> -> memref<1x80x128xf32, #tpu.memory_space<vmem>>
      %dma_start3A_240 = tpu.memref_squeeze %dma_start3A_239 : memref<1x80x128xf32, #tpu.memory_space<vmem>> -> memref<80x128xf32, #tpu.memory_space<vmem>>
      tpu.enqueue_dma source(%dma_start3A_240 : memref<80x128xf32, #tpu.memory_space<vmem>>) target(%dma_start3A_236 : memref<80x128xf32, #tpu.memory_space<hbm>>) target_semaphore(%arg13 : memref<!tpu.dma_semaphore, #tpu.memory_space<semaphore_mem>>)
      %dma_wait3A_241 = arith.constant 2 : i32
      %dma_wait3A_242 = arith.constant 0 : i32
      %dma_wait3A_243 = arith.constant 0 : i32
      %dma_wait3A_244 = tpu.memref_slice %arg6[%dma_wait3A_241, %dma_wait3A_242, %dma_wait3A_243] : memref<5x80x128xf32, #tpu.memory_space<vmem>> -> memref<1x80x128xf32, #tpu.memory_space<vmem>>
      %dma_wait3A_245 = tpu.memref_squeeze %dma_wait3A_244 : memref<1x80x128xf32, #tpu.memory_space<vmem>> -> memref<80x128xf32, #tpu.memory_space<vmem>>
      %dma_wait3A_246 = arith.constant 0 : i32
      %dma_wait3A_247 = tpu.memref_slice %arg5[%add3A_127, %dma_wait3A_246] : memref<125x80xi32, #tpu.memory_space<vmem>> -> memref<1x80xi32, #tpu.memory_space<vmem>>
      %dma_wait3A_248 = tpu.memref_squeeze %dma_wait3A_247 : memref<1x80xi32, #tpu.memory_space<vmem>> -> memref<80xi32, #tpu.memory_space<vmem>>
      %dma_wait3A_249 = arith.constant 0 : i32
      %dma_wait3A_250 = arith.constant 0 : i32
      %dma_wait3A_251 = tpu.memref_slice %arg2[%dma_wait3A_249, %dma_wait3A_250] : memref<10000x128xf32, #tpu.memory_space<hbm>> -> memref<10000x128xf32, #tpu.memory_space<hbm>>
      tpu.wait_indirect_dma semaphore(%arg9 : memref<!tpu.dma_semaphore, #tpu.memory_space<semaphore_mem>>) src(%dma_wait3A_251 : memref<10000x128xf32, #tpu.memory_space<hbm>>) dst(%dma_wait3A_245 : memref<80x128xf32, #tpu.memory_space<vmem>>)
      %mul3A_252 = arith.constant 5 : i32
      %mul3A_253 = arith.muli %scan3A_82, %mul3A_252 : i32
      %add3A_254 = arith.constant 2 : i32
      %add3A_255 = arith.addi %mul3A_253, %add3A_254 : i32
      %mul3A_256 = arith.constant 80 : i32
      %mul3A_257 = arith.muli %add3A_255, %mul3A_256 : i32
      %add3A_258 = arith.addi %mul3A_2, %mul3A_257 : i32
      %dma_start3A_259 = arith.constant 2 : i32
      %dma_start3A_260 = arith.constant 0 : i32
      %dma_start3A_261 = arith.constant 0 : i32
      %dma_start3A_262 = tpu.memref_slice %arg6[%dma_start3A_259, %dma_start3A_260, %dma_start3A_261] : memref<5x80x128xf32, #tpu.memory_space<vmem>> -> memref<1x80x128xf32, #tpu.memory_space<vmem>>
      %dma_start3A_263 = tpu.memref_squeeze %dma_start3A_262 : memref<1x80x128xf32, #tpu.memory_space<vmem>> -> memref<80x128xf32, #tpu.memory_space<vmem>>
      %dma_start3A_264 = arith.constant 0 : i32
      %dma_start3A_265 = tpu.memref_slice %arg4[%add3A_258, %dma_start3A_264] : memref<320000x128xf32, #tpu.memory_space<hbm>> -> memref<80x128xf32, #tpu.memory_space<hbm>>
      %dma_start3A_266 = arith.constant 0 : i32
      %dma_start3A_267 = tpu.memref_slice %arg4[%add3A_258, %dma_start3A_266] : memref<320000x128xf32, #tpu.memory_space<hbm>> -> memref<80x128xf32, #tpu.memory_space<hbm>>
      %dma_start3A_268 = arith.constant 0 : i32
      %dma_start3A_269 = arith.constant 0 : i32
      %dma_start3A_270 = tpu.memref_slice %arg6[%dma_start3A_259, %dma_start3A_268, %dma_start3A_269] : memref<5x80x128xf32, #tpu.memory_space<vmem>> -> memref<1x80x128xf32, #tpu.memory_space<vmem>>
      %dma_start3A_271 = tpu.memref_squeeze %dma_start3A_270 : memref<1x80x128xf32, #tpu.memory_space<vmem>> -> memref<80x128xf32, #tpu.memory_space<vmem>>
      tpu.enqueue_dma source(%dma_start3A_271 : memref<80x128xf32, #tpu.memory_space<vmem>>) target(%dma_start3A_267 : memref<80x128xf32, #tpu.memory_space<hbm>>) target_semaphore(%arg14 : memref<!tpu.dma_semaphore, #tpu.memory_space<semaphore_mem>>)
      %dma_wait3A_272 = arith.constant 3 : i32
      %dma_wait3A_273 = arith.constant 0 : i32
      %dma_wait3A_274 = arith.constant 0 : i32
      %dma_wait3A_275 = tpu.memref_slice %arg6[%dma_wait3A_272, %dma_wait3A_273, %dma_wait3A_274] : memref<5x80x128xf32, #tpu.memory_space<vmem>> -> memref<1x80x128xf32, #tpu.memory_space<vmem>>
      %dma_wait3A_276 = tpu.memref_squeeze %dma_wait3A_275 : memref<1x80x128xf32, #tpu.memory_space<vmem>> -> memref<80x128xf32, #tpu.memory_space<vmem>>
      %dma_wait3A_277 = arith.constant 0 : i32
      %dma_wait3A_278 = tpu.memref_slice %arg5[%add3A_147, %dma_wait3A_277] : memref<125x80xi32, #tpu.memory_space<vmem>> -> memref<1x80xi32, #tpu.memory_space<vmem>>
      %dma_wait3A_279 = tpu.memref_squeeze %dma_wait3A_278 : memref<1x80xi32, #tpu.memory_space<vmem>> -> memref<80xi32, #tpu.memory_space<vmem>>
      %dma_wait3A_280 = arith.constant 0 : i32
      %dma_wait3A_281 = arith.constant 0 : i32
      %dma_wait3A_282 = tpu.memref_slice %arg2[%dma_wait3A_280, %dma_wait3A_281] : memref<10000x128xf32, #tpu.memory_space<hbm>> -> memref<10000x128xf32, #tpu.memory_space<hbm>>
      tpu.wait_indirect_dma semaphore(%arg10 : memref<!tpu.dma_semaphore, #tpu.memory_space<semaphore_mem>>) src(%dma_wait3A_282 : memref<10000x128xf32, #tpu.memory_space<hbm>>) dst(%dma_wait3A_276 : memref<80x128xf32, #tpu.memory_space<vmem>>)
      %mul3A_283 = arith.constant 5 : i32
      %mul3A_284 = arith.muli %scan3A_82, %mul3A_283 : i32
      %add3A_285 = arith.constant 3 : i32
      %add3A_286 = arith.addi %mul3A_284, %add3A_285 : i32
      %mul3A_287 = arith.constant 80 : i32
      %mul3A_288 = arith.muli %add3A_286, %mul3A_287 : i32
      %add3A_289 = arith.addi %mul3A_2, %mul3A_288 : i32
      %dma_start3A_290 = arith.constant 3 : i32
      %dma_start3A_291 = arith.constant 0 : i32
      %dma_start3A_292 = arith.constant 0 : i32
      %dma_start3A_293 = tpu.memref_slice %arg6[%dma_start3A_290, %dma_start3A_291, %dma_start3A_292] : memref<5x80x128xf32, #tpu.memory_space<vmem>> -> memref<1x80x128xf32, #tpu.memory_space<vmem>>
      %dma_start3A_294 = tpu.memref_squeeze %dma_start3A_293 : memref<1x80x128xf32, #tpu.memory_space<vmem>> -> memref<80x128xf32, #tpu.memory_space<vmem>>
      %dma_start3A_295 = arith.constant 0 : i32
      %dma_start3A_296 = tpu.memref_slice %arg4[%add3A_289, %dma_start3A_295] : memref<320000x128xf32, #tpu.memory_space<hbm>> -> memref<80x128xf32, #tpu.memory_space<hbm>>
      %dma_start3A_297 = arith.constant 0 : i32
      %dma_start3A_298 = tpu.memref_slice %arg4[%add3A_289, %dma_start3A_297] : memref<320000x128xf32, #tpu.memory_space<hbm>> -> memref<80x128xf32, #tpu.memory_space<hbm>>
      %dma_start3A_299 = arith.constant 0 : i32
      %dma_start3A_300 = arith.constant 0 : i32
      %dma_start3A_301 = tpu.memref_slice %arg6[%dma_start3A_290, %dma_start3A_299, %dma_start3A_300] : memref<5x80x128xf32, #tpu.memory_space<vmem>> -> memref<1x80x128xf32, #tpu.memory_space<vmem>>
      %dma_start3A_302 = tpu.memref_squeeze %dma_start3A_301 : memref<1x80x128xf32, #tpu.memory_space<vmem>> -> memref<80x128xf32, #tpu.memory_space<vmem>>
      tpu.enqueue_dma source(%dma_start3A_302 : memref<80x128xf32, #tpu.memory_space<vmem>>) target(%dma_start3A_298 : memref<80x128xf32, #tpu.memory_space<hbm>>) target_semaphore(%arg15 : memref<!tpu.dma_semaphore, #tpu.memory_space<semaphore_mem>>)
      %dma_wait3A_303 = arith.constant 4 : i32
      %dma_wait3A_304 = arith.constant 0 : i32
      %dma_wait3A_305 = arith.constant 0 : i32
      %dma_wait3A_306 = tpu.memref_slice %arg6[%dma_wait3A_303, %dma_wait3A_304, %dma_wait3A_305] : memref<5x80x128xf32, #tpu.memory_space<vmem>> -> memref<1x80x128xf32, #tpu.memory_space<vmem>>
      %dma_wait3A_307 = tpu.memref_squeeze %dma_wait3A_306 : memref<1x80x128xf32, #tpu.memory_space<vmem>> -> memref<80x128xf32, #tpu.memory_space<vmem>>
      %dma_wait3A_308 = arith.constant 0 : i32
      %dma_wait3A_309 = tpu.memref_slice %arg5[%add3A_167, %dma_wait3A_308] : memref<125x80xi32, #tpu.memory_space<vmem>> -> memref<1x80xi32, #tpu.memory_space<vmem>>
      %dma_wait3A_310 = tpu.memref_squeeze %dma_wait3A_309 : memref<1x80xi32, #tpu.memory_space<vmem>> -> memref<80xi32, #tpu.memory_space<vmem>>
      %dma_wait3A_311 = arith.constant 0 : i32
      %dma_wait3A_312 = arith.constant 0 : i32
      %dma_wait3A_313 = tpu.memref_slice %arg2[%dma_wait3A_311, %dma_wait3A_312] : memref<10000x128xf32, #tpu.memory_space<hbm>> -> memref<10000x128xf32, #tpu.memory_space<hbm>>
      tpu.wait_indirect_dma semaphore(%arg11 : memref<!tpu.dma_semaphore, #tpu.memory_space<semaphore_mem>>) src(%dma_wait3A_313 : memref<10000x128xf32, #tpu.memory_space<hbm>>) dst(%dma_wait3A_307 : memref<80x128xf32, #tpu.memory_space<vmem>>)
      %mul3A_314 = arith.constant 5 : i32
      %mul3A_315 = arith.muli %scan3A_82, %mul3A_314 : i32
      %add3A_316 = arith.constant 4 : i32
      %add3A_317 = arith.addi %mul3A_315, %add3A_316 : i32
      %mul3A_318 = arith.constant 80 : i32
      %mul3A_319 = arith.muli %add3A_317, %mul3A_318 : i32
      %add3A_320 = arith.addi %mul3A_2, %mul3A_319 : i32
      %dma_start3A_321 = arith.constant 4 : i32
      %dma_start3A_322 = arith.constant 0 : i32
      %dma_start3A_323 = arith.constant 0 : i32
      %dma_start3A_324 = tpu.memref_slice %arg6[%dma_start3A_321, %dma_start3A_322, %dma_start3A_323] : memref<5x80x128xf32, #tpu.memory_space<vmem>> -> memref<1x80x128xf32, #tpu.memory_space<vmem>>
      %dma_start3A_325 = tpu.memref_squeeze %dma_start3A_324 : memref<1x80x128xf32, #tpu.memory_space<vmem>> -> memref<80x128xf32, #tpu.memory_space<vmem>>
      %dma_start3A_326 = arith.constant 0 : i32
      %dma_start3A_327 = tpu.memref_slice %arg4[%add3A_320, %dma_start3A_326] : memref<320000x128xf32, #tpu.memory_space<hbm>> -> memref<80x128xf32, #tpu.memory_space<hbm>>
      %dma_start3A_328 = arith.constant 0 : i32
      %dma_start3A_329 = tpu.memref_slice %arg4[%add3A_320, %dma_start3A_328] : memref<320000x128xf32, #tpu.memory_space<hbm>> -> memref<80x128xf32, #tpu.memory_space<hbm>>
      %dma_start3A_330 = arith.constant 0 : i32
      %dma_start3A_331 = arith.constant 0 : i32
      %dma_start3A_332 = tpu.memref_slice %arg6[%dma_start3A_321, %dma_start3A_330, %dma_start3A_331] : memref<5x80x128xf32, #tpu.memory_space<vmem>> -> memref<1x80x128xf32, #tpu.memory_space<vmem>>
      %dma_start3A_333 = tpu.memref_squeeze %dma_start3A_332 : memref<1x80x128xf32, #tpu.memory_space<vmem>> -> memref<80x128xf32, #tpu.memory_space<vmem>>
      tpu.enqueue_dma source(%dma_start3A_333 : memref<80x128xf32, #tpu.memory_space<vmem>>) target(%dma_start3A_329 : memref<80x128xf32, #tpu.memory_space<hbm>>) target_semaphore(%arg16 : memref<!tpu.dma_semaphore, #tpu.memory_space<semaphore_mem>>)
    }
    %scan3A_7 = arith.constant 25 : i32
    %dma_wait3A = arith.constant 0 : i32
    %dma_wait3A_8 = arith.constant 0 : i32
    %dma_wait3A_9 = arith.constant 0 : i32
    %dma_wait3A_10 = tpu.memref_slice %arg6[%dma_wait3A, %dma_wait3A_8, %dma_wait3A_9] : memref<5x80x128xf32, #tpu.memory_space<vmem>> -> memref<1x80x128xf32, #tpu.memory_space<vmem>>
    %dma_wait3A_11 = tpu.memref_squeeze %dma_wait3A_10 : memref<1x80x128xf32, #tpu.memory_space<vmem>> -> memref<80x128xf32, #tpu.memory_space<vmem>>
    %dma_wait3A_12 = arith.constant 0 : i32
    %dma_wait3A_13 = arith.constant 0 : i32
    %dma_wait3A_14 = tpu.memref_slice %arg4[%dma_wait3A_12, %dma_wait3A_13] : memref<320000x128xf32, #tpu.memory_space<hbm>> -> memref<80x128xf32, #tpu.memory_space<hbm>>
    %dma_wait3A_15 = arith.constant 0 : i32
    %dma_wait3A_16 = arith.constant 0 : i32
    %dma_wait3A_17 = tpu.memref_slice %arg4[%dma_wait3A_15, %dma_wait3A_16] : memref<320000x128xf32, #tpu.memory_space<hbm>> -> memref<80x128xf32, #tpu.memory_space<hbm>>
    %dma_wait3A_18 = arith.constant 0 : i32
    %dma_wait3A_19 = arith.constant 0 : i32
    %dma_wait3A_20 = tpu.memref_slice %arg6[%dma_wait3A, %dma_wait3A_18, %dma_wait3A_19] : memref<5x80x128xf32, #tpu.memory_space<vmem>> -> memref<1x80x128xf32, #tpu.memory_space<vmem>>
    %dma_wait3A_21 = tpu.memref_squeeze %dma_wait3A_20 : memref<1x80x128xf32, #tpu.memory_space<vmem>> -> memref<80x128xf32, #tpu.memory_space<vmem>>
    tpu.wait_dma2 semaphore(%arg12 : memref<!tpu.dma_semaphore, #tpu.memory_space<semaphore_mem>>) src(%dma_wait3A_21 : memref<80x128xf32, #tpu.memory_space<vmem>>) dst(%dma_wait3A_17 : memref<80x128xf32, #tpu.memory_space<hbm>>)
    %dma_wait3A_22 = arith.constant 1 : i32
    %dma_wait3A_23 = arith.constant 0 : i32
    %dma_wait3A_24 = arith.constant 0 : i32
    %dma_wait3A_25 = tpu.memref_slice %arg6[%dma_wait3A_22, %dma_wait3A_23, %dma_wait3A_24] : memref<5x80x128xf32, #tpu.memory_space<vmem>> -> memref<1x80x128xf32, #tpu.memory_space<vmem>>
    %dma_wait3A_26 = tpu.memref_squeeze %dma_wait3A_25 : memref<1x80x128xf32, #tpu.memory_space<vmem>> -> memref<80x128xf32, #tpu.memory_space<vmem>>
    %dma_wait3A_27 = arith.constant 0 : i32
    %dma_wait3A_28 = arith.constant 0 : i32
    %dma_wait3A_29 = tpu.memref_slice %arg4[%dma_wait3A_27, %dma_wait3A_28] : memref<320000x128xf32, #tpu.memory_space<hbm>> -> memref<80x128xf32, #tpu.memory_space<hbm>>
    %dma_wait3A_30 = arith.constant 0 : i32
    %dma_wait3A_31 = arith.constant 0 : i32
    %dma_wait3A_32 = tpu.memref_slice %arg4[%dma_wait3A_30, %dma_wait3A_31] : memref<320000x128xf32, #tpu.memory_space<hbm>> -> memref<80x128xf32, #tpu.memory_space<hbm>>
    %dma_wait3A_33 = arith.constant 0 : i32
    %dma_wait3A_34 = arith.constant 0 : i32
    %dma_wait3A_35 = tpu.memref_slice %arg6[%dma_wait3A_22, %dma_wait3A_33, %dma_wait3A_34] : memref<5x80x128xf32, #tpu.memory_space<vmem>> -> memref<1x80x128xf32, #tpu.memory_space<vmem>>
    %dma_wait3A_36 = tpu.memref_squeeze %dma_wait3A_35 : memref<1x80x128xf32, #tpu.memory_space<vmem>> -> memref<80x128xf32, #tpu.memory_space<vmem>>
    tpu.wait_dma2 semaphore(%arg13 : memref<!tpu.dma_semaphore, #tpu.memory_space<semaphore_mem>>) src(%dma_wait3A_36 : memref<80x128xf32, #tpu.memory_space<vmem>>) dst(%dma_wait3A_32 : memref<80x128xf32, #tpu.memory_space<hbm>>)
    %dma_wait3A_37 = arith.constant 2 : i32
    %dma_wait3A_38 = arith.constant 0 : i32
    %dma_wait3A_39 = arith.constant 0 : i32
    %dma_wait3A_40 = tpu.memref_slice %arg6[%dma_wait3A_37, %dma_wait3A_38, %dma_wait3A_39] : memref<5x80x128xf32, #tpu.memory_space<vmem>> -> memref<1x80x128xf32, #tpu.memory_space<vmem>>
    %dma_wait3A_41 = tpu.memref_squeeze %dma_wait3A_40 : memref<1x80x128xf32, #tpu.memory_space<vmem>> -> memref<80x128xf32, #tpu.memory_space<vmem>>
    %dma_wait3A_42 = arith.constant 0 : i32
    %dma_wait3A_43 = arith.constant 0 : i32
    %dma_wait3A_44 = tpu.memref_slice %arg4[%dma_wait3A_42, %dma_wait3A_43] : memref<320000x128xf32, #tpu.memory_space<hbm>> -> memref<80x128xf32, #tpu.memory_space<hbm>>
    %dma_wait3A_45 = arith.constant 0 : i32
    %dma_wait3A_46 = arith.constant 0 : i32
    %dma_wait3A_47 = tpu.memref_slice %arg4[%dma_wait3A_45, %dma_wait3A_46] : memref<320000x128xf32, #tpu.memory_space<hbm>> -> memref<80x128xf32, #tpu.memory_space<hbm>>
    %dma_wait3A_48 = arith.constant 0 : i32
    %dma_wait3A_49 = arith.constant 0 : i32
    %dma_wait3A_50 = tpu.memref_slice %arg6[%dma_wait3A_37, %dma_wait3A_48, %dma_wait3A_49] : memref<5x80x128xf32, #tpu.memory_space<vmem>> -> memref<1x80x128xf32, #tpu.memory_space<vmem>>
    %dma_wait3A_51 = tpu.memref_squeeze %dma_wait3A_50 : memref<1x80x128xf32, #tpu.memory_space<vmem>> -> memref<80x128xf32, #tpu.memory_space<vmem>>
    tpu.wait_dma2 semaphore(%arg14 : memref<!tpu.dma_semaphore, #tpu.memory_space<semaphore_mem>>) src(%dma_wait3A_51 : memref<80x128xf32, #tpu.memory_space<vmem>>) dst(%dma_wait3A_47 : memref<80x128xf32, #tpu.memory_space<hbm>>)
    %dma_wait3A_52 = arith.constant 3 : i32
    %dma_wait3A_53 = arith.constant 0 : i32
    %dma_wait3A_54 = arith.constant 0 : i32
    %dma_wait3A_55 = tpu.memref_slice %arg6[%dma_wait3A_52, %dma_wait3A_53, %dma_wait3A_54] : memref<5x80x128xf32, #tpu.memory_space<vmem>> -> memref<1x80x128xf32, #tpu.memory_space<vmem>>
    %dma_wait3A_56 = tpu.memref_squeeze %dma_wait3A_55 : memref<1x80x128xf32, #tpu.memory_space<vmem>> -> memref<80x128xf32, #tpu.memory_space<vmem>>
    %dma_wait3A_57 = arith.constant 0 : i32
    %dma_wait3A_58 = arith.constant 0 : i32
    %dma_wait3A_59 = tpu.memref_slice %arg4[%dma_wait3A_57, %dma_wait3A_58] : memref<320000x128xf32, #tpu.memory_space<hbm>> -> memref<80x128xf32, #tpu.memory_space<hbm>>
    %dma_wait3A_60 = arith.constant 0 : i32
    %dma_wait3A_61 = arith.constant 0 : i32
    %dma_wait3A_62 = tpu.memref_slice %arg4[%dma_wait3A_60, %dma_wait3A_61] : memref<320000x128xf32, #tpu.memory_space<hbm>> -> memref<80x128xf32, #tpu.memory_space<hbm>>
    %dma_wait3A_63 = arith.constant 0 : i32
    %dma_wait3A_64 = arith.constant 0 : i32
    %dma_wait3A_65 = tpu.memref_slice %arg6[%dma_wait3A_52, %dma_wait3A_63, %dma_wait3A_64] : memref<5x80x128xf32, #tpu.memory_space<vmem>> -> memref<1x80x128xf32, #tpu.memory_space<vmem>>
    %dma_wait3A_66 = tpu.memref_squeeze %dma_wait3A_65 : memref<1x80x128xf32, #tpu.memory_space<vmem>> -> memref<80x128xf32, #tpu.memory_space<vmem>>
    tpu.wait_dma2 semaphore(%arg15 : memref<!tpu.dma_semaphore, #tpu.memory_space<semaphore_mem>>) src(%dma_wait3A_66 : memref<80x128xf32, #tpu.memory_space<vmem>>) dst(%dma_wait3A_62 : memref<80x128xf32, #tpu.memory_space<hbm>>)
    %dma_wait3A_67 = arith.constant 4 : i32
    %dma_wait3A_68 = arith.constant 0 : i32
    %dma_wait3A_69 = arith.constant 0 : i32
    %dma_wait3A_70 = tpu.memref_slice %arg6[%dma_wait3A_67, %dma_wait3A_68, %dma_wait3A_69] : memref<5x80x128xf32, #tpu.memory_space<vmem>> -> memref<1x80x128xf32, #tpu.memory_space<vmem>>
    %dma_wait3A_71 = tpu.memref_squeeze %dma_wait3A_70 : memref<1x80x128xf32, #tpu.memory_space<vmem>> -> memref<80x128xf32, #tpu.memory_space<vmem>>
    %dma_wait3A_72 = arith.constant 0 : i32
    %dma_wait3A_73 = arith.constant 0 : i32
    %dma_wait3A_74 = tpu.memref_slice %arg4[%dma_wait3A_72, %dma_wait3A_73] : memref<320000x128xf32, #tpu.memory_space<hbm>> -> memref<80x128xf32, #tpu.memory_space<hbm>>
    %dma_wait3A_75 = arith.constant 0 : i32
    %dma_wait3A_76 = arith.constant 0 : i32
    %dma_wait3A_77 = tpu.memref_slice %arg4[%dma_wait3A_75, %dma_wait3A_76] : memref<320000x128xf32, #tpu.memory_space<hbm>> -> memref<80x128xf32, #tpu.memory_space<hbm>>
    %dma_wait3A_78 = arith.constant 0 : i32
    %dma_wait3A_79 = arith.constant 0 : i32
    %dma_wait3A_80 = tpu.memref_slice %arg6[%dma_wait3A_67, %dma_wait3A_78, %dma_wait3A_79] : memref<5x80x128xf32, #tpu.memory_space<vmem>> -> memref<1x80x128xf32, #tpu.memory_space<vmem>>
    %dma_wait3A_81 = tpu.memref_squeeze %dma_wait3A_80 : memref<1x80x128xf32, #tpu.memory_space<vmem>> -> memref<80x128xf32, #tpu.memory_space<vmem>>
    tpu.wait_dma2 semaphore(%arg16 : memref<!tpu.dma_semaphore, #tpu.memory_space<semaphore_mem>>) src(%dma_wait3A_81 : memref<80x128xf32, #tpu.memory_space<vmem>>) dst(%dma_wait3A_77 : memref<80x128xf32, #tpu.memory_space<hbm>>)
    return
  }
}

module attributes {stable_mosaic.version = 14 : i64} {
  func.func @_emb_body(%arg0: i32, %arg1: memref<1000x128xf32, #tpu.memory_space<vmem>>, %arg2: memref<128x128xf32, #tpu.memory_space<vmem>>, %arg3: memref<1x128xf32, #tpu.memory_space<vmem>>, %arg4: memref<1000x128xf32, #tpu.memory_space<vmem>>) attributes {dimension_semantics = [#tpu.dimension_semantics<arbitrary>], iteration_bounds = array<i64: 10>, scalar_prefetch = 0 : i64, scratch_operands = 0 : i64, tpu.core_type = #tpu.core_type<tc>, window_params = [{transform_indices = @transform_0, window_bounds = array<i64: 1000, 128>}, {pipeline_mode = #tpu.pipeline_mode<synchronous>, transform_indices = @transform_1, window_bounds = array<i64: 128, 128>}, {pipeline_mode = #tpu.pipeline_mode<synchronous>, transform_indices = @transform_2, window_bounds = array<i64: 1, 128>}, {transform_indices = @transform_3, window_bounds = array<i64: 1000, 128>}]} {
    %get3A = arith.constant 0 : index
    %get3A_0 = arith.constant 0 : index
    %get3A_1 = vector.load %arg1[%get3A, %get3A_0] : memref<1000x128xf32, #tpu.memory_space<vmem>>, vector<1000x128xf32>
    %get3A_2 = arith.constant 0 : index
    %get3A_3 = arith.constant 0 : index
    %get3A_4 = vector.load %arg2[%get3A_2, %get3A_3] : memref<128x128xf32, #tpu.memory_space<vmem>>, vector<128x128xf32>
    %dot_general3A = arith.constant dense<0.000000e+00> : vector<1000x128xf32>
    %dot_general3A_5 = tpu.matmul %get3A_1, %get3A_4, %dot_general3A {dimension_numbers = #tpu.dot_dimension_numbers<[1], [0], [0], [1], [0, 0, 1, 1], [], []>, transpose_lhs_hint = false} : vector<1000x128xf32>, vector<128x128xf32>, vector<1000x128xf32> -> vector<1000x128xf32>
    %get3A_6 = arith.constant 0 : index
    %get3A_7 = arith.constant 0 : index
    %get3A_8 = vector.load %arg3[%get3A_6, %get3A_7] : memref<1x128xf32, #tpu.memory_space<vmem>>, vector<1x128xf32>
    %add3A = vector.broadcast %get3A_8 : vector<1x128xf32> to vector<1000x128xf32>
    %add3A_9 = arith.addf %dot_general3A_5, %add3A : vector<1000x128xf32>
    %mul3A = arith.constant 1.44269502 : f32
    %mul3A_10 = vector.broadcast %mul3A : f32 to vector<1000x128xf32>
    %mul3A_11 = arith.mulf %add3A_9, %mul3A_10 : vector<1000x128xf32>
    %exp23A = math.exp2 %mul3A_11 : vector<1000x128xf32>
    %add3A_12 = arith.constant 1.000000e+00 : f32
    %add3A_13 = vector.broadcast %add3A_12 : f32 to vector<1000x128xf32>
    %add3A_14 = arith.addf %add3A_13, %exp23A : vector<1000x128xf32>
    %log3A = math.log %add3A_14 : vector<1000x128xf32>
    %log3A_15 = arith.constant 2.000000e+00 : f32
    %log3A_16 = math.log %log3A_15 : f32
    %div3A = vector.broadcast %log3A_16 : f32 to vector<1000x128xf32>
    %div3A_17 = arith.divf %log3A, %div3A : vector<1000x128xf32>
    %mul3A_18 = arith.constant 0.693147182 : f32
    %mul3A_19 = vector.broadcast %mul3A_18 : f32 to vector<1000x128xf32>
    %mul3A_20 = arith.mulf %div3A_17, %mul3A_19 : vector<1000x128xf32>
    %swap3A = arith.constant 0 : index
    %swap3A_21 = arith.constant 0 : index
    %swap3A_22 = vector.load %arg4[%swap3A, %swap3A_21] : memref<1000x128xf32, #tpu.memory_space<vmem>>, vector<1000x128xf32>
    tpu.vector_store %arg4[%swap3A, %swap3A_21], %mul3A_20 {strides = array<i32>} : memref<1000x128xf32, #tpu.memory_space<vmem>>, vector<1000x128xf32>,
    return
  }
  func.func @transform_0(%arg0: i32) -> (i32, i32) {
    %c0_i32 = arith.constant 0 : i32
    %c0_i32_0 = arith.constant 0 : i32
    return %arg0, %c0_i32 : i32, i32
  }
  func.func @transform_1(%arg0: i32) -> (i32, i32) {
    %c0_i32 = arith.constant 0 : i32
    %c0_i32_0 = arith.constant 0 : i32
    %c0_i32_1 = arith.constant 0 : i32
    return %c0_i32, %c0_i32_0 : i32, i32
  }
  func.func @transform_2(%arg0: i32) -> (i32, i32) {
    %c0_i32 = arith.constant 0 : i32
    %c0_i32_0 = arith.constant 0 : i32
    %c0_i32_1 = arith.constant 0 : i32
    return %c0_i32, %c0_i32_0 : i32, i32
  }
  func.func @transform_3(%arg0: i32) -> (i32, i32) {
    %c0_i32 = arith.constant 0 : i32
    %c0_i32_0 = arith.constant 0 : i32
    return %arg0, %c0_i32 : i32, i32
  }
}

module attributes {stable_mosaic.version = 14 : i64} {
  func.func @body(%arg0: i32, %arg1: memref<200x128xf32, #tpu.memory_space<vmem>>, %arg2: memref<6400x128xf32, #tpu.memory_space<vmem>>, %arg3: memref<6400x16xf32, #tpu.memory_space<vmem>>, %arg4: memref<128x60xf32, #tpu.memory_space<vmem>>, %arg5: memref<128x60xf32, #tpu.memory_space<vmem>>, %arg6: memref<16x60xf32, #tpu.memory_space<vmem>>, %arg7: memref<60x2xf32, #tpu.memory_space<vmem>>, %arg8: memref<128x128xf32, #tpu.memory_space<vmem>>, %arg9: memref<128x128xf32, #tpu.memory_space<vmem>>, %arg10: memref<16x128xf32, #tpu.memory_space<vmem>>, %arg11: memref<128x128xf32, #tpu.memory_space<vmem>>, %arg12: memref<128x128xf32, #tpu.memory_space<vmem>>, %arg13: memref<16x128xf32, #tpu.memory_space<vmem>>, %arg14: memref<200x128xf32, #tpu.memory_space<vmem>>, %arg15: memref<200x32xf32, #tpu.memory_space<vmem>>) attributes {dimension_semantics = [#tpu.dimension_semantics<arbitrary>], iteration_bounds = array<i64: 50>, scalar_prefetch = 0 : i64, scratch_operands = 0 : i64, tpu.core_type = #tpu.core_type<tc>, window_params = [{transform_indices = @transform_0, window_bounds = array<i64: 200, 128>}, {transform_indices = @transform_1, window_bounds = array<i64: 6400, 128>}, {transform_indices = @transform_2, window_bounds = array<i64: 6400, 16>}, {pipeline_mode = #tpu.pipeline_mode<synchronous>, transform_indices = @transform_3, window_bounds = array<i64: 128, 60>}, {pipeline_mode = #tpu.pipeline_mode<synchronous>, transform_indices = @transform_4, window_bounds = array<i64: 128, 60>}, {pipeline_mode = #tpu.pipeline_mode<synchronous>, transform_indices = @transform_5, window_bounds = array<i64: 16, 60>}, {pipeline_mode = #tpu.pipeline_mode<synchronous>, transform_indices = @transform_6, window_bounds = array<i64: 60, 2>}, {pipeline_mode = #tpu.pipeline_mode<synchronous>, transform_indices = @transform_7, window_bounds = array<i64: 128, 128>}, {pipeline_mode = #tpu.pipeline_mode<synchronous>, transform_indices = @transform_8, window_bounds = array<i64: 128, 128>}, {pipeline_mode = #tpu.pipeline_mode<synchronous>, transform_indices = @transform_9, window_bounds = array<i64: 16, 128>}, {pipeline_mode = #tpu.pipeline_mode<synchronous>, transform_indices = @transform_10, window_bounds = array<i64: 128, 128>}, {pipeline_mode = #tpu.pipeline_mode<synchronous>, transform_indices = @transform_11, window_bounds = array<i64: 128, 128>}, {pipeline_mode = #tpu.pipeline_mode<synchronous>, transform_indices = @transform_12, window_bounds = array<i64: 16, 128>}, {transform_indices = @transform_13, window_bounds = array<i64: 200, 128>}, {transform_indices = @transform_14, window_bounds = array<i64: 200, 32>}]} {
    %get3A = arith.constant 0 : index
    %get3A_0 = arith.constant 0 : index
    %get3A_1 = vector.load %arg1[%get3A, %get3A_0] : memref<200x128xf32, #tpu.memory_space<vmem>>, vector<200x128xf32>
    %get3A_2 = arith.constant 0 : index
    %get3A_3 = arith.constant 0 : index
    %get3A_4 = vector.load %arg2[%get3A_2, %get3A_3] : memref<6400x128xf32, #tpu.memory_space<vmem>>, vector<6400x128xf32>
    %get3A_5 = arith.constant 0 : index
    %get3A_6 = arith.constant 0 : index
    %get3A_7 = vector.load %arg3[%get3A_5, %get3A_6] : memref<6400x16xf32, #tpu.memory_space<vmem>>, vector<6400x16xf32>
    %get3A_8 = arith.constant 0 : index
    %get3A_9 = arith.constant 0 : index
    %get3A_10 = vector.load %arg5[%get3A_8, %get3A_9] : memref<128x60xf32, #tpu.memory_space<vmem>>, vector<128x60xf32>
    %dot_general3A = arith.constant dense<0.000000e+00> : vector<6400x60xf32>
    %dot_general3A_11 = tpu.matmul %get3A_4, %get3A_10, %dot_general3A {dimension_numbers = #tpu.dot_dimension_numbers<[1], [0], [0], [1], [0, 0, 1, 1], [], []>, transpose_lhs_hint = false} : vector<6400x128xf32>, vector<128x60xf32>, vector<6400x60xf32> -> vector<6400x60xf32>
    %get3A_12 = arith.constant 0 : index
    %get3A_13 = arith.constant 0 : index
    %get3A_14 = vector.load %arg6[%get3A_12, %get3A_13] : memref<16x60xf32, #tpu.memory_space<vmem>>, vector<16x60xf32>
    %dot_general3A_15 = arith.constant dense<0.000000e+00> : vector<6400x60xf32>
    %dot_general3A_16 = tpu.matmul %get3A_7, %get3A_14, %dot_general3A_15 {dimension_numbers = #tpu.dot_dimension_numbers<[1], [0], [0], [1], [0, 0, 1, 1], [], []>, transpose_lhs_hint = false} : vector<6400x16xf32>, vector<16x60xf32>, vector<6400x60xf32> -> vector<6400x60xf32>
    %add3A = arith.addf %dot_general3A_11, %dot_general3A_16 : vector<6400x60xf32>
    %get3A_17 = arith.constant 0 : index
    %get3A_18 = arith.constant 0 : index
    %get3A_19 = vector.load %arg4[%get3A_17, %get3A_18] : memref<128x60xf32, #tpu.memory_space<vmem>>, vector<128x60xf32>
    %dot_general3A_20 = arith.constant dense<0.000000e+00> : vector<200x60xf32>
    %dot_general3A_21 = tpu.matmul %get3A_1, %get3A_19, %dot_general3A_20 {dimension_numbers = #tpu.dot_dimension_numbers<[1], [0], [0], [1], [0, 0, 1, 1], [], []>, transpose_lhs_hint = false} : vector<200x128xf32>, vector<128x60xf32>, vector<200x60xf32> -> vector<200x60xf32>
    %reshape3A = vector.shape_cast %add3A : vector<6400x60xf32> to vector<200x32x60xf32>
    %broadcast_in_dim3A = vector.shape_cast %dot_general3A_21 : vector<200x60xf32> to vector<200x1x60xf32>
    %add3A_22 = vector.broadcast %broadcast_in_dim3A : vector<200x1x60xf32> to vector<200x32x60xf32>
    %add3A_23 = arith.addf %reshape3A, %add3A_22 : vector<200x32x60xf32>
    %exp23A = math.exp2 %add3A_23 : vector<200x32x60xf32>
    %add3A_24 = arith.constant 1.000000e+00 : f32
    %add3A_25 = vector.broadcast %add3A_24 : f32 to vector<200x32x60xf32>
    %add3A_26 = arith.addf %add3A_25, %exp23A : vector<200x32x60xf32>
    %log3A = math.log %add3A_26 : vector<200x32x60xf32>
    %log3A_27 = arith.constant 2.000000e+00 : f32
    %log3A_28 = math.log %log3A_27 : f32
    %div3A = vector.broadcast %log3A_28 : f32 to vector<200x32x60xf32>
    %div3A_29 = arith.divf %log3A, %div3A : vector<200x32x60xf32>
    %reshape3A_30 = vector.shape_cast %div3A_29 : vector<200x32x60xf32> to vector<6400x60xf32>
    %get3A_31 = arith.constant 0 : index
    %get3A_32 = arith.constant 0 : index
    %get3A_33 = vector.load %arg7[%get3A_31, %get3A_32] : memref<60x2xf32, #tpu.memory_space<vmem>>, vector<60x2xf32>
    %dot_general3A_34 = arith.constant dense<0.000000e+00> : vector<6400x2xf32>
    %dot_general3A_35 = tpu.matmul %reshape3A_30, %get3A_33, %dot_general3A_34 {dimension_numbers = #tpu.dot_dimension_numbers<[1], [0], [0], [1], [0, 0, 1, 1], [], []>, transpose_lhs_hint = false} : vector<6400x60xf32>, vector<60x2xf32>, vector<6400x2xf32> -> vector<6400x2xf32>
    %reshape3A_36 = vector.shape_cast %dot_general3A_35 : vector<6400x2xf32> to vector<200x32x2xf32>
    %exp3A = math.exp %reshape3A_36 : vector<200x32x2xf32>
    %reduce_sum3A = arith.constant dense<0.000000e+00> : vector<200x2xf32>
    %reduce_sum3A_37 = vector.multi_reduction <add>, %exp3A, %reduce_sum3A [1] : vector<200x32x2xf32> to vector<200x2xf32>
    %broadcast_in_dim3A_38 = vector.shape_cast %reduce_sum3A_37 : vector<200x2xf32> to vector<200x1x2xf32>
    %div3A_39 = vector.broadcast %broadcast_in_dim3A_38 : vector<200x1x2xf32> to vector<200x32x2xf32>
    %div3A_40 = arith.divf %exp3A, %div3A_39 : vector<200x32x2xf32>
    %get3A_41 = arith.constant 0 : index
    %get3A_42 = arith.constant 0 : index
    %get3A_43 = vector.load %arg9[%get3A_41, %get3A_42] : memref<128x128xf32, #tpu.memory_space<vmem>>, vector<128x128xf32>
    %dot_general3A_44 = arith.constant dense<0.000000e+00> : vector<6400x128xf32>
    %dot_general3A_45 = tpu.matmul %get3A_4, %get3A_43, %dot_general3A_44 {dimension_numbers = #tpu.dot_dimension_numbers<[1], [0], [0], [1], [0, 0, 1, 1], [], []>, transpose_lhs_hint = false} : vector<6400x128xf32>, vector<128x128xf32>, vector<6400x128xf32> -> vector<6400x128xf32>
    %get3A_46 = arith.constant 0 : index
    %get3A_47 = arith.constant 0 : index
    %get3A_48 = vector.load %arg10[%get3A_46, %get3A_47] : memref<16x128xf32, #tpu.memory_space<vmem>>, vector<16x128xf32>
    %dot_general3A_49 = arith.constant dense<0.000000e+00> : vector<6400x128xf32>
    %dot_general3A_50 = tpu.matmul %get3A_7, %get3A_48, %dot_general3A_49 {dimension_numbers = #tpu.dot_dimension_numbers<[1], [0], [0], [1], [0, 0, 1, 1], [], []>, transpose_lhs_hint = false} : vector<6400x16xf32>, vector<16x128xf32>, vector<6400x128xf32> -> vector<6400x128xf32>
    %add3A_51 = arith.addf %dot_general3A_45, %dot_general3A_50 : vector<6400x128xf32>
    %get3A_52 = arith.constant 0 : index
    %get3A_53 = arith.constant 0 : index
    %get3A_54 = vector.load %arg8[%get3A_52, %get3A_53] : memref<128x128xf32, #tpu.memory_space<vmem>>, vector<128x128xf32>
    %dot_general3A_55 = arith.constant dense<0.000000e+00> : vector<200x128xf32>
    %dot_general3A_56 = tpu.matmul %get3A_1, %get3A_54, %dot_general3A_55 {dimension_numbers = #tpu.dot_dimension_numbers<[1], [0], [0], [1], [0, 0, 1, 1], [], []>, transpose_lhs_hint = false} : vector<200x128xf32>, vector<128x128xf32>, vector<200x128xf32> -> vector<200x128xf32>
    %reshape3A_57 = vector.shape_cast %add3A_51 : vector<6400x128xf32> to vector<200x32x128xf32>
    %broadcast_in_dim3A_58 = vector.shape_cast %dot_general3A_56 : vector<200x128xf32> to vector<200x1x128xf32>
    %add3A_59 = vector.broadcast %broadcast_in_dim3A_58 : vector<200x1x128xf32> to vector<200x32x128xf32>
    %add3A_60 = arith.addf %reshape3A_57, %add3A_59 : vector<200x32x128xf32>
    %exp23A_61 = math.exp2 %add3A_60 : vector<200x32x128xf32>
    %add3A_62 = arith.constant 1.000000e+00 : f32
    %add3A_63 = vector.broadcast %add3A_62 : f32 to vector<200x32x128xf32>
    %add3A_64 = arith.addf %add3A_63, %exp23A_61 : vector<200x32x128xf32>
    %log3A_65 = math.log %add3A_64 : vector<200x32x128xf32>
    %log3A_66 = arith.constant 2.000000e+00 : f32
    %log3A_67 = math.log %log3A_66 : f32
    %div3A_68 = vector.broadcast %log3A_67 : f32 to vector<200x32x128xf32>
    %div3A_69 = arith.divf %log3A_65, %div3A_68 : vector<200x32x128xf32>
    %slice3A = vector.extract_strided_slice %div3A_40 {offsets = [0, 0, 0], sizes = [200, 32, 1], strides = [1, 1, 1]} : vector<200x32x2xf32> to vector<200x32x1xf32>
    %mul3A = vector.broadcast %slice3A : vector<200x32x1xf32> to vector<200x32x128xf32>
    %mul3A_70 = arith.mulf %mul3A, %div3A_69 : vector<200x32x128xf32>
    %reduce_sum3A_71 = arith.constant dense<0.000000e+00> : vector<200x128xf32>
    %reduce_sum3A_72 = vector.multi_reduction <add>, %mul3A_70, %reduce_sum3A_71 [1] : vector<200x32x128xf32> to vector<200x128xf32>
    %get3A_73 = arith.constant 0 : index
    %get3A_74 = arith.constant 0 : index
    %get3A_75 = vector.load %arg12[%get3A_73, %get3A_74] : memref<128x128xf32, #tpu.memory_space<vmem>>, vector<128x128xf32>
    %dot_general3A_76 = arith.constant dense<0.000000e+00> : vector<6400x128xf32>
    %dot_general3A_77 = tpu.matmul %get3A_4, %get3A_75, %dot_general3A_76 {dimension_numbers = #tpu.dot_dimension_numbers<[1], [0], [0], [1], [0, 0, 1, 1], [], []>, transpose_lhs_hint = false} : vector<6400x128xf32>, vector<128x128xf32>, vector<6400x128xf32> -> vector<6400x128xf32>
    %get3A_78 = arith.constant 0 : index
    %get3A_79 = arith.constant 0 : index
    %get3A_80 = vector.load %arg13[%get3A_78, %get3A_79] : memref<16x128xf32, #tpu.memory_space<vmem>>, vector<16x128xf32>
    %dot_general3A_81 = arith.constant dense<0.000000e+00> : vector<6400x128xf32>
    %dot_general3A_82 = tpu.matmul %get3A_7, %get3A_80, %dot_general3A_81 {dimension_numbers = #tpu.dot_dimension_numbers<[1], [0], [0], [1], [0, 0, 1, 1], [], []>, transpose_lhs_hint = false} : vector<6400x16xf32>, vector<16x128xf32>, vector<6400x128xf32> -> vector<6400x128xf32>
    %add3A_83 = arith.addf %dot_general3A_77, %dot_general3A_82 : vector<6400x128xf32>
    %get3A_84 = arith.constant 0 : index
    %get3A_85 = arith.constant 0 : index
    %get3A_86 = vector.load %arg11[%get3A_84, %get3A_85] : memref<128x128xf32, #tpu.memory_space<vmem>>, vector<128x128xf32>
    %dot_general3A_87 = arith.constant dense<0.000000e+00> : vector<200x128xf32>
    %dot_general3A_88 = tpu.matmul %get3A_1, %get3A_86, %dot_general3A_87 {dimension_numbers = #tpu.dot_dimension_numbers<[1], [0], [0], [1], [0, 0, 1, 1], [], []>, transpose_lhs_hint = false} : vector<200x128xf32>, vector<128x128xf32>, vector<200x128xf32> -> vector<200x128xf32>
    %reshape3A_89 = vector.shape_cast %add3A_83 : vector<6400x128xf32> to vector<200x32x128xf32>
    %broadcast_in_dim3A_90 = vector.shape_cast %dot_general3A_88 : vector<200x128xf32> to vector<200x1x128xf32>
    %add3A_91 = vector.broadcast %broadcast_in_dim3A_90 : vector<200x1x128xf32> to vector<200x32x128xf32>
    %add3A_92 = arith.addf %reshape3A_89, %add3A_91 : vector<200x32x128xf32>
    %exp23A_93 = math.exp2 %add3A_92 : vector<200x32x128xf32>
    %add3A_94 = arith.constant 1.000000e+00 : f32
    %add3A_95 = vector.broadcast %add3A_94 : f32 to vector<200x32x128xf32>
    %add3A_96 = arith.addf %add3A_95, %exp23A_93 : vector<200x32x128xf32>
    %log3A_97 = math.log %add3A_96 : vector<200x32x128xf32>
    %log3A_98 = arith.constant 2.000000e+00 : f32
    %log3A_99 = math.log %log3A_98 : f32
    %div3A_100 = vector.broadcast %log3A_99 : f32 to vector<200x32x128xf32>
    %div3A_101 = arith.divf %log3A_97, %div3A_100 : vector<200x32x128xf32>
    %slice3A_102 = vector.extract_strided_slice %div3A_40 {offsets = [0, 0, 1], sizes = [200, 32, 1], strides = [1, 1, 1]} : vector<200x32x2xf32> to vector<200x32x1xf32>
    %mul3A_103 = vector.broadcast %slice3A_102 : vector<200x32x1xf32> to vector<200x32x128xf32>
    %mul3A_104 = arith.mulf %mul3A_103, %div3A_101 : vector<200x32x128xf32>
    %reduce_sum3A_105 = arith.constant dense<0.000000e+00> : vector<200x128xf32>
    %reduce_sum3A_106 = vector.multi_reduction <add>, %mul3A_104, %reduce_sum3A_105 [1] : vector<200x32x128xf32> to vector<200x128xf32>
    %add3A_107 = arith.addf %reduce_sum3A_72, %reduce_sum3A_106 : vector<200x128xf32>
    %mul3A_108 = arith.constant 0.346573591 : f32
    %mul3A_109 = vector.broadcast %mul3A_108 : f32 to vector<200x128xf32>
    %mul3A_110 = arith.mulf %add3A_107, %mul3A_109 : vector<200x128xf32>
    %add3A_111 = arith.addf %get3A_1, %mul3A_110 : vector<200x128xf32>
    %swap3A = arith.constant 0 : index
    %swap3A_112 = arith.constant 0 : index
    %swap3A_113 = vector.load %arg14[%swap3A, %swap3A_112] : memref<200x128xf32, #tpu.memory_space<vmem>>, vector<200x128xf32>
    tpu.vector_store %arg14[%swap3A, %swap3A_112], %add3A_111 {strides = array<i32>} : memref<200x128xf32, #tpu.memory_space<vmem>>, vector<200x128xf32>,
    %slice3A_114 = vector.extract_strided_slice %div3A_40 {offsets = [0, 0, 0], sizes = [200, 32, 1], strides = [1, 1, 1]} : vector<200x32x2xf32> to vector<200x32x1xf32>
    %squeeze3A = vector.shape_cast %slice3A_114 : vector<200x32x1xf32> to vector<200x32xf32>
    %swap3A_115 = arith.constant 0 : index
    %swap3A_116 = arith.constant 0 : index
    %swap3A_117 = vector.load %arg15[%swap3A_115, %swap3A_116] : memref<200x32xf32, #tpu.memory_space<vmem>>, vector<200x32xf32>
    tpu.vector_store %arg15[%swap3A_115, %swap3A_116], %squeeze3A {strides = array<i32>} : memref<200x32xf32, #tpu.memory_space<vmem>>, vector<200x32xf32>,
    return
  }
  func.func @transform_0(%arg0: i32) -> (i32, i32) {
    %add3A = arith.constant 0 : i32
    %add3A_0 = arith.addi %arg0, %add3A : i32
    %c0_i32 = arith.constant 0 : i32
    %c0_i32_1 = arith.constant 0 : i32
    return %add3A_0, %c0_i32 : i32, i32
  }
  func.func @transform_1(%arg0: i32) -> (i32, i32) {
    %c0_i32 = arith.constant 0 : i32
    %c0_i32_0 = arith.constant 0 : i32
    return %arg0, %c0_i32 : i32, i32
  }
  func.func @transform_2(%arg0: i32) -> (i32, i32) {
    %add3A = arith.constant 0 : i32
    %add3A_0 = arith.addi %arg0, %add3A : i32
    %c0_i32 = arith.constant 0 : i32
    %c0_i32_1 = arith.constant 0 : i32
    return %add3A_0, %c0_i32 : i32, i32
  }
  func.func @transform_3(%arg0: i32) -> (i32, i32) {
    %c0_i32 = arith.constant 0 : i32
    %c0_i32_0 = arith.constant 0 : i32
    %c0_i32_1 = arith.constant 0 : i32
    return %c0_i32, %c0_i32_0 : i32, i32
  }
  func.func @transform_4(%arg0: i32) -> (i32, i32) {
    %c0_i32 = arith.constant 0 : i32
    %c0_i32_0 = arith.constant 0 : i32
    %c0_i32_1 = arith.constant 0 : i32
    return %c0_i32, %c0_i32_0 : i32, i32
  }
  func.func @transform_5(%arg0: i32) -> (i32, i32) {
    %c0_i32 = arith.constant 0 : i32
    %c0_i32_0 = arith.constant 0 : i32
    %c0_i32_1 = arith.constant 0 : i32
    return %c0_i32, %c0_i32_0 : i32, i32
  }
  func.func @transform_6(%arg0: i32) -> (i32, i32) {
    %c0_i32 = arith.constant 0 : i32
    %c0_i32_0 = arith.constant 0 : i32
    %c0_i32_1 = arith.constant 0 : i32
    return %c0_i32, %c0_i32_0 : i32, i32
  }
  func.func @transform_7(%arg0: i32) -> (i32, i32) {
    %c0_i32 = arith.constant 0 : i32
    %c0_i32_0 = arith.constant 0 : i32
    %c0_i32_1 = arith.constant 0 : i32
    return %c0_i32, %c0_i32_0 : i32, i32
  }
  func.func @transform_8(%arg0: i32) -> (i32, i32) {
    %c0_i32 = arith.constant 0 : i32
    %c0_i32_0 = arith.constant 0 : i32
    %c0_i32_1 = arith.constant 0 : i32
    return %c0_i32, %c0_i32_0 : i32, i32
  }
  func.func @transform_9(%arg0: i32) -> (i32, i32) {
    %c0_i32 = arith.constant 0 : i32
    %c0_i32_0 = arith.constant 0 : i32
    %c0_i32_1 = arith.constant 0 : i32
    return %c0_i32, %c0_i32_0 : i32, i32
  }
  func.func @transform_10(%arg0: i32) -> (i32, i32) {
    %c0_i32 = arith.constant 0 : i32
    %c0_i32_0 = arith.constant 0 : i32
    %c0_i32_1 = arith.constant 0 : i32
    return %c0_i32, %c0_i32_0 : i32, i32
  }
  func.func @transform_11(%arg0: i32) -> (i32, i32) {
    %c0_i32 = arith.constant 0 : i32
    %c0_i32_0 = arith.constant 0 : i32
    %c0_i32_1 = arith.constant 0 : i32
    return %c0_i32, %c0_i32_0 : i32, i32
  }
  func.func @transform_12(%arg0: i32) -> (i32, i32) {
    %c0_i32 = arith.constant 0 : i32
    %c0_i32_0 = arith.constant 0 : i32
    %c0_i32_1 = arith.constant 0 : i32
    return %c0_i32, %c0_i32_0 : i32, i32
  }
  func.func @transform_13(%arg0: i32) -> (i32, i32) {
    %c0_i32 = arith.constant 0 : i32
    %c0_i32_0 = arith.constant 0 : i32
    return %arg0, %c0_i32 : i32, i32
  }
  func.func @transform_14(%arg0: i32) -> (i32, i32) {
    %c0_i32 = arith.constant 0 : i32
    %c0_i32_0 = arith.constant 0 : i32
    return %arg0, %c0_i32 : i32, i32
  }
}

module attributes {stable_mosaic.version = 14 : i64} {
  func.func @body(%arg0: i32, %arg1: memref<200x128xf32, #tpu.memory_space<vmem>>, %arg2: memref<6400x128xf32, #tpu.memory_space<vmem>>, %arg3: memref<6400x16xf32, #tpu.memory_space<vmem>>, %arg4: memref<128x15xf32, #tpu.memory_space<vmem>>, %arg5: memref<128x15xf32, #tpu.memory_space<vmem>>, %arg6: memref<16x15xf32, #tpu.memory_space<vmem>>, %arg7: memref<15x1xf32, #tpu.memory_space<vmem>>, %arg8: memref<128x128xf32, #tpu.memory_space<vmem>>, %arg9: memref<128x128xf32, #tpu.memory_space<vmem>>, %arg10: memref<16x128xf32, #tpu.memory_space<vmem>>, %arg11: memref<200x128xf32, #tpu.memory_space<vmem>>, %arg12: memref<200x32xf32, #tpu.memory_space<vmem>>) attributes {dimension_semantics = [#tpu.dimension_semantics<arbitrary>], iteration_bounds = array<i64: 50>, scalar_prefetch = 0 : i64, scratch_operands = 0 : i64, tpu.core_type = #tpu.core_type<tc>, window_params = [{transform_indices = @transform_0, window_bounds = array<i64: 200, 128>}, {transform_indices = @transform_1, window_bounds = array<i64: 6400, 128>}, {transform_indices = @transform_2, window_bounds = array<i64: 6400, 16>}, {pipeline_mode = #tpu.pipeline_mode<synchronous>, transform_indices = @transform_3, window_bounds = array<i64: 128, 15>}, {pipeline_mode = #tpu.pipeline_mode<synchronous>, transform_indices = @transform_4, window_bounds = array<i64: 128, 15>}, {pipeline_mode = #tpu.pipeline_mode<synchronous>, transform_indices = @transform_5, window_bounds = array<i64: 16, 15>}, {pipeline_mode = #tpu.pipeline_mode<synchronous>, transform_indices = @transform_6, window_bounds = array<i64: 15, 1>}, {pipeline_mode = #tpu.pipeline_mode<synchronous>, transform_indices = @transform_7, window_bounds = array<i64: 128, 128>}, {pipeline_mode = #tpu.pipeline_mode<synchronous>, transform_indices = @transform_8, window_bounds = array<i64: 128, 128>}, {pipeline_mode = #tpu.pipeline_mode<synchronous>, transform_indices = @transform_9, window_bounds = array<i64: 16, 128>}, {transform_indices = @transform_10, window_bounds = array<i64: 200, 128>}, {transform_indices = @transform_11, window_bounds = array<i64: 200, 32>}]} {
    %get3A = arith.constant 0 : index
    %get3A_0 = arith.constant 0 : index
    %get3A_1 = vector.load %arg1[%get3A, %get3A_0] : memref<200x128xf32, #tpu.memory_space<vmem>>, vector<200x128xf32>
    %get3A_2 = arith.constant 0 : index
    %get3A_3 = arith.constant 0 : index
    %get3A_4 = vector.load %arg2[%get3A_2, %get3A_3] : memref<6400x128xf32, #tpu.memory_space<vmem>>, vector<6400x128xf32>
    %get3A_5 = arith.constant 0 : index
    %get3A_6 = arith.constant 0 : index
    %get3A_7 = vector.load %arg3[%get3A_5, %get3A_6] : memref<6400x16xf32, #tpu.memory_space<vmem>>, vector<6400x16xf32>
    %get3A_8 = arith.constant 0 : index
    %get3A_9 = arith.constant 0 : index
    %get3A_10 = vector.load %arg5[%get3A_8, %get3A_9] : memref<128x15xf32, #tpu.memory_space<vmem>>, vector<128x15xf32>
    %dot_general3A = arith.constant dense<0.000000e+00> : vector<6400x15xf32>
    %dot_general3A_11 = tpu.matmul %get3A_4, %get3A_10, %dot_general3A {dimension_numbers = #tpu.dot_dimension_numbers<[1], [0], [0], [1], [0, 0, 1, 1], [], []>, transpose_lhs_hint = false} : vector<6400x128xf32>, vector<128x15xf32>, vector<6400x15xf32> -> vector<6400x15xf32>
    %get3A_12 = arith.constant 0 : index
    %get3A_13 = arith.constant 0 : index
    %get3A_14 = vector.load %arg6[%get3A_12, %get3A_13] : memref<16x15xf32, #tpu.memory_space<vmem>>, vector<16x15xf32>
    %dot_general3A_15 = arith.constant dense<0.000000e+00> : vector<6400x15xf32>
    %dot_general3A_16 = tpu.matmul %get3A_7, %get3A_14, %dot_general3A_15 {dimension_numbers = #tpu.dot_dimension_numbers<[1], [0], [0], [1], [0, 0, 1, 1], [], []>, transpose_lhs_hint = false} : vector<6400x16xf32>, vector<16x15xf32>, vector<6400x15xf32> -> vector<6400x15xf32>
    %add3A = arith.addf %dot_general3A_11, %dot_general3A_16 : vector<6400x15xf32>
    %get3A_17 = arith.constant 0 : index
    %get3A_18 = arith.constant 0 : index
    %get3A_19 = vector.load %arg4[%get3A_17, %get3A_18] : memref<128x15xf32, #tpu.memory_space<vmem>>, vector<128x15xf32>
    %dot_general3A_20 = arith.constant dense<0.000000e+00> : vector<200x15xf32>
    %dot_general3A_21 = tpu.matmul %get3A_1, %get3A_19, %dot_general3A_20 {dimension_numbers = #tpu.dot_dimension_numbers<[1], [0], [0], [1], [0, 0, 1, 1], [], []>, transpose_lhs_hint = false} : vector<200x128xf32>, vector<128x15xf32>, vector<200x15xf32> -> vector<200x15xf32>
    %reshape3A = vector.shape_cast %add3A : vector<6400x15xf32> to vector<200x32x15xf32>
    %broadcast_in_dim3A = vector.shape_cast %dot_general3A_21 : vector<200x15xf32> to vector<200x1x15xf32>
    %add3A_22 = vector.broadcast %broadcast_in_dim3A : vector<200x1x15xf32> to vector<200x32x15xf32>
    %add3A_23 = arith.addf %reshape3A, %add3A_22 : vector<200x32x15xf32>
    %exp23A = math.exp2 %add3A_23 : vector<200x32x15xf32>
    %add3A_24 = arith.constant 1.000000e+00 : f32
    %add3A_25 = vector.broadcast %add3A_24 : f32 to vector<200x32x15xf32>
    %add3A_26 = arith.addf %add3A_25, %exp23A : vector<200x32x15xf32>
    %log3A = math.log %add3A_26 : vector<200x32x15xf32>
    %log3A_27 = arith.constant 2.000000e+00 : f32
    %log3A_28 = math.log %log3A_27 : f32
    %div3A = vector.broadcast %log3A_28 : f32 to vector<200x32x15xf32>
    %div3A_29 = arith.divf %log3A, %div3A : vector<200x32x15xf32>
    %reshape3A_30 = vector.shape_cast %div3A_29 : vector<200x32x15xf32> to vector<6400x15xf32>
    %get3A_31 = arith.constant 0 : index
    %get3A_32 = arith.constant 0 : index
    %get3A_33 = vector.load %arg7[%get3A_31, %get3A_32] : memref<15x1xf32, #tpu.memory_space<vmem>>, vector<15x1xf32>
    %dot_general3A_34 = arith.constant dense<0.000000e+00> : vector<6400x1xf32>
    %dot_general3A_35 = tpu.matmul %reshape3A_30, %get3A_33, %dot_general3A_34 {dimension_numbers = #tpu.dot_dimension_numbers<[1], [0], [0], [1], [0, 0, 1, 1], [], []>, transpose_lhs_hint = false} : vector<6400x15xf32>, vector<15x1xf32>, vector<6400x1xf32> -> vector<6400x1xf32>
    %reshape3A_36 = vector.shape_cast %dot_general3A_35 : vector<6400x1xf32> to vector<200x32x1xf32>
    %exp3A = math.exp %reshape3A_36 : vector<200x32x1xf32>
    %reduce_sum3A = arith.constant dense<0.000000e+00> : vector<200x1xf32>
    %reduce_sum3A_37 = vector.multi_reduction <add>, %exp3A, %reduce_sum3A [1] : vector<200x32x1xf32> to vector<200x1xf32>
    %broadcast_in_dim3A_38 = vector.shape_cast %reduce_sum3A_37 : vector<200x1xf32> to vector<200x1x1xf32>
    %div3A_39 = vector.broadcast %broadcast_in_dim3A_38 : vector<200x1x1xf32> to vector<200x32x1xf32>
    %div3A_40 = arith.divf %exp3A, %div3A_39 : vector<200x32x1xf32>
    %get3A_41 = arith.constant 0 : index
    %get3A_42 = arith.constant 0 : index
    %get3A_43 = vector.load %arg9[%get3A_41, %get3A_42] : memref<128x128xf32, #tpu.memory_space<vmem>>, vector<128x128xf32>
    %dot_general3A_44 = arith.constant dense<0.000000e+00> : vector<6400x128xf32>
    %dot_general3A_45 = tpu.matmul %get3A_4, %get3A_43, %dot_general3A_44 {dimension_numbers = #tpu.dot_dimension_numbers<[1], [0], [0], [1], [0, 0, 1, 1], [], []>, transpose_lhs_hint = false} : vector<6400x128xf32>, vector<128x128xf32>, vector<6400x128xf32> -> vector<6400x128xf32>
    %get3A_46 = arith.constant 0 : index
    %get3A_47 = arith.constant 0 : index
    %get3A_48 = vector.load %arg10[%get3A_46, %get3A_47] : memref<16x128xf32, #tpu.memory_space<vmem>>, vector<16x128xf32>
    %dot_general3A_49 = arith.constant dense<0.000000e+00> : vector<6400x128xf32>
    %dot_general3A_50 = tpu.matmul %get3A_7, %get3A_48, %dot_general3A_49 {dimension_numbers = #tpu.dot_dimension_numbers<[1], [0], [0], [1], [0, 0, 1, 1], [], []>, transpose_lhs_hint = false} : vector<6400x16xf32>, vector<16x128xf32>, vector<6400x128xf32> -> vector<6400x128xf32>
    %add3A_51 = arith.addf %dot_general3A_45, %dot_general3A_50 : vector<6400x128xf32>
    %get3A_52 = arith.constant 0 : index
    %get3A_53 = arith.constant 0 : index
    %get3A_54 = vector.load %arg8[%get3A_52, %get3A_53] : memref<128x128xf32, #tpu.memory_space<vmem>>, vector<128x128xf32>
    %dot_general3A_55 = arith.constant dense<0.000000e+00> : vector<200x128xf32>
    %dot_general3A_56 = tpu.matmul %get3A_1, %get3A_54, %dot_general3A_55 {dimension_numbers = #tpu.dot_dimension_numbers<[1], [0], [0], [1], [0, 0, 1, 1], [], []>, transpose_lhs_hint = false} : vector<200x128xf32>, vector<128x128xf32>, vector<200x128xf32> -> vector<200x128xf32>
    %reshape3A_57 = vector.shape_cast %add3A_51 : vector<6400x128xf32> to vector<200x32x128xf32>
    %broadcast_in_dim3A_58 = vector.shape_cast %dot_general3A_56 : vector<200x128xf32> to vector<200x1x128xf32>
    %add3A_59 = vector.broadcast %broadcast_in_dim3A_58 : vector<200x1x128xf32> to vector<200x32x128xf32>
    %add3A_60 = arith.addf %reshape3A_57, %add3A_59 : vector<200x32x128xf32>
    %exp23A_61 = math.exp2 %add3A_60 : vector<200x32x128xf32>
    %add3A_62 = arith.constant 1.000000e+00 : f32
    %add3A_63 = vector.broadcast %add3A_62 : f32 to vector<200x32x128xf32>
    %add3A_64 = arith.addf %add3A_63, %exp23A_61 : vector<200x32x128xf32>
    %log3A_65 = math.log %add3A_64 : vector<200x32x128xf32>
    %log3A_66 = arith.constant 2.000000e+00 : f32
    %log3A_67 = math.log %log3A_66 : f32
    %div3A_68 = vector.broadcast %log3A_67 : f32 to vector<200x32x128xf32>
    %div3A_69 = arith.divf %log3A_65, %div3A_68 : vector<200x32x128xf32>
    %mul3A = vector.broadcast %div3A_40 : vector<200x32x1xf32> to vector<200x32x128xf32>
    %mul3A_70 = arith.mulf %mul3A, %div3A_69 : vector<200x32x128xf32>
    %reduce_sum3A_71 = arith.constant dense<0.000000e+00> : vector<200x128xf32>
    %reduce_sum3A_72 = vector.multi_reduction <add>, %mul3A_70, %reduce_sum3A_71 [1] : vector<200x32x128xf32> to vector<200x128xf32>
    %mul3A_73 = arith.constant 0.693147182 : f32
    %mul3A_74 = vector.broadcast %mul3A_73 : f32 to vector<200x128xf32>
    %mul3A_75 = arith.mulf %reduce_sum3A_72, %mul3A_74 : vector<200x128xf32>
    %add3A_76 = arith.addf %get3A_1, %mul3A_75 : vector<200x128xf32>
    %swap3A = arith.constant 0 : index
    %swap3A_77 = arith.constant 0 : index
    %swap3A_78 = vector.load %arg11[%swap3A, %swap3A_77] : memref<200x128xf32, #tpu.memory_space<vmem>>, vector<200x128xf32>
    tpu.vector_store %arg11[%swap3A, %swap3A_77], %add3A_76 {strides = array<i32>} : memref<200x128xf32, #tpu.memory_space<vmem>>, vector<200x128xf32>,
    %squeeze3A = vector.shape_cast %div3A_40 : vector<200x32x1xf32> to vector<200x32xf32>
    %swap3A_79 = arith.constant 0 : index
    %swap3A_80 = arith.constant 0 : index
    %swap3A_81 = vector.load %arg12[%swap3A_79, %swap3A_80] : memref<200x32xf32, #tpu.memory_space<vmem>>, vector<200x32xf32>
    tpu.vector_store %arg12[%swap3A_79, %swap3A_80], %squeeze3A {strides = array<i32>} : memref<200x32xf32, #tpu.memory_space<vmem>>, vector<200x32xf32>,
    return
  }
  func.func @transform_0(%arg0: i32) -> (i32, i32) {
    %add3A = arith.constant 0 : i32
    %add3A_0 = arith.addi %arg0, %add3A : i32
    %c0_i32 = arith.constant 0 : i32
    %c0_i32_1 = arith.constant 0 : i32
    return %add3A_0, %c0_i32 : i32, i32
  }
  func.func @transform_1(%arg0: i32) -> (i32, i32) {
    %c0_i32 = arith.constant 0 : i32
    %c0_i32_0 = arith.constant 0 : i32
    return %arg0, %c0_i32 : i32, i32
  }
  func.func @transform_2(%arg0: i32) -> (i32, i32) {
    %add3A = arith.constant 0 : i32
    %add3A_0 = arith.addi %arg0, %add3A : i32
    %c0_i32 = arith.constant 0 : i32
    %c0_i32_1 = arith.constant 0 : i32
    return %add3A_0, %c0_i32 : i32, i32
  }
  func.func @transform_3(%arg0: i32) -> (i32, i32) {
    %c0_i32 = arith.constant 0 : i32
    %c0_i32_0 = arith.constant 0 : i32
    %c0_i32_1 = arith.constant 0 : i32
    return %c0_i32, %c0_i32_0 : i32, i32
  }
  func.func @transform_4(%arg0: i32) -> (i32, i32) {
    %c0_i32 = arith.constant 0 : i32
    %c0_i32_0 = arith.constant 0 : i32
    %c0_i32_1 = arith.constant 0 : i32
    return %c0_i32, %c0_i32_0 : i32, i32
  }
  func.func @transform_5(%arg0: i32) -> (i32, i32) {
    %c0_i32 = arith.constant 0 : i32
    %c0_i32_0 = arith.constant 0 : i32
    %c0_i32_1 = arith.constant 0 : i32
    return %c0_i32, %c0_i32_0 : i32, i32
  }
  func.func @transform_6(%arg0: i32) -> (i32, i32) {
    %c0_i32 = arith.constant 0 : i32
    %c0_i32_0 = arith.constant 0 : i32
    %c0_i32_1 = arith.constant 0 : i32
    return %c0_i32, %c0_i32_0 : i32, i32
  }
  func.func @transform_7(%arg0: i32) -> (i32, i32) {
    %c0_i32 = arith.constant 0 : i32
    %c0_i32_0 = arith.constant 0 : i32
    %c0_i32_1 = arith.constant 0 : i32
    return %c0_i32, %c0_i32_0 : i32, i32
  }
  func.func @transform_8(%arg0: i32) -> (i32, i32) {
    %c0_i32 = arith.constant 0 : i32
    %c0_i32_0 = arith.constant 0 : i32
    %c0_i32_1 = arith.constant 0 : i32
    return %c0_i32, %c0_i32_0 : i32, i32
  }
  func.func @transform_9(%arg0: i32) -> (i32, i32) {
    %c0_i32 = arith.constant 0 : i32
    %c0_i32_0 = arith.constant 0 : i32
    %c0_i32_1 = arith.constant 0 : i32
    return %c0_i32, %c0_i32_0 : i32, i32
  }
  func.func @transform_10(%arg0: i32) -> (i32, i32) {
    %c0_i32 = arith.constant 0 : i32
    %c0_i32_0 = arith.constant 0 : i32
    return %arg0, %c0_i32 : i32, i32
  }
  func.func @transform_11(%arg0: i32) -> (i32, i32) {
    %c0_i32 = arith.constant 0 : i32
    %c0_i32_0 = arith.constant 0 : i32
    return %arg0, %c0_i32 : i32, i32
  }
}

module attributes {stable_mosaic.version = 14 : i64} {
  func.func @_pool_body(%arg0: i32, %arg1: memref<10000x128xf32, #tpu.memory_space<vmem>>, %arg2: memref<1x128xf32, #tpu.memory_space<vmem>>, %arg3: memref<2x128xf32, #tpu.memory_space<vmem>>, %arg4: memref<1x2xf32, #tpu.memory_space<vmem>>, %arg5: memref<1x2xf32, #tpu.memory_space<vmem>>) attributes {dimension_semantics = [#tpu.dimension_semantics<arbitrary>], iteration_bounds = array<i64: 1>, scalar_prefetch = 0 : i64, scratch_operands = 0 : i64, tpu.core_type = #tpu.core_type<tc>, window_params = [{pipeline_mode = #tpu.pipeline_mode<synchronous>, transform_indices = @transform_0, window_bounds = array<i64: 10000, 128>}, {pipeline_mode = #tpu.pipeline_mode<synchronous>, transform_indices = @transform_1, window_bounds = array<i64: 1, 128>}, {pipeline_mode = #tpu.pipeline_mode<synchronous>, transform_indices = @transform_2, window_bounds = array<i64: 2, 128>}, {pipeline_mode = #tpu.pipeline_mode<synchronous>, transform_indices = @transform_3, window_bounds = array<i64: 1, 2>}, {pipeline_mode = #tpu.pipeline_mode<synchronous>, transform_indices = @transform_4, window_bounds = array<i64: 1, 2>}]} {
    %get3A = arith.constant 0 : index
    %get3A_0 = arith.constant 0 : index
    %get3A_1 = vector.load %arg1[%get3A, %get3A_0] : memref<10000x128xf32, #tpu.memory_space<vmem>>, vector<10000x128xf32>
    %get3A_2 = arith.constant 0 : index
    %get3A_3 = arith.constant 0 : index
    %get3A_4 = vector.load %arg2[%get3A_2, %get3A_3] : memref<1x128xf32, #tpu.memory_space<vmem>>, vector<1x128xf32>
    %mul3A = vector.broadcast %get3A_4 : vector<1x128xf32> to vector<10000x128xf32>
    %mul3A_5 = arith.mulf %get3A_1, %mul3A : vector<10000x128xf32>
    %reduce_sum3A = arith.constant dense<0.000000e+00> : vector<10000xf32>
    %reduce_sum3A_6 = vector.multi_reduction <add>, %mul3A_5, %reduce_sum3A [1] : vector<10000x128xf32> to vector<10000xf32>
    %broadcast_in_dim3A = vector.shape_cast %reduce_sum3A_6 : vector<10000xf32> to vector<10000x1xf32>
    %mul3A_7 = arith.constant 1.44269502 : f32
    %mul3A_8 = vector.broadcast %mul3A_7 : f32 to vector<10000x1xf32>
    %mul3A_9 = arith.mulf %broadcast_in_dim3A, %mul3A_8 : vector<10000x1xf32>
    %exp23A = math.exp2 %mul3A_9 : vector<10000x1xf32>
    %add3A = arith.constant 1.000000e+00 : f32
    %add3A_10 = vector.broadcast %add3A : f32 to vector<10000x1xf32>
    %add3A_11 = arith.addf %add3A_10, %exp23A : vector<10000x1xf32>
    %log3A = math.log %add3A_11 : vector<10000x1xf32>
    %log3A_12 = arith.constant 2.000000e+00 : f32
    %log3A_13 = math.log %log3A_12 : f32
    %div3A = vector.broadcast %log3A_13 : f32 to vector<10000x1xf32>
    %div3A_14 = arith.divf %log3A, %div3A : vector<10000x1xf32>
    %mul3A_15 = arith.constant 0.693147182 : f32
    %mul3A_16 = vector.broadcast %mul3A_15 : f32 to vector<10000x1xf32>
    %mul3A_17 = arith.mulf %div3A_14, %mul3A_16 : vector<10000x1xf32>
    %reduce_max3A = vector.shape_cast %mul3A_17 : vector<10000x1xf32> to vector<1x10000x1xf32>
    %reduce_max3A_18 = arith.constant dense<0xFF800000> : vector<1xf32>
    %reduce_max3A_19 = vector.multi_reduction <maximumf>, %reduce_max3A, %reduce_max3A_18 [1, 2] : vector<1x10000x1xf32> to vector<1xf32>
    %reduce_max3A_20 = vector.shape_cast %reduce_max3A_19 : vector<1xf32> to vector<1x1x1xf32>
    %reduce_max3A_21 = vector.extract %reduce_max3A_20[0, 0, 0] : f32 from vector<1x1x1xf32>
    %sub3A = vector.broadcast %reduce_max3A_21 : f32 to vector<10000x1xf32>
    %sub3A_22 = arith.subf %mul3A_17, %sub3A : vector<10000x1xf32>
    %exp3A = math.exp %sub3A_22 : vector<10000x1xf32>
    %mul3A_23 = vector.broadcast %exp3A : vector<10000x1xf32> to vector<10000x128xf32>
    %mul3A_24 = arith.mulf %mul3A_23, %get3A_1 : vector<10000x128xf32>
    %reduce_sum3A_25 = arith.constant dense<0.000000e+00> : vector<128xf32>
    %reduce_sum3A_26 = vector.multi_reduction <add>, %mul3A_24, %reduce_sum3A_25 [0] : vector<10000x128xf32> to vector<128xf32>
    %broadcast_in_dim3A_27 = vector.shape_cast %reduce_sum3A_26 : vector<128xf32> to vector<1x128xf32>
    %reduce_sum3A_28 = vector.shape_cast %exp3A : vector<10000x1xf32> to vector<1x10000x1xf32>
    %reduce_sum3A_29 = arith.constant dense<0.000000e+00> : vector<1xf32>
    %reduce_sum3A_30 = vector.multi_reduction <add>, %reduce_sum3A_28, %reduce_sum3A_29 [1, 2] : vector<1x10000x1xf32> to vector<1xf32>
    %reduce_sum3A_31 = vector.shape_cast %reduce_sum3A_30 : vector<1xf32> to vector<1x1x1xf32>
    %reduce_sum3A_32 = vector.extract %reduce_sum3A_31[0, 0, 0] : f32 from vector<1x1x1xf32>
    %div3A_33 = vector.broadcast %reduce_sum3A_32 : f32 to vector<1x128xf32>
    %div3A_34 = arith.divf %broadcast_in_dim3A_27, %div3A_33 : vector<1x128xf32>
    %get3A_35 = arith.constant 0 : index
    %get3A_36 = arith.constant 0 : index
    %get3A_37 = vector.load %arg3[%get3A_35, %get3A_36] : memref<2x128xf32, #tpu.memory_space<vmem>>, vector<2x128xf32>
    %mul3A_38 = vector.broadcast %div3A_34 : vector<1x128xf32> to vector<2x128xf32>
    %mul3A_39 = arith.mulf %mul3A_38, %get3A_37 : vector<2x128xf32>
    %reduce_sum3A_40 = arith.constant dense<0.000000e+00> : vector<2xf32>
    %reduce_sum3A_41 = vector.multi_reduction <add>, %mul3A_39, %reduce_sum3A_40 [1] : vector<2x128xf32> to vector<2xf32>
    %broadcast_in_dim3A_42 = vector.shape_cast %reduce_sum3A_41 : vector<2xf32> to vector<1x2xf32>
    %get3A_43 = arith.constant 0 : index
    %get3A_44 = arith.constant 0 : index
    %get3A_45 = vector.load %arg4[%get3A_43, %get3A_44] : memref<1x2xf32, #tpu.memory_space<vmem>>, vector<1x2xf32>
    %add3A_46 = arith.addf %broadcast_in_dim3A_42, %get3A_45 : vector<1x2xf32>
    %reduce_max3A_47 = arith.constant dense<0xFF800000> : vector<1xf32>
    %reduce_max3A_48 = vector.multi_reduction <maximumf>, %add3A_46, %reduce_max3A_47 [1] : vector<1x2xf32> to vector<1xf32>
    %broadcast_in_dim3A_49 = vector.shape_cast %reduce_max3A_48 : vector<1xf32> to vector<1x1xf32>
    %sub3A_50 = vector.broadcast %broadcast_in_dim3A_49 : vector<1x1xf32> to vector<1x2xf32>
    %sub3A_51 = arith.subf %add3A_46, %sub3A_50 : vector<1x2xf32>
    %exp3A_52 = math.exp %sub3A_51 : vector<1x2xf32>
    %reduce_sum3A_53 = arith.constant dense<0.000000e+00> : vector<1xf32>
    %reduce_sum3A_54 = vector.multi_reduction <add>, %exp3A_52, %reduce_sum3A_53 [1] : vector<1x2xf32> to vector<1xf32>
    %broadcast_in_dim3A_55 = vector.shape_cast %reduce_sum3A_54 : vector<1xf32> to vector<1x1xf32>
    %log3A_56 = math.log %broadcast_in_dim3A_55 : vector<1x1xf32>
    %add3A_57 = arith.addf %broadcast_in_dim3A_49, %log3A_56 : vector<1x1xf32>
    %sub3A_58 = vector.broadcast %add3A_57 : vector<1x1xf32> to vector<1x2xf32>
    %sub3A_59 = arith.subf %add3A_46, %sub3A_58 : vector<1x2xf32>
    %swap3A = arith.constant 0 : index
    %swap3A_60 = arith.constant 0 : index
    %swap3A_61 = vector.load %arg5[%swap3A, %swap3A_60] : memref<1x2xf32, #tpu.memory_space<vmem>>, vector<1x2xf32>
    tpu.vector_store %arg5[%swap3A, %swap3A_60], %sub3A_59 {strides = array<i32>} : memref<1x2xf32, #tpu.memory_space<vmem>>, vector<1x2xf32>,
    return
  }
  func.func @transform_0(%arg0: i32) -> (i32, i32) {
    %c0_i32 = arith.constant 0 : i32
    %c0_i32_0 = arith.constant 0 : i32
    %c0_i32_1 = arith.constant 0 : i32
    return %c0_i32, %c0_i32_0 : i32, i32
  }
  func.func @transform_1(%arg0: i32) -> (i32, i32) {
    %c0_i32 = arith.constant 0 : i32
    %c0_i32_0 = arith.constant 0 : i32
    %c0_i32_1 = arith.constant 0 : i32
    return %c0_i32, %c0_i32_0 : i32, i32
  }
  func.func @transform_2(%arg0: i32) -> (i32, i32) {
    %c0_i32 = arith.constant 0 : i32
    %c0_i32_0 = arith.constant 0 : i32
    %c0_i32_1 = arith.constant 0 : i32
    return %c0_i32, %c0_i32_0 : i32, i32
  }
  func.func @transform_3(%arg0: i32) -> (i32, i32) {
    %c0_i32 = arith.constant 0 : i32
    %c0_i32_0 = arith.constant 0 : i32
    %c0_i32_1 = arith.constant 0 : i32
    return %c0_i32, %c0_i32_0 : i32, i32
  }
  func.func @transform_4(%arg0: i32) -> (i32, i32) {
    %c0_i32 = arith.constant 0 : i32
    %c0_i32_0 = arith.constant 0 : i32
    %c0_i32_1 = arith.constant 0 : i32
    return %c0_i32, %c0_i32_0 : i32, i32
  }
}

</mosaic_0001>

<sc_bundles>
// kernel: kernel.11.cloned.1.call-start
scs
__scs_entry_jumppad:
0x0: {  	(pc) =	sbr.rel $0x88, $3  }
0x1: {  	(tag) =	ssettag $0x0;
	lr =	simm.s32 $0x1  }
0x2: {  	[smem:$0x3F90] =	sst lr;
	_ =	strace $0xD0000000  }
0x3: {  	_ = 	snop  }
0x4: {  	_ = 	snop  }
0x5: {  	_ = 	snop  }
0x6: {  	_ = 	snop  }
0x7: {  	_ = 	snop  }
__scs_overlays_trampoline_lowered:
0x8: {  	[smem:$0x3F9F] =	sst s0  }
0x9: {  	[smem:$0x3FA0] =	sst s1  }
0xa: {  	[smem:$0x3FA1] =	sst s2  }
0xb: {  	[smem:$0x3FA2] =	sst s3  }
0xc: {  	[smem:$0x3FA3] =	sst s4  }
0xd: {  	[smem:$0x3FA4] =	sst s5  }
0xe: {  	[smem:$0x3FA5] =	sst s6  }
0xf: {  	[smem:$0x3FA6] =	sst s7  }
0x10: {  	[smem:$0x3FA7] =	sst s8  }
0x11: {  	[smem:$0x3FA8] =	sst s9;
	s0 =	simm.s32 @!p0 $0x0  }
0x12: {  	s1 =	sld [smem:$0x3F8E];
	s0 =	simm.s32 @p0 $0x1  }
0x13: {  	[smem:$0x3FA9] =	sst s0;
	s0 =	simm.s32 @!p1 $0x0  }
0x14: {  	s2 =	sld [smem:$0x3F8D];
	s0 =	simm.s32 @p1 $0x1  }
0x15: {  	[smem:$0x3FAA] =	sst s0;
	s0 =	simm.s32 @!p2 $0x0  }
0x16: {  	s3 =	sld [smem:$0x3FDB];
	s0 =	simm.s32 @p2 $0x1  }
0x17: {  	s4 =	simm.s32 $0x1BF5;
	[smem:$0x3FAC] =	sst s0  }
0x18: {  	s0 =	sld [smem:$0x3F8F];
	_ =	swait.ge [sflag:s4], $0x0  }
0x19: {  	s7 =	sld [smem:$0x3F90]  }
0x1a: {  	s8 =	sadd.s32 $0xFFFFE003, lr  }
0x1b: {  	s9 =	sadd.s32 $0xFFFFFEF7, lr;
	s5 =	simm.s32 $0xFFFFFFFF;
	p2 =	slt.u32 s8, $0xFFFFF086  }
0x1c: {  	p1 =	slt.u32 s9, $0xF7A;
	s5 =	simm.s32 @!p2 $0x0  }
0x1d: {  	s5 =	simm.s32 @p1 $0x1;
	p0 =	seq.s32 s7, s2  }
0x1e: {  	s7 =	smul.u32 @!p0 $0xF7A, s2;
	p2 =	seq.s32 @!p0 s5, $0x0  }
0x1f: {  	s9 =	smul.u32 $0xF7A, s1;
	s8 =	simm.s32 @!p0 $0x1BF5;
	p2 =	por !p2, p0  }
0x20: {  	[sflag:s8] =	ssyncset.s32 @!p0 $0xFFFFF086;
	s6 =	sadd.s32 @!p0 s3, s7;
	s7 =	simm.s32 @!p0 $0x108  }
0x21: {  	s3 =	sadd.s32 s3, s9;
	s6 =	sadd.s32 @!p0 $0x88, s6;
	s7 =	simm.s32 @p2 $0x1082  }
0x22: {  	[simem:s7], [sflag:s8] =	dma.local @!p0 [hbm:s6], $0xF7A  }
0x23: {  	s9 =	sor.u32 $0xD0000000, s2;
	s6 =	simm.s32 $0x108;
	_ =	swait.ge @!p0 [sflag:s8], $0x0  }
0x24: {  	s3 =	sadd.s32 $0x88, s3;
	s6 =	simm.s32 @!p1 $0x1082;
	[sflag:s4] =	ssyncset.s32 $0xFFFFF086  }
0x25: {  	[simem:s6], [sflag:s4] =	dma.local [hbm:s3], $0xF7A  }
0x26: {  	[smem:$0x3F90] =	sst s1;
	(tag) =	ssettag s2;
	_ =	strace s9  }
0x27: {  	s1 =	sld [smem:$0x3FA0]  }
0x28: {  	s2 =	sld [smem:$0x3FA1]  }
0x29: {  	s4 =	sld [smem:$0x3FA3]  }
0x2a: {  	p0 =	seq.s32 s5, $0x0;
	s5 =	sld [smem:$0x3FA4]  }
0x2b: {  	s6 =	sld [smem:$0x3FA5]  }
0x2c: {  	s7 =	sld [smem:$0x3FA6]  }
0x2d: {  	s3 =	simm.s32 $0x108;
	s8 =	sld [smem:$0x3FA7]  }
0x2e: {  	s3 =	simm.s32 @!p0 $0x1082;
	s9 =	sld [smem:$0x3FA8]  }
0x2f: {  	lr =	sadd.s32 s0, s3;
	s0 =	sld [smem:$0x3F9F]  }
0x30: {  	s3 =	sld [smem:$0x3FA2]  }
0x31: {  	[smem:$0x3FAB] =	sst s10  }
0x32: {  	s10 =	sld [smem:$0x3FA9];
	_ =	sdelay $0x3  }
0x33: {  	p0 =	seq.s32 s10, $0x1;
	s10 =	sld [smem:$0x3FAB];
	_ =	sdelay $0x3  }
0x34: {  	[smem:$0x3FAB] =	sst s10  }
0x35: {  	s10 =	sld [smem:$0x3FAA];
	_ =	sdelay $0x3  }
0x36: {  	p1 =	seq.s32 s10, $0x1;
	s10 =	sld [smem:$0x3FAB];
	_ =	sdelay $0x3  }
0x37: {  	[smem:$0x3FAB] =	sst s10  }
0x38: {  	s10 =	sld [smem:$0x3FAC]  }
0x39: {  	_ = 	snop;
	(pc) =	sbr.ind lr, $3  }
0x3a: {  	_ = 	snop  }
0x3b: {  	_ = 	snop  }
0x3c: {  	p2 =	seq.s32 s10, $0x1;
	s10 =	sld [smem:$0x3FAB]  }
0x3d: {  	_ =	shalt  }
0x3e: {  	_ =	shalt  }
0x3f: {  	_ =	shalt  }
0x40: {  	_ =	shalt  }
0x41: {  	_ =	shalt  }
0x42: {  	_ =	shalt  }
0x43: {  	_ =	shalt  }
0x44: {  	_ =	shalt  }
0x45: {  	_ =	shalt  }
0x46: {  	_ =	shalt  }
0x47: {  	_ =	shalt  }
0x48: {  	_ =	shalt  }
0x49: {  	_ =	shalt  }
0x4a: {  	_ =	shalt  }
0x4b: {  	_ =	shalt  }
0x4c: {  	_ =	shalt  }
0x4d: {  	_ =	shalt  }
0x4e: {  	_ =	shalt  }
0x4f: {  	_ =	shalt  }
0x50: {  	_ =	shalt  }
0x51: {  	_ =	shalt  }
0x52: {  	_ =	shalt  }
0x53: {  	_ =	shalt  }
0x54: {  	_ =	shalt  }
0x55: {  	_ =	shalt  }
0x56: {  	_ =	shalt  }
0x57: {  	_ =	shalt  }
0x58: {  	_ =	shalt  }
0x59: {  	_ =	shalt  }
0x5a: {  	_ =	shalt  }
0x5b: {  	_ =	shalt  }
0x5c: {  	_ =	shalt  }
0x5d: {  	_ =	shalt  }
0x5e: {  	_ =	shalt  }
0x5f: {  	_ =	shalt  }
0x60: {  	_ =	shalt  }
0x61: {  	_ =	shalt  }
0x62: {  	_ =	shalt  }
0x63: {  	_ =	shalt  }
0x64: {  	_ =	shalt  }
0x65: {  	_ =	shalt  }
0x66: {  	_ =	shalt  }
0x67: {  	_ =	shalt  }
0x68: {  	_ =	shalt  }
0x69: {  	_ =	shalt  }
0x6a: {  	_ =	shalt  }
0x6b: {  	_ =	shalt  }
0x6c: {  	_ =	shalt  }
0x6d: {  	_ =	shalt  }
0x6e: {  	_ =	shalt  }
0x6f: {  	_ =	shalt  }
0x70: {  	_ =	shalt  }
0x71: {  	_ =	shalt  }
0x72: {  	_ =	shalt  }
0x73: {  	_ =	shalt  }
0x74: {  	_ =	shalt  }
0x75: {  	_ =	shalt  }
0x76: {  	_ =	shalt  }
0x77: {  	_ =	shalt  }
0x78: {  	_ =	shalt  }
0x79: {  	_ =	shalt  }
0x7a: {  	_ =	shalt  }
0x7b: {  	_ =	shalt  }
0x7c: {  	_ =	shalt  }
0x7d: {  	_ =	shalt  }
0x7e: {  	_ =	shalt  }
0x7f: {  	_ =	shalt  }
0x80: {  	_ =	shalt  }
0x81: {  	_ =	shalt  }
0x82: {  	_ =	shalt  }
0x83: {  	_ =	shalt  }
0x84: {  	_ =	shalt  }
0x85: {  	_ =	shalt  }
0x86: {  	_ =	shalt  }
0x87: {  	_ =	shalt  }
.Lfunc_end0:
.L_simem_size_0:
called_computation.1_lowered:
.L_overlay_start_0:
0x88: {  	s2 =	sld [smem:$0x3FD9]  }
0x89: {  	s3 =	sld [smem:$0x3FFE];
	_ =	sdelay $0x1  }
0x8a: {  	s1 =	srdreg.scid  }
0x8b: {  	s0 =	sand.u32 $0x1, s1  }
0x8c: {  	s16 =	sshll.u32 s0, $0xA;
	s2 =	sadd.s32 s3, s2  }
0x8d: {  	s2 =	sadd.s32 s2, s16  }
0x8e: {  	[smem:$0x3FB7] =	sst s2  }
0x8f: {  	_ = 	snop  }
0x90: {  	(tm) =	ssettm $0x1  }
0x91: {  	s17 =	sld [smem:$0x3FFB];
	_ =	sdelay $0x3  }
0x92: {  	_ =	strace s17  }
0x93: {  	s2 =	sld [smem:$0x3FFC];
	_ =	sdelay $0x3  }
0x94: {  	_ =	strace s2  }
0x95: {  	s2 =	sld [smem:$0x3FFD];
	_ =	sdelay $0x3  }
0x96: {  	_ =	strace s2  }
0x97: {  	_ =	strace $0x8FFFFFFF  }
0x98: {  	s18 =	sld [smem:$0x3FDB];
	_ =	sdelay $0x1  }
0x99: {  	s19 =	simm.s32 $_scs_section_size  }
0x9a: {  	s4 =	simm.s32 $_size__tile_overlayer_lowered;
	s5 =	simm.s32 $_tile_overlayer_lowered  }
0x9b: {  	s22 =	simm.s32 $0x1BFF;
	s21 =	sshll.u32 s5, $0x1;
	s2 =	sadd.s32 s19, s18  }
0x9c: {  	s6 =	simm.s32 $0x0;
	s20 =	sshll.u32 s4, $0x1;
	s4 =	sadd.s32 s21, s2  }
0x9d: {  	[timem:s6], [sflag:s22] =	dma.local [hbm:s4], s20  }
0x9e: {  	_ =	swait.ge [sflag:s22], s20  }
0x9f: {  	s3 =	ssub.s32 $0x0, s20;
	[sflag:s22] =	ssyncset.done $0x0  }
0xa0: {  	[sflag:s22] =	ssyncadd.s32 s3;
	_ =	sdelay $0x1  }
0xa1: {  	s23 =	simm.s32 $0x1B8B  }
0xa2: {  	_ =	swait.ge [sflag:s23], $0x1  }
0xa3: {  	[sflag:s23] =	ssyncset.done $0x0  }
0xa4: {  	s25 =	simm.s32 $0x1B8E;
	s24 =	sld [smem:$0x3FFE];
	[sflag:s23] =	ssyncadd.s32 $0xFFFFFFFF  }
0xa5: {  	s26 =	simm.s32 $execute0_lowered;
	[smem:$0x3FD2] =	sst s25  }
0xa6: {  	s4 =	sshll.u32 s26, $0x1;
	_ =	strace $0x80000049;
	[dreg:$0x1] =	wrdreg $0xFFFFFFFF  }
0xa7: {  	s28 =	simm.s32 $_size_execute0_lowered;
	s2 =	sadd.s32 s2, s4;
	[dreg:$0x0] =	wrdreg $0x0  }
0xa8: {  	s4 =	sshll.u32 s28, $0x1;
	[dreg:$0x2] =	wrdreg s2  }
0xa9: {  	[dreg:$0x3] =	wrdreg s4  }
0xaa: {  	[dreg:$0x4] =	wrdreg $0xC0  }
0xab: {  	_ =	task [dreg:s6], $0x5FFFF  }
0xac: {  	[dreg:$0x1] =	wrdreg $0xFFFFFFFF  }
0xad: {  	[dreg:$0x0] =	wrdreg $0x60  }
0xae: {  	[dreg:$0x2] =	wrdreg s24  }
0xaf: {  	[dreg:$0x3] =	wrdreg $0x9  }
0xb0: {  	_ =	task.clear_ibuf [dreg:s6], $0x4FFFF;
	_ =	strace $0x90000049  }
0xb1: {  	s29 =	simm.s32 $0x9;
	_ =	strace $0x8000004B  }
0xb2: {  	_ =	swait.ge [sflag:s29], $0x1  }
0xb3: {  	[sflag:s29] =	ssyncadd.s32 $0xFFFFFFFF  }
0xb4: {  	_ =	strace $0x9000004B  }
0xb5: {  	_ =	sfence  }
0xb6: {  	s30 =	sld [smem:$0x0];
	_ =	sdelay $0x2  }
0xb7: {  	s31 =	sshll.u32 s1, $0xD;
	s1 =	sshrl.u32 s1, $0x2  }
0xb8: {  	s3 =	sand.u32 $0x4000, s31;
	s1 =	sadd.s32 s1, s30  }
0xb9: {  	s0 =	sor.u32 s3, s0;
	s1 =	sshll.u32 s1, $0x11  }
0xba: {  	s0 =	sor.u32 s1, s0  }
0xbb: {  	s0 =	sadd.s32 $0x8F2B, s0  }
0xbc: {  	[sflag:s0] =	ssyncadd.remote.s32 $0x1  }
0xbd: {  	_ =	sfence.sel $0xFFFF  }
0xbe: {  	[dreg:$0x0] =	wrdreg $0xFFFFFFFF;
	(pc) =	sbr.abs _section_cstart, $3  }
0xbf: {  	[dreg:$0x1] =	wrdreg $0xFFFFFFFF  }
0xc0: {  	_ =	task.clear_ibuf [dreg:s6], $0x2FFFF;
	_ =	strace $0x9FFFFFFF  }
0xc1: {  	(tm) =	ssettm $0x7FFFFFFF  }
tec
execute0_lowered:
.L_overlay_start_1:
0x0: {  	(tag) =	ssettag $0x1  }
0x1: {  	s5 =	rddreg [dreg:$0x0]  }
0x2: {  	s2 =	simm.s32 $0x0;
	s3 =	srdreg.scid;
	s0 =	stileid.u32  }
0x3: {  	s31 =	simm.s32 $0x50;
	s12 =	simm.s32 $0x4000;
	s11 =	simm.s32 $0x1  }
0x4: {  	s13 =	simm.s32 $0x6800;
	s14 =	simm.s32 $0x9000;
	s15 =	simm.s32 $0xB800  }
0x5: {  	s16 =	simm.s32 $0x6;
	s17 =	simm.s32 $0x7;
	s18 =	simm.s32 $0x8  }
0x6: {  	s19 =	simm.s32 $0x9;
	s20 =	simm.s32 $0xA;
	s21 =	simm.s32 $0x0  }
0x7: {  	[smem:$0x7FF] =	sst s2;
	s6 =	sand.u32 $0x1, s3;
	s4 =	sshll.u32 s0, $0x1  }
0x8: {  	s3 =	sadd.s32 $0x14400, s5;
	_ =	strace $0x8000004A;
	[dreg:$0x2] =	wrdreg s31  }
0x9: {  	s10 =	smul.u32 $0x4E200, s0;
	s4 =	sor.u32 s6, s4;
	[dreg:$0x3] =	wrdreg s12  }
0xa: {  	s8 =	ssub.s32 $0x2, s6;
	s29 =	smul.u32 $0x27100, s6;
	[dreg:$0x4] =	wrdreg s13  }
0xb: {  	s12 =	simm.s32 $0x2;
	s13 =	simm.s32 $0x3;
	[dreg:$0x5] =	wrdreg s14  }
0xc: {  	s14 =	simm.s32 $0x4;
	[dreg:$0x6] =	wrdreg s15;
	s15 =	simm.s32 $0x5  }
0xd: {  	s7 =	sshll.u32 s4, $0xB;
	s4 =	smul.u32 $0x2710, s4;
	s9 =	sshrl.u32 s8, $0x1  }
0xe: {  	s7 =	sadd.s32 s7, s5;
	s5 =	sadd.s32 $0x3B600, s5;
	s8 =	ssub.s32 s8, s9  }
0xf: {  	s9 =	simm.s32 $0xB;
	s6 =	sadd.s32 $0x4400, s7;
	s30 =	sadd.s32 s10, s5  }
0x10: {  	s7 =	smax.u32 s8, $0x1;
	s10 =	simm.s32 $0xE000;
	s8 =	sadd.s32 s29, s30  }
.LBB2_1:
0x11: {  	[tilespmem:s2], [sflag:$0xB] =	stream.linear.gather [hbm4b:s6+s2], $0x3E80, $0x38;
	[tilespmem:$0x10800] =	vst v63  }
0x12: {  	_ =	swait.ge [sflag:s9], $0x3E80  }
0x13: {  	p0 =	por $0x0, $0x0;
	[sflag:s9] =	ssyncset.done $0x0  }
0x14: {  	s22 =	simm.s32 @p0 $0x6;
	[sflag:s9] =	ssyncadd.s32 $0xFFFFC180  }
0x15: {  	_ =	swait.ge @p0 [sflag:s22], $0x2800  }
0x16: {  	s23 =	simm.s32 @p0 $0x4000;
	s24 =	simm.s32 @p0 $0x7;
	[sflag:s22] =	ssyncset.done @p0 $0x0  }
0x17: {  	s25 =	simm.s32 @p0 $0x50;
	[sflag:s22] =	ssyncadd.s32 @p0 $0xFFFFD800;
	s22 =	simm.s32 @p0 $0x0  }
0x18: {  	[tilespmem:s23], [sflag:$0x1] =	stream.indirect.gather @p0 [hbm4b:s3+s25], $0x80, s22, s25, $0xb8;
	[tilespmem:$0x10800] =	vst v63  }
0x19: {  	_ =	swait.ge @p0 [sflag:s24], $0x2800  }
0x1a: {  	s22 =	simm.s32 @p0 $0x80;
	[sflag:s24] =	ssyncset.done @p0 $0x0  }
0x1b: {  	s23 =	simm.s32 @p0 $0x6800;
	[sflag:s24] =	ssyncadd.s32 @p0 $0xFFFFD800;
	s24 =	simm.s32 @p0 $0x8  }
0x1c: {  	[tilespmem:s23], [sflag:$0x2] =	stream.indirect.gather @p0 [hbm4b:s3+s25], $0x80, s22, s25, $0xb8;
	[tilespmem:$0x10800] =	vst v63  }
0x1d: {  	_ =	swait.ge @p0 [sflag:s24], $0x2800  }
0x1e: {  	s22 =	simm.s32 @p0 $0x100;
	[sflag:s24] =	ssyncset.done @p0 $0x0  }
0x1f: {  	s23 =	simm.s32 @p0 $0x9000;
	[sflag:s24] =	ssyncadd.s32 @p0 $0xFFFFD800;
	s24 =	simm.s32 @p0 $0x9  }
0x20: {  	[tilespmem:s23], [sflag:$0x3] =	stream.indirect.gather @p0 [hbm4b:s3+s25], $0x80, s22, s25, $0xb8;
	[tilespmem:$0x10800] =	vst v63  }
0x21: {  	_ =	swait.ge @p0 [sflag:s24], $0x2800  }
0x22: {  	s22 =	simm.s32 @p0 $0x180;
	[sflag:s24] =	ssyncset.done @p0 $0x0  }
0x23: {  	s23 =	simm.s32 @p0 $0xB800;
	[sflag:s24] =	ssyncadd.s32 @p0 $0xFFFFD800;
	s24 =	simm.s32 @p0 $0xA  }
0x24: {  	[tilespmem:s23], [sflag:$0x4] =	stream.indirect.gather @p0 [hbm4b:s3+s25], $0x80, s22, s25, $0xb8;
	[tilespmem:$0x10800] =	vst v63  }
0x25: {  	_ =	swait.ge @p0 [sflag:s24], $0x2800  }
0x26: {  	s22 =	simm.s32 @!p0 $0x4000;
	[sflag:s24] =	ssyncset.done @p0 $0x0  }
0x27: {  	s23 =	simm.s32 @!p0 $0x50;
	[sflag:s24] =	ssyncadd.s32 @p0 $0xFFFFD800;
	s24 =	simm.s32 @!p0 $0x0  }
0x28: {  	[tilespmem:s22], [sflag:$0x1] =	stream.indirect.gather @!p0 [hbm4b:s3+s23], $0x80, s24, s23, $0xb8;
	[tilespmem:$0x10800] =	vst v63  }
0x29: {  	s22 =	simm.s32 @!p0 $0x80;
	s24 =	simm.s32 @!p0 $0x6800  }
0x2a: {  	[tilespmem:s24], [sflag:$0x2] =	stream.indirect.gather @!p0 [hbm4b:s3+s23], $0x80, s22, s23, $0xb8;
	[tilespmem:$0x10800] =	vst v63  }
0x2b: {  	s24 =	simm.s32 $0x4  }
0x2c: {  	s26 =	simm.s32 @!p0 $0x9000;
	s25 =	simm.s32 @!p0 $0x100;
	s24 =	simm.s32 @!p0 $0x4  }
0x2d: {  	[tilespmem:s26], [sflag:$0x3] =	stream.indirect.gather @!p0 [hbm4b:s3+s23], $0x80, s25, s23, $0xb8;
	[tilespmem:$0x10800] =	vst v63  }
0x2e: {  	s22 =	simm.s32 @!p0 $0xB800;
	s25 =	simm.s32 @!p0 $0x180;
	s31 =	sshll.u32 s24, $0x7  }
0x2f: {  	[tilespmem:s22], [sflag:$0x4] =	stream.indirect.gather @!p0 [hbm4b:s3+s23], $0x80, s25, s23, $0xb8;
	[tilespmem:$0x10800] =	vst v63  }
0x30: {  	s28 =	rddreg [dreg:$0x2];
	s24 =	smul.u32 $0x50, s24;
	s0 =	sand.u32 $0x3FFFFF80, s31  }
0x31: {  	[tilespmem:s10], [sflag:$0x5] =	stream.indirect.gather [hbm4b:s3+s28], $0x80, s0, s28, $0xb8;
	[tilespmem:$0x10800] =	vst v63  }
0x32: {  	s23 =	simm.s32 @p0 $0x50;
	s31 =	sadd.s32 s4, s24;
	_ =	swait.ge [sflag:s11], $0x2800  }
0x33: {  	s24 =	sadd.s32 $0x1900, s8;
	s23 =	simm.s32 @!p0 $0x50;
	[sflag:s11] =	ssyncset.done $0x0  }
0x34: {  	s25 =	sadd.s32 s4, s23;
	s1 =	rddreg [dreg:$0x3];
	[sflag:s11] =	ssyncadd.s32 $0xFFFFD800  }
0x35: {  	[hbm4b:s8+s2] =	stream.linear.scatter [tilespmem:s1], [sflag:$0x6], $0x2800, $0x38;
	[tilespmem:$0x10800] =	vst v63  }
0x36: {  	s22 =	sshll.u32 s25, $0x4;
	s25 =	simm.s32 @p0 $0xA0;
	_ =	swait.ge [sflag:s12], $0x2800  }
0x37: {  	s22 =	sadd.s32 s5, s22;
	s25 =	simm.s32 @!p0 $0xA0;
	[sflag:s12] =	ssyncset.done $0x0  }
0x38: {  	s29 =	sadd.s32 s4, s25;
	s26 =	rddreg [dreg:$0x4];
	[sflag:s12] =	ssyncadd.s32 $0xFFFFD800  }
0x39: {  	[hbm4b:s22+s2] =	stream.linear.scatter [tilespmem:s26], [sflag:$0x7], $0x2800, $0x38;
	[tilespmem:$0x10800] =	vst v63  }
0x3a: {  	s25 =	simm.s32 $0xA00;
	s23 =	sshll.u32 s29, $0x4;
	_ =	swait.ge [sflag:s13], $0x2800  }
0x3b: {  	s23 =	sadd.s32 s5, s23;
	s22 =	simm.s32 $0xF0;
	[sflag:s13] =	ssyncset.done $0x0  }
0x3c: {  	s22 =	simm.s32 @!p0 $0xF0;
	s30 =	rddreg [dreg:$0x5];
	[sflag:s13] =	ssyncadd.s32 $0xFFFFD800  }
0x3d: {  	[hbm4b:s23+s2] =	stream.linear.scatter [tilespmem:s30], [sflag:$0x8], $0x2800, $0x38;
	[tilespmem:$0x10800] =	vst v63  }
0x3e: {  	s29 =	sshll.u32 s31, $0x4;
	s22 =	sadd.s32 s4, s22;
	_ =	swait.ge [sflag:s14], $0x2800  }
0x3f: {  	s26 =	simm.s32 $0x1400;
	s22 =	sshll.u32 s22, $0x4;
	[sflag:s14] =	ssyncset.done $0x0  }
0x40: {  	s22 =	sadd.s32 s5, s22;
	s28 =	rddreg [dreg:$0x6];
	[sflag:s14] =	ssyncadd.s32 $0xFFFFD800  }
0x41: {  	[hbm4b:s22+s2] =	stream.linear.scatter [tilespmem:s28], [sflag:$0x9], $0x2800, $0x38;
	[tilespmem:$0x10800] =	vst v63  }
0x42: {  	p0 =	por $0x1, $0x1;
	s23 =	simm.s32 $0x280;
	_ =	swait.ge [sflag:s15], $0x2800  }
0x43: {  	s22 =	simm.s32 $0x9;
	s28 =	sadd.s32 s5, s29;
	[sflag:s15] =	ssyncset.done $0x0  }
.LBB2_2:
0x44: {  	s29 =	simm.s32 @p0 $0x6;
	[sflag:s15] =	ssyncadd.s32 $0xFFFFD800  }
0x45: {  	[hbm4b:s28+s2] =	stream.linear.scatter [tilespmem:s10], [sflag:$0xA], $0x2800, $0x38;
	[tilespmem:$0x10800] =	vst v63  }
0x46: {  	s30 =	smov.u32 s26;
	_ =	swait.ge @p0 [sflag:s29], $0x2800  }
0x47: {  	s31 =	simm.s32 @p0 $0x7;
	s25 =	sshra.s32 @p0 s25, $0x2;
	[sflag:s29] =	ssyncset.done @p0 $0x0  }
0x48: {  	s28 =	simm.s32 @p0 $0x4000;
	[sflag:s29] =	ssyncadd.s32 @p0 $0xFFFFD800;
	s29 =	simm.s32 @p0 $0x50  }
0x49: {  	[tilespmem:s28], [sflag:$0x1] =	stream.indirect.gather @p0 [hbm4b:s3+s29], $0x80, s25, s29, $0xb8;
	[tilespmem:$0x10800] =	vst v63  }
0x4a: {  	s0 =	sadd.s32 @p0 $0x100, s25;
	s1 =	sadd.s32 @p0 $0x180, s25;
	_ =	swait.ge @p0 [sflag:s31], $0x2800  }
0x4b: {  	s28 =	sadd.s32 @p0 $0x80, s25;
	s25 =	smov.u32 s30;
	[sflag:s31] =	ssyncset.done @p0 $0x0  }
0x4c: {  	s30 =	simm.s32 @p0 $0x6800;
	[sflag:s31] =	ssyncadd.s32 @p0 $0xFFFFD800;
	s31 =	simm.s32 @p0 $0x8  }
0x4d: {  	[tilespmem:s30], [sflag:$0x2] =	stream.indirect.gather @p0 [hbm4b:s3+s29], $0x80, s28, s29, $0xb8;
	[tilespmem:$0x10800] =	vst v63  }
0x4e: {  	_ =	swait.ge @p0 [sflag:s31], $0x2800  }
0x4f: {  	[sflag:s31] =	ssyncset.done @p0 $0x0  }
0x50: {  	s28 =	simm.s32 @p0 $0x9000;
	s30 =	simm.s32 @p0 $0x9;
	[sflag:s31] =	ssyncadd.s32 @p0 $0xFFFFD800  }
0x51: {  	[tilespmem:s28], [sflag:$0x3] =	stream.indirect.gather @p0 [hbm4b:s3+s29], $0x80, s0, s29, $0xb8;
	[tilespmem:$0x10800] =	vst v63  }
0x52: {  	_ =	swait.ge @p0 [sflag:s30], $0x2800  }
0x53: {  	[sflag:s30] =	ssyncset.done @p0 $0x0  }
0x54: {  	s0 =	simm.s32 @p0 $0xB800;
	s28 =	simm.s32 @p0 $0xA;
	[sflag:s30] =	ssyncadd.s32 @p0 $0xFFFFD800  }
0x55: {  	[tilespmem:s0], [sflag:$0x4] =	stream.indirect.gather @p0 [hbm4b:s3+s29], $0x80, s1, s29, $0xb8;
	[tilespmem:$0x10800] =	vst v63  }
0x56: {  	_ =	swait.ge @p0 [sflag:s28], $0x2800  }
0x57: {  	s0 =	simm.s32 @!p0 $0x4000;
	[sflag:s28] =	ssyncset.done @p0 $0x0  }
0x58: {  	s1 =	simm.s32 @!p0 $0x50;
	[sflag:s28] =	ssyncadd.s32 @p0 $0xFFFFD800;
	s28 =	simm.s32 @!p0 $0x0  }
0x59: {  	[tilespmem:s0], [sflag:$0x1] =	stream.indirect.gather @!p0 [hbm4b:s3+s1], $0x80, s28, s1, $0xb8;
	[tilespmem:$0x10800] =	vst v63  }
0x5a: {  	s30 =	smov.u32 s22;
	s0 =	simm.s32 @!p0 $0x80;
	s28 =	simm.s32 @!p0 $0x6800  }
0x5b: {  	[tilespmem:s28], [sflag:$0x2] =	stream.indirect.gather @!p0 [hbm4b:s3+s1], $0x80, s0, s1, $0xb8;
	[tilespmem:$0x10800] =	vst v63  }
0x5c: {  	s30 =	simm.s32 @!p0 $0x4;
	s0 =	simm.s32 @!p0 $0x100;
	s28 =	simm.s32 @!p0 $0x9000  }
0x5d: {  	[tilespmem:s28], [sflag:$0x3] =	stream.indirect.gather @!p0 [hbm4b:s3+s1], $0x80, s0, s1, $0xb8;
	[tilespmem:$0x10800] =	vst v63  }
0x5e: {  	s29 =	simm.s32 @!p0 $0xB800;
	s0 =	simm.s32 @!p0 $0x180;
	s28 =	sshll.u32 s30, $0x7  }
0x5f: {  	[tilespmem:s29], [sflag:$0x4] =	stream.indirect.gather @!p0 [hbm4b:s3+s1], $0x80, s0, s1, $0xb8;
	[tilespmem:$0x10800] =	vst v63  }
0x60: {  	s31 =	rddreg [dreg:$0x2];
	s30 =	smul.u32 $0x50, s30;
	s29 =	sand.u32 $0x3FFFFF80, s28  }
0x61: {  	[tilespmem:s10], [sflag:$0x5] =	stream.indirect.gather [hbm4b:s3+s31], $0x80, s29, s31, $0xb8;
	[tilespmem:$0x10800] =	vst v63  }
0x62: {  	s28 =	sadd.s32 @p0 $0xFFFFFF60, s23;
	_ =	swait.ge [sflag:s11], $0x2800  }
0x63: {  	s1 =	sadd.s32 s4, s30;
	s28 =	simm.s32 @!p0 $0x50;
	[sflag:s11] =	ssyncset.done $0x0  }
0x64: {  	s30 =	sadd.s32 s4, s28;
	s29 =	rddreg [dreg:$0x3];
	[sflag:s11] =	ssyncadd.s32 $0xFFFFD800  }
0x65: {  	[hbm4b:s24+s2] =	stream.linear.scatter [tilespmem:s29], [sflag:$0x6], $0x2800, $0x38;
	[tilespmem:$0x10800] =	vst v63  }
0x66: {  	s0 =	sshll.u32 s1, $0x4;
	s1 =	sshll.u32 s30, $0x4;
	_ =	swait.ge [sflag:s12], $0x2800  }
0x67: {  	s1 =	sadd.s32 s5, s1;
	s29 =	sadd.s32 @p0 $0xFFFFFFB0, s23;
	[sflag:s12] =	ssyncset.done $0x0  }
0x68: {  	s29 =	simm.s32 @!p0 $0xA0;
	s28 =	rddreg [dreg:$0x4];
	[sflag:s12] =	ssyncadd.s32 $0xFFFFD800  }
0x69: {  	[hbm4b:s1+s2] =	stream.linear.scatter [tilespmem:s28], [sflag:$0x7], $0x2800, $0x38;
	[tilespmem:$0x10800] =	vst v63  }
0x6a: {  	s31 =	sadd.s32 s4, s29;
	_ =	swait.ge [sflag:s13], $0x2800  }
0x6b: {  	s1 =	sshll.u32 s31, $0x4;
	[sflag:s13] =	ssyncset.done $0x0  }
0x6c: {  	s1 =	sadd.s32 s5, s1;
	s28 =	rddreg [dreg:$0x5];
	[sflag:s13] =	ssyncadd.s32 $0xFFFFD800  }
0x6d: {  	[hbm4b:s1+s2] =	stream.linear.scatter [tilespmem:s28], [sflag:$0x8], $0x2800, $0x38;
	[tilespmem:$0x10800] =	vst v63  }
0x6e: {  	s26 =	sadd.s32 $0xA00, s26;
	s1 =	smov.u32 s23  }
0x6f: {  	p1 =	sne.s32 s26, $0xFA00;
	s1 =	simm.s32 @!p0 $0xF0  }
0x70: {  	s22 =	sadd.s32 $0x5, s22;
	_ =	swait.ge [sflag:s14], $0x2800;
	s1 =	sadd.s32 s4, s1  }
.Ltmp0:
0x71: {  	[sflag:s14] =	ssyncset.done $0x0;
	s1 =	sshll.u32 s1, $0x4;
	(pc) =	sbr.rel @p1 .LBB2_2-.Ltmp0, $4  }
0x72: {  	s28 =	rddreg [dreg:$0x6];
	[sflag:s14] =	ssyncadd.s32 $0xFFFFD800;
	s1 =	sadd.s32 s5, s1  }
0x73: {  	[hbm4b:s1+s2] =	stream.linear.scatter [tilespmem:s28], [sflag:$0x9], $0x2800, $0x38;
	[tilespmem:$0x10800] =	vst v63  }
0x74: {  	s24 =	sadd.s32 $0x1900, s24;
	s23 =	sadd.s32 $0x190, s23;
	_ =	swait.ge [sflag:s15], $0x2800  }
0x75: {  	p0 =	sne.s32 s25, $0x0;
	s28 =	sadd.s32 s5, s0;
	[sflag:s15] =	ssyncset.done $0x0  }
0x76: {  	s0 =	simm.s32 @p0 $0x6;
	[sflag:s15] =	ssyncadd.s32 $0xFFFFD800  }
0x77: {  	[hbm4b:s28+s2] =	stream.linear.scatter [tilespmem:s10], [sflag:$0xA], $0x2800, $0x38;
	[tilespmem:$0x10800] =	vst v63  }
0x78: {  	_ =	swait.ge @p0 [sflag:s0], $0x2800  }
0x79: {  	s1 =	simm.s32 @p0 $0x4000;
	s26 =	simm.s32 @p0 $0x7;
	[sflag:s0] =	ssyncset.done @p0 $0x0  }
0x7a: {  	[sflag:s0] =	ssyncadd.s32 @p0 $0xFFFFD800;
	s0 =	sshra.s32 @p0 s25, $0x2;
	s25 =	simm.s32 @p0 $0x50  }
0x7b: {  	[tilespmem:s1], [sflag:$0x1] =	stream.indirect.gather @p0 [hbm4b:s3+s25], $0x80, s0, s25, $0xb8;
	[tilespmem:$0x10800] =	vst v63  }
0x7c: {  	_ =	swait.ge @p0 [sflag:s26], $0x2800  }
0x7d: {  	s28 =	simm.s32 @p0 $0x8;
	[sflag:s26] =	ssyncset.done @p0 $0x0  }
0x7e: {  	s1 =	sadd.s32 @p0 $0x80, s0;
	[sflag:s26] =	ssyncadd.s32 @p0 $0xFFFFD800;
	s26 =	simm.s32 @p0 $0x6800  }
0x7f: {  	[tilespmem:s26], [sflag:$0x2] =	stream.indirect.gather @p0 [hbm4b:s3+s25], $0x80, s1, s25, $0xb8;
	[tilespmem:$0x10800] =	vst v63  }
0x80: {  	_ =	swait.ge @p0 [sflag:s28], $0x2800  }
0x81: {  	s1 =	sadd.s32 @p0 $0x100, s0;
	[sflag:s28] =	ssyncset.done @p0 $0x0  }
0x82: {  	s26 =	simm.s32 @p0 $0x9000;
	[sflag:s28] =	ssyncadd.s32 @p0 $0xFFFFD800;
	s28 =	simm.s32 @p0 $0x9  }
0x83: {  	[tilespmem:s26], [sflag:$0x3] =	stream.indirect.gather @p0 [hbm4b:s3+s25], $0x80, s1, s25, $0xb8;
	[tilespmem:$0x10800] =	vst v63  }
0x84: {  	_ =	swait.ge @p0 [sflag:s28], $0x2800  }
0x85: {  	s0 =	sadd.s32 @p0 $0x180, s0;
	[sflag:s28] =	ssyncset.done @p0 $0x0  }
0x86: {  	s1 =	simm.s32 @p0 $0xB800;
	s26 =	simm.s32 @p0 $0xA;
	[sflag:s28] =	ssyncadd.s32 @p0 $0xFFFFD800  }
0x87: {  	[tilespmem:s1], [sflag:$0x4] =	stream.indirect.gather @p0 [hbm4b:s3+s25], $0x80, s0, s25, $0xb8;
	[tilespmem:$0x10800] =	vst v63  }
0x88: {  	_ =	swait.ge @p0 [sflag:s26], $0x2800  }
0x89: {  	s0 =	simm.s32 @!p0 $0x4000;
	[sflag:s26] =	ssyncset.done @p0 $0x0  }
0x8a: {  	s1 =	simm.s32 @!p0 $0x50;
	s25 =	simm.s32 @!p0 $0x0;
	[sflag:s26] =	ssyncadd.s32 @p0 $0xFFFFD800  }
0x8b: {  	[tilespmem:s0], [sflag:$0x1] =	stream.indirect.gather @!p0 [hbm4b:s3+s1], $0x80, s25, s1, $0xb8;
	[tilespmem:$0x10800] =	vst v63  }
0x8c: {  	s0 =	simm.s32 @!p0 $0x80;
	s25 =	simm.s32 @!p0 $0x6800  }
0x8d: {  	[tilespmem:s25], [sflag:$0x2] =	stream.indirect.gather @!p0 [hbm4b:s3+s1], $0x80, s0, s1, $0xb8;
	[tilespmem:$0x10800] =	vst v63  }
0x8e: {  	s22 =	simm.s32 @!p0 $0x4;
	s0 =	simm.s32 @!p0 $0x100;
	s25 =	simm.s32 @!p0 $0x9000  }
0x8f: {  	[tilespmem:s25], [sflag:$0x3] =	stream.indirect.gather @!p0 [hbm4b:s3+s1], $0x80, s0, s1, $0xb8;
	[tilespmem:$0x10800] =	vst v63  }
0x90: {  	s31 =	sshll.u32 s22, $0x7;
	s26 =	simm.s32 @!p0 $0xB800;
	s0 =	simm.s32 @!p0 $0x180  }
0x91: {  	[tilespmem:s26], [sflag:$0x4] =	stream.indirect.gather @!p0 [hbm4b:s3+s1], $0x80, s0, s1, $0xb8;
	[tilespmem:$0x10800] =	vst v63  }
0x92: {  	s30 =	sand.u32 $0x3FFFFF80, s31;
	s29 =	rddreg [dreg:$0x2]  }
0x93: {  	[tilespmem:s10], [sflag:$0x5] =	stream.indirect.gather [hbm4b:s3+s29], $0x80, s30, s29, $0xb8;
	[tilespmem:$0x10800] =	vst v63  }
0x94: {  	_ =	swait.ge [sflag:s11], $0x2800  }
0x95: {  	s1 =	sadd.s32 @p0 $0xFFFFFF60, s23;
	[sflag:s11] =	ssyncset.done $0x0  }
0x96: {  	s1 =	simm.s32 @!p0 $0x50;
	s31 =	rddreg [dreg:$0x3];
	[sflag:s11] =	ssyncadd.s32 $0xFFFFD800  }
0x97: {  	[hbm4b:s24+s2] =	stream.linear.scatter [tilespmem:s31], [sflag:$0x6], $0x2800, $0x38;
	[tilespmem:$0x10800] =	vst v63  }
0x98: {  	s24 =	sadd.s32 s4, s1  }
0x99: {  	_ =	swait.ge [sflag:s12], $0x2800;
	s0 =	sshll.u32 s24, $0x4  }
0x9a: {  	s24 =	sadd.s32 @p0 $0xFFFFFFB0, s23;
	s25 =	rddreg [dreg:$0x4];
	[sflag:s12] =	ssyncset.done $0x0  }
0x9b: {  	s0 =	sadd.s32 s5, s0;
	s24 =	simm.s32 @!p0 $0xA0;
	[sflag:s12] =	ssyncadd.s32 $0xFFFFD800  }
0x9c: {  	[hbm4b:s0+s2] =	stream.linear.scatter [tilespmem:s25], [sflag:$0x7], $0x2800, $0x38;
	[tilespmem:$0x10800] =	vst v63  }
0x9d: {  	s26 =	sadd.s32 s4, s24;
	_ =	swait.ge [sflag:s13], $0x2800  }
0x9e: {  	s23 =	simm.s32 @!p0 $0xF0;
	s0 =	sshll.u32 s26, $0x4;
	[sflag:s13] =	ssyncset.done $0x0  }
0x9f: {  	s0 =	sadd.s32 s5, s0;
	s28 =	rddreg [dreg:$0x5];
	[sflag:s13] =	ssyncadd.s32 $0xFFFFD800  }
0xa0: {  	[hbm4b:s0+s2] =	stream.linear.scatter [tilespmem:s28], [sflag:$0x8], $0x2800, $0x38;
	[tilespmem:$0x10800] =	vst v63  }
0xa1: {  	s29 =	sadd.s32 s4, s23;
	_ =	swait.ge [sflag:s14], $0x2800  }
0xa2: {  	s22 =	smul.u32 $0x50, s22;
	s0 =	sshll.u32 s29, $0x4;
	[sflag:s14] =	ssyncset.done $0x0  }
0xa3: {  	s0 =	sadd.s32 s5, s0;
	s30 =	rddreg [dreg:$0x6];
	[sflag:s14] =	ssyncadd.s32 $0xFFFFD800  }
0xa4: {  	[hbm4b:s0+s2] =	stream.linear.scatter [tilespmem:s30], [sflag:$0x9], $0x2800, $0x38;
	[tilespmem:$0x10800] =	vst v63  }
0xa5: {  	s31 =	sadd.s32 s4, s22;
	_ =	swait.ge [sflag:s15], $0x2800  }
0xa6: {  	s0 =	sshll.u32 s31, $0x4;
	[sflag:s15] =	ssyncset.done $0x0  }
0xa7: {  	s0 =	sadd.s32 s5, s0;
	[sflag:s15] =	ssyncadd.s32 $0xFFFFD800  }
0xa8: {  	[hbm4b:s0+s2] =	stream.linear.scatter [tilespmem:s10], [sflag:$0xA], $0x2800, $0x38;
	[tilespmem:$0x10800] =	vst v63  }
0xa9: {  	_ =	swait.ge [sflag:s16], $0x2800  }
0xaa: {  	[sflag:s16] =	ssyncset.done $0x0  }
0xab: {  	[sflag:s16] =	ssyncadd.s32 $0xFFFFD800  }
0xac: {  	_ =	swait.ge [sflag:s17], $0x2800  }
0xad: {  	[sflag:s17] =	ssyncset.done $0x0  }
0xae: {  	[sflag:s17] =	ssyncadd.s32 $0xFFFFD800  }
0xaf: {  	_ =	swait.ge [sflag:s18], $0x2800  }
0xb0: {  	[sflag:s18] =	ssyncset.done $0x0  }
0xb1: {  	s21 =	sadd.s32 $0x1, s21;
	[sflag:s18] =	ssyncadd.s32 $0xFFFFD800  }
0xb2: {  	p0 =	sne.s32 s21, s7;
	_ =	swait.ge [sflag:s19], $0x2800  }
.Ltmp1:
0xb3: {  	[sflag:s19] =	ssyncset.done $0x0;
	(pc) =	sbr.rel @p0 .LBB2_1-.Ltmp1, $4  }
0xb4: {  	[sflag:s19] =	ssyncadd.s32 $0xFFFFD800  }
0xb5: {  	_ =	swait.ge [sflag:s20], $0x2800  }
0xb6: {  	[sflag:s20] =	ssyncset.done $0x0  }
0xb7: {  	[sflag:s20] =	ssyncadd.s32 $0xFFFFD800  }
0xb8: {  	_ =	sfence.sel $0x180000  }
0xb9: {  	[bflag:$0x0] =	sbarrier.arrive $0xFFFF  }
0xba: {  	_ =	strace $0x9000004A  }
0xbb: {  	s0 =	stileid.u32;
	[bflag:$0x2] =	sbarrier.arrive $0xFFFF  }
0xbc: {  	p0 =	sne.s32 s0, $0x0;
	s0 =	rddreg [dreg:$0x1]  }
0xbd: {  	s0 =	sadd.s32 @!p0 $0x100000, s0  }
0xbe: {  	[sflag:s0] =	ssyncadd.tile.s32 @!p0 $0x1;
	_ =	shalt  }
.Lfunc_end2:
_tile_overlayer_lowered:
.L_overlay_start_2:
0xbf: {  	(tag) =	ssettag $0x2  }
0xc0: {  	s0 =	rddreg [dreg:$0x0];
	s2 =	stileid.u32  }
0xc1: {  	s1 =	rddreg [dreg:$0x1];
	p0 =	sne.s32 s2, $0x0  }
0xc2: {  	s3 =	rddreg [dreg:$0x2];
	[bflag:$0x3] =	sbarrier.arrive $0xFFFF;
	s2 =	simm.s32 @!p0 $0x1C0B  }
0xc3: {  	[timem:s3], [sflag:s2] =	dma.local @!p0 [hbm:s0], s1  }
0xc4: {  	s0 =	simm.s32 @!p0 $0xB  }
0xc5: {  	_ =	swait.ge @!p0 [sflag:s0], s1  }
0xc6: {  	s1 =	ssub.s32 @!p0 $0x0, s1;
	[sflag:s0] =	ssyncset.done @!p0 $0x0  }
0xc7: {  	[sflag:s0] =	ssyncadd.s32 @!p0 s1  }
0xc8: {  	[bflag:$0x3] =	sbarrier.arrive $0xFFFF  }
0xc9: {  	_ =	shalt  }

// kernel: kernel.8.cloned.1.call-start
scs
__scs_entry_jumppad:
0x0: {  	(pc) =	sbr.rel $0x88, $3  }
0x1: {  	(tag) =	ssettag $0x0;
	lr =	simm.s32 $0x1  }
0x2: {  	[smem:$0x3F90] =	sst lr;
	_ =	strace $0xD0000000  }
0x3: {  	_ = 	snop  }
0x4: {  	_ = 	snop  }
0x5: {  	_ = 	snop  }
0x6: {  	_ = 	snop  }
0x7: {  	_ = 	snop  }
__scs_overlays_trampoline_lowered:
0x8: {  	[smem:$0x3F9F] =	sst s0  }
0x9: {  	[smem:$0x3FA0] =	sst s1  }
0xa: {  	[smem:$0x3FA1] =	sst s2  }
0xb: {  	[smem:$0x3FA2] =	sst s3  }
0xc: {  	[smem:$0x3FA3] =	sst s4  }
0xd: {  	[smem:$0x3FA4] =	sst s5  }
0xe: {  	[smem:$0x3FA5] =	sst s6  }
0xf: {  	[smem:$0x3FA6] =	sst s7  }
0x10: {  	[smem:$0x3FA7] =	sst s8  }
0x11: {  	[smem:$0x3FA8] =	sst s9;
	s0 =	simm.s32 @!p0 $0x0  }
0x12: {  	s1 =	sld [smem:$0x3F8E];
	s0 =	simm.s32 @p0 $0x1  }
0x13: {  	[smem:$0x3FA9] =	sst s0;
	s0 =	simm.s32 @!p1 $0x0  }
0x14: {  	s2 =	sld [smem:$0x3F8D];
	s0 =	simm.s32 @p1 $0x1  }
0x15: {  	[smem:$0x3FAA] =	sst s0;
	s0 =	simm.s32 @!p2 $0x0  }
0x16: {  	s3 =	sld [smem:$0x3FDB];
	s0 =	simm.s32 @p2 $0x1  }
0x17: {  	s4 =	simm.s32 $0x1BF5;
	[smem:$0x3FAC] =	sst s0  }
0x18: {  	s0 =	sld [smem:$0x3F8F];
	_ =	swait.ge [sflag:s4], $0x0  }
0x19: {  	s7 =	sld [smem:$0x3F90]  }
0x1a: {  	s8 =	sadd.s32 $0xFFFFE003, lr  }
0x1b: {  	s9 =	sadd.s32 $0xFFFFFEF7, lr;
	s5 =	simm.s32 $0xFFFFFFFF;
	p2 =	slt.u32 s8, $0xFFFFF086  }
0x1c: {  	p1 =	slt.u32 s9, $0xF7A;
	s5 =	simm.s32 @!p2 $0x0  }
0x1d: {  	s5 =	simm.s32 @p1 $0x1;
	p0 =	seq.s32 s7, s2  }
0x1e: {  	s7 =	smul.u32 @!p0 $0xF7A, s2;
	p2 =	seq.s32 @!p0 s5, $0x0  }
0x1f: {  	s9 =	smul.u32 $0xF7A, s1;
	s8 =	simm.s32 @!p0 $0x1BF5;
	p2 =	por !p2, p0  }
0x20: {  	[sflag:s8] =	ssyncset.s32 @!p0 $0xFFFFF086;
	s6 =	sadd.s32 @!p0 s3, s7;
	s7 =	simm.s32 @!p0 $0x108  }
0x21: {  	s3 =	sadd.s32 s3, s9;
	s6 =	sadd.s32 @!p0 $0x88, s6;
	s7 =	simm.s32 @p2 $0x1082  }
0x22: {  	[simem:s7], [sflag:s8] =	dma.local @!p0 [hbm:s6], $0xF7A  }
0x23: {  	s9 =	sor.u32 $0xD0000000, s2;
	s6 =	simm.s32 $0x108;
	_ =	swait.ge @!p0 [sflag:s8], $0x0  }
0x24: {  	s3 =	sadd.s32 $0x88, s3;
	s6 =	simm.s32 @!p1 $0x1082;
	[sflag:s4] =	ssyncset.s32 $0xFFFFF086  }
0x25: {  	[simem:s6], [sflag:s4] =	dma.local [hbm:s3], $0xF7A  }
0x26: {  	[smem:$0x3F90] =	sst s1;
	(tag) =	ssettag s2;
	_ =	strace s9  }
0x27: {  	s1 =	sld [smem:$0x3FA0]  }
0x28: {  	s2 =	sld [smem:$0x3FA1]  }
0x29: {  	s4 =	sld [smem:$0x3FA3]  }
0x2a: {  	p0 =	seq.s32 s5, $0x0;
	s5 =	sld [smem:$0x3FA4]  }
0x2b: {  	s6 =	sld [smem:$0x3FA5]  }
0x2c: {  	s7 =	sld [smem:$0x3FA6]  }
0x2d: {  	s3 =	simm.s32 $0x108;
	s8 =	sld [smem:$0x3FA7]  }
0x2e: {  	s3 =	simm.s32 @!p0 $0x1082;
	s9 =	sld [smem:$0x3FA8]  }
0x2f: {  	lr =	sadd.s32 s0, s3;
	s0 =	sld [smem:$0x3F9F]  }
0x30: {  	s3 =	sld [smem:$0x3FA2]  }
0x31: {  	[smem:$0x3FAB] =	sst s10  }
0x32: {  	s10 =	sld [smem:$0x3FA9];
	_ =	sdelay $0x3  }
0x33: {  	p0 =	seq.s32 s10, $0x1;
	s10 =	sld [smem:$0x3FAB];
	_ =	sdelay $0x3  }
0x34: {  	[smem:$0x3FAB] =	sst s10  }
0x35: {  	s10 =	sld [smem:$0x3FAA];
	_ =	sdelay $0x3  }
0x36: {  	p1 =	seq.s32 s10, $0x1;
	s10 =	sld [smem:$0x3FAB];
	_ =	sdelay $0x3  }
0x37: {  	[smem:$0x3FAB] =	sst s10  }
0x38: {  	s10 =	sld [smem:$0x3FAC]  }
0x39: {  	_ = 	snop;
	(pc) =	sbr.ind lr, $3  }
0x3a: {  	_ = 	snop  }
0x3b: {  	_ = 	snop  }
0x3c: {  	p2 =	seq.s32 s10, $0x1;
	s10 =	sld [smem:$0x3FAB]  }
0x3d: {  	_ =	shalt  }
0x3e: {  	_ =	shalt  }
0x3f: {  	_ =	shalt  }
0x40: {  	_ =	shalt  }
0x41: {  	_ =	shalt  }
0x42: {  	_ =	shalt  }
0x43: {  	_ =	shalt  }
0x44: {  	_ =	shalt  }
0x45: {  	_ =	shalt  }
0x46: {  	_ =	shalt  }
0x47: {  	_ =	shalt  }
0x48: {  	_ =	shalt  }
0x49: {  	_ =	shalt  }
0x4a: {  	_ =	shalt  }
0x4b: {  	_ =	shalt  }
0x4c: {  	_ =	shalt  }
0x4d: {  	_ =	shalt  }
0x4e: {  	_ =	shalt  }
0x4f: {  	_ =	shalt  }
0x50: {  	_ =	shalt  }
0x51: {  	_ =	shalt  }
0x52: {  	_ =	shalt  }
0x53: {  	_ =	shalt  }
0x54: {  	_ =	shalt  }
0x55: {  	_ =	shalt  }
0x56: {  	_ =	shalt  }
0x57: {  	_ =	shalt  }
0x58: {  	_ =	shalt  }
0x59: {  	_ =	shalt  }
0x5a: {  	_ =	shalt  }
0x5b: {  	_ =	shalt  }
0x5c: {  	_ =	shalt  }
0x5d: {  	_ =	shalt  }
0x5e: {  	_ =	shalt  }
0x5f: {  	_ =	shalt  }
0x60: {  	_ =	shalt  }
0x61: {  	_ =	shalt  }
0x62: {  	_ =	shalt  }
0x63: {  	_ =	shalt  }
0x64: {  	_ =	shalt  }
0x65: {  	_ =	shalt  }
0x66: {  	_ =	shalt  }
0x67: {  	_ =	shalt  }
0x68: {  	_ =	shalt  }
0x69: {  	_ =	shalt  }
0x6a: {  	_ =	shalt  }
0x6b: {  	_ =	shalt  }
0x6c: {  	_ =	shalt  }
0x6d: {  	_ =	shalt  }
0x6e: {  	_ =	shalt  }
0x6f: {  	_ =	shalt  }
0x70: {  	_ =	shalt  }
0x71: {  	_ =	shalt  }
0x72: {  	_ =	shalt  }
0x73: {  	_ =	shalt  }
0x74: {  	_ =	shalt  }
0x75: {  	_ =	shalt  }
0x76: {  	_ =	shalt  }
0x77: {  	_ =	shalt  }
0x78: {  	_ =	shalt  }
0x79: {  	_ =	shalt  }
0x7a: {  	_ =	shalt  }
0x7b: {  	_ =	shalt  }
0x7c: {  	_ =	shalt  }
0x7d: {  	_ =	shalt  }
0x7e: {  	_ =	shalt  }
0x7f: {  	_ =	shalt  }
0x80: {  	_ =	shalt  }
0x81: {  	_ =	shalt  }
0x82: {  	_ =	shalt  }
0x83: {  	_ =	shalt  }
0x84: {  	_ =	shalt  }
0x85: {  	_ =	shalt  }
0x86: {  	_ =	shalt  }
0x87: {  	_ =	shalt  }
.Lfunc_end0:
.L_simem_size_0:
called_computation_lowered:
.L_overlay_start_0:
0x88: {  	s2 =	sld [smem:$0x3FD9]  }
0x89: {  	s3 =	sld [smem:$0x3FFE];
	_ =	sdelay $0x1  }
0x8a: {  	s1 =	srdreg.scid  }
0x8b: {  	s0 =	sand.u32 $0x1, s1  }
0x8c: {  	s16 =	sshll.u32 s0, $0xA;
	s2 =	sadd.s32 s3, s2  }
0x8d: {  	s2 =	sadd.s32 s2, s16  }
0x8e: {  	[smem:$0x3FB7] =	sst s2  }
0x8f: {  	_ = 	snop  }
0x90: {  	(tm) =	ssettm $0x1  }
0x91: {  	s17 =	sld [smem:$0x3FFB];
	_ =	sdelay $0x3  }
0x92: {  	_ =	strace s17  }
0x93: {  	s2 =	sld [smem:$0x3FFC];
	_ =	sdelay $0x3  }
0x94: {  	_ =	strace s2  }
0x95: {  	s2 =	sld [smem:$0x3FFD];
	_ =	sdelay $0x3  }
0x96: {  	_ =	strace s2  }
0x97: {  	_ =	strace $0x8FFFFFFF  }
0x98: {  	s18 =	sld [smem:$0x3FDB];
	_ =	sdelay $0x1  }
0x99: {  	s19 =	simm.s32 $_scs_section_size  }
0x9a: {  	s4 =	simm.s32 $_size__tile_overlayer_lowered;
	s5 =	simm.s32 $_tile_overlayer_lowered  }
0x9b: {  	s22 =	simm.s32 $0x1BFF;
	s21 =	sshll.u32 s5, $0x1;
	s2 =	sadd.s32 s19, s18  }
0x9c: {  	s6 =	simm.s32 $0x0;
	s20 =	sshll.u32 s4, $0x1;
	s4 =	sadd.s32 s21, s2  }
0x9d: {  	[timem:s6], [sflag:s22] =	dma.local [hbm:s4], s20  }
0x9e: {  	_ =	swait.ge [sflag:s22], s20  }
0x9f: {  	s3 =	ssub.s32 $0x0, s20;
	[sflag:s22] =	ssyncset.done $0x0  }
0xa0: {  	[sflag:s22] =	ssyncadd.s32 s3;
	_ =	sdelay $0x1  }
0xa1: {  	s23 =	simm.s32 $0x1B8B  }
0xa2: {  	_ =	swait.ge [sflag:s23], $0x1  }
0xa3: {  	[sflag:s23] =	ssyncset.done $0x0  }
0xa4: {  	s25 =	simm.s32 $0x1B8E;
	s24 =	sld [smem:$0x3FFE];
	[sflag:s23] =	ssyncadd.s32 $0xFFFFFFFF  }
0xa5: {  	s26 =	simm.s32 $execute0_lowered;
	[smem:$0x3FD2] =	sst s25  }
0xa6: {  	s4 =	sshll.u32 s26, $0x1;
	_ =	strace $0x80000046;
	[dreg:$0x1] =	wrdreg $0xFFFFFFFF  }
0xa7: {  	s28 =	simm.s32 $_size_execute0_lowered;
	s2 =	sadd.s32 s2, s4;
	[dreg:$0x0] =	wrdreg $0x0  }
0xa8: {  	s4 =	sshll.u32 s28, $0x1;
	[dreg:$0x2] =	wrdreg s2  }
0xa9: {  	[dreg:$0x3] =	wrdreg s4  }
0xaa: {  	[dreg:$0x4] =	wrdreg $0xC0  }
0xab: {  	_ =	task [dreg:s6], $0x5FFFF  }
0xac: {  	[dreg:$0x1] =	wrdreg $0xFFFFFFFF  }
0xad: {  	[dreg:$0x0] =	wrdreg $0x60  }
0xae: {  	[dreg:$0x2] =	wrdreg s24  }
0xaf: {  	[dreg:$0x3] =	wrdreg $0x9  }
0xb0: {  	_ =	task.clear_ibuf [dreg:s6], $0x4FFFF;
	_ =	strace $0x90000046  }
0xb1: {  	s29 =	simm.s32 $0x9;
	_ =	strace $0x80000048  }
0xb2: {  	_ =	swait.ge [sflag:s29], $0x1  }
0xb3: {  	[sflag:s29] =	ssyncadd.s32 $0xFFFFFFFF  }
0xb4: {  	_ =	strace $0x90000048  }
0xb5: {  	_ =	sfence  }
0xb6: {  	s30 =	sld [smem:$0x0];
	_ =	sdelay $0x2  }
0xb7: {  	s31 =	sshll.u32 s1, $0xD;
	s1 =	sshrl.u32 s1, $0x2  }
0xb8: {  	s3 =	sand.u32 $0x4000, s31;
	s1 =	sadd.s32 s1, s30  }
0xb9: {  	s0 =	sor.u32 s3, s0;
	s1 =	sshll.u32 s1, $0x11  }
0xba: {  	s0 =	sor.u32 s1, s0  }
0xbb: {  	s0 =	sadd.s32 $0x8F2B, s0  }
0xbc: {  	[sflag:s0] =	ssyncadd.remote.s32 $0x1  }
0xbd: {  	_ =	sfence.sel $0xFFFF  }
0xbe: {  	[dreg:$0x0] =	wrdreg $0xFFFFFFFF;
	(pc) =	sbr.abs _section_cstart, $3  }
0xbf: {  	[dreg:$0x1] =	wrdreg $0xFFFFFFFF  }
0xc0: {  	_ =	task.clear_ibuf [dreg:s6], $0x2FFFF;
	_ =	strace $0x9FFFFFFF  }
0xc1: {  	(tm) =	ssettm $0x7FFFFFFF  }
tec
execute0_lowered:
.L_overlay_start_1:
0x0: {  	(tag) =	ssettag $0x1  }
0x1: {  	s5 =	rddreg [dreg:$0x0]  }
0x2: {  	s2 =	simm.s32 $0x0;
	s3 =	srdreg.scid;
	s0 =	stileid.u32  }
0x3: {  	s31 =	simm.s32 $0x50;
	s12 =	simm.s32 $0x4000;
	s11 =	simm.s32 $0x1  }
0x4: {  	s13 =	simm.s32 $0x6800;
	s14 =	simm.s32 $0x9000;
	s15 =	simm.s32 $0xB800  }
0x5: {  	s16 =	simm.s32 $0x6;
	s17 =	simm.s32 $0x7;
	s18 =	simm.s32 $0x8  }
0x6: {  	s19 =	simm.s32 $0x9;
	s20 =	simm.s32 $0xA;
	s21 =	simm.s32 $0x0  }
0x7: {  	[smem:$0x7FF] =	sst s2;
	s6 =	sand.u32 $0x1, s3;
	s4 =	sshll.u32 s0, $0x1  }
0x8: {  	s3 =	sadd.s32 $0x14400, s5;
	_ =	strace $0x80000047;
	[dreg:$0x2] =	wrdreg s31  }
0x9: {  	s10 =	smul.u32 $0x4E200, s0;
	s4 =	sor.u32 s6, s4;
	[dreg:$0x3] =	wrdreg s12  }
0xa: {  	s8 =	ssub.s32 $0x2, s6;
	s29 =	smul.u32 $0x27100, s6;
	[dreg:$0x4] =	wrdreg s13  }
0xb: {  	s12 =	simm.s32 $0x2;
	s13 =	simm.s32 $0x3;
	[dreg:$0x5] =	wrdreg s14  }
0xc: {  	s14 =	simm.s32 $0x4;
	[dreg:$0x6] =	wrdreg s15;
	s15 =	simm.s32 $0x5  }
0xd: {  	s7 =	sshll.u32 s4, $0xB;
	s4 =	smul.u32 $0x2710, s4;
	s9 =	sshrl.u32 s8, $0x1  }
0xe: {  	s7 =	sadd.s32 s7, s5;
	s5 =	sadd.s32 $0x3B600, s5;
	s8 =	ssub.s32 s8, s9  }
0xf: {  	s9 =	simm.s32 $0xB;
	s6 =	sadd.s32 $0x4400, s7;
	s30 =	sadd.s32 s10, s5  }
0x10: {  	s7 =	smax.u32 s8, $0x1;
	s10 =	simm.s32 $0xE000;
	s8 =	sadd.s32 s29, s30  }
.LBB2_1:
0x11: {  	[tilespmem:s2], [sflag:$0xB] =	stream.linear.gather [hbm4b:s6+s2], $0x3E80, $0x38;
	[tilespmem:$0x10800] =	vst v63  }
0x12: {  	_ =	swait.ge [sflag:s9], $0x3E80  }
0x13: {  	p0 =	por $0x0, $0x0;
	[sflag:s9] =	ssyncset.done $0x0  }
0x14: {  	s22 =	simm.s32 @p0 $0x6;
	[sflag:s9] =	ssyncadd.s32 $0xFFFFC180  }
0x15: {  	_ =	swait.ge @p0 [sflag:s22], $0x2800  }
0x16: {  	s23 =	simm.s32 @p0 $0x4000;
	s24 =	simm.s32 @p0 $0x7;
	[sflag:s22] =	ssyncset.done @p0 $0x0  }
0x17: {  	s25 =	simm.s32 @p0 $0x50;
	[sflag:s22] =	ssyncadd.s32 @p0 $0xFFFFD800;
	s22 =	simm.s32 @p0 $0x0  }
0x18: {  	[tilespmem:s23], [sflag:$0x1] =	stream.indirect.gather @p0 [hbm4b:s3+s25], $0x80, s22, s25, $0xb8;
	[tilespmem:$0x10800] =	vst v63  }
0x19: {  	_ =	swait.ge @p0 [sflag:s24], $0x2800  }
0x1a: {  	s22 =	simm.s32 @p0 $0x80;
	[sflag:s24] =	ssyncset.done @p0 $0x0  }
0x1b: {  	s23 =	simm.s32 @p0 $0x6800;
	[sflag:s24] =	ssyncadd.s32 @p0 $0xFFFFD800;
	s24 =	simm.s32 @p0 $0x8  }
0x1c: {  	[tilespmem:s23], [sflag:$0x2] =	stream.indirect.gather @p0 [hbm4b:s3+s25], $0x80, s22, s25, $0xb8;
	[tilespmem:$0x10800] =	vst v63  }
0x1d: {  	_ =	swait.ge @p0 [sflag:s24], $0x2800  }
0x1e: {  	s22 =	simm.s32 @p0 $0x100;
	[sflag:s24] =	ssyncset.done @p0 $0x0  }
0x1f: {  	s23 =	simm.s32 @p0 $0x9000;
	[sflag:s24] =	ssyncadd.s32 @p0 $0xFFFFD800;
	s24 =	simm.s32 @p0 $0x9  }
0x20: {  	[tilespmem:s23], [sflag:$0x3] =	stream.indirect.gather @p0 [hbm4b:s3+s25], $0x80, s22, s25, $0xb8;
	[tilespmem:$0x10800] =	vst v63  }
0x21: {  	_ =	swait.ge @p0 [sflag:s24], $0x2800  }
0x22: {  	s22 =	simm.s32 @p0 $0x180;
	[sflag:s24] =	ssyncset.done @p0 $0x0  }
0x23: {  	s23 =	simm.s32 @p0 $0xB800;
	[sflag:s24] =	ssyncadd.s32 @p0 $0xFFFFD800;
	s24 =	simm.s32 @p0 $0xA  }
0x24: {  	[tilespmem:s23], [sflag:$0x4] =	stream.indirect.gather @p0 [hbm4b:s3+s25], $0x80, s22, s25, $0xb8;
	[tilespmem:$0x10800] =	vst v63  }
0x25: {  	_ =	swait.ge @p0 [sflag:s24], $0x2800  }
0x26: {  	s22 =	simm.s32 @!p0 $0x4000;
	[sflag:s24] =	ssyncset.done @p0 $0x0  }
0x27: {  	s23 =	simm.s32 @!p0 $0x50;
	[sflag:s24] =	ssyncadd.s32 @p0 $0xFFFFD800;
	s24 =	simm.s32 @!p0 $0x0  }
0x28: {  	[tilespmem:s22], [sflag:$0x1] =	stream.indirect.gather @!p0 [hbm4b:s3+s23], $0x80, s24, s23, $0xb8;
	[tilespmem:$0x10800] =	vst v63  }
0x29: {  	s22 =	simm.s32 @!p0 $0x80;
	s24 =	simm.s32 @!p0 $0x6800  }
0x2a: {  	[tilespmem:s24], [sflag:$0x2] =	stream.indirect.gather @!p0 [hbm4b:s3+s23], $0x80, s22, s23, $0xb8;
	[tilespmem:$0x10800] =	vst v63  }
0x2b: {  	s24 =	simm.s32 $0x4  }
0x2c: {  	s26 =	simm.s32 @!p0 $0x9000;
	s25 =	simm.s32 @!p0 $0x100;
	s24 =	simm.s32 @!p0 $0x4  }
0x2d: {  	[tilespmem:s26], [sflag:$0x3] =	stream.indirect.gather @!p0 [hbm4b:s3+s23], $0x80, s25, s23, $0xb8;
	[tilespmem:$0x10800] =	vst v63  }
0x2e: {  	s22 =	simm.s32 @!p0 $0xB800;
	s25 =	simm.s32 @!p0 $0x180;
	s31 =	sshll.u32 s24, $0x7  }
0x2f: {  	[tilespmem:s22], [sflag:$0x4] =	stream.indirect.gather @!p0 [hbm4b:s3+s23], $0x80, s25, s23, $0xb8;
	[tilespmem:$0x10800] =	vst v63  }
0x30: {  	s28 =	rddreg [dreg:$0x2];
	s24 =	smul.u32 $0x50, s24;
	s0 =	sand.u32 $0x3FFFFF80, s31  }
0x31: {  	[tilespmem:s10], [sflag:$0x5] =	stream.indirect.gather [hbm4b:s3+s28], $0x80, s0, s28, $0xb8;
	[tilespmem:$0x10800] =	vst v63  }
0x32: {  	s23 =	simm.s32 @p0 $0x50;
	s31 =	sadd.s32 s4, s24;
	_ =	swait.ge [sflag:s11], $0x2800  }
0x33: {  	s24 =	sadd.s32 $0x1900, s8;
	s23 =	simm.s32 @!p0 $0x50;
	[sflag:s11] =	ssyncset.done $0x0  }
0x34: {  	s25 =	sadd.s32 s4, s23;
	s1 =	rddreg [dreg:$0x3];
	[sflag:s11] =	ssyncadd.s32 $0xFFFFD800  }
0x35: {  	[hbm4b:s8+s2] =	stream.linear.scatter [tilespmem:s1], [sflag:$0x6], $0x2800, $0x38;
	[tilespmem:$0x10800] =	vst v63  }
0x36: {  	s22 =	sshll.u32 s25, $0x4;
	s25 =	simm.s32 @p0 $0xA0;
	_ =	swait.ge [sflag:s12], $0x2800  }
0x37: {  	s22 =	sadd.s32 s5, s22;
	s25 =	simm.s32 @!p0 $0xA0;
	[sflag:s12] =	ssyncset.done $0x0  }
0x38: {  	s29 =	sadd.s32 s4, s25;
	s26 =	rddreg [dreg:$0x4];
	[sflag:s12] =	ssyncadd.s32 $0xFFFFD800  }
0x39: {  	[hbm4b:s22+s2] =	stream.linear.scatter [tilespmem:s26], [sflag:$0x7], $0x2800, $0x38;
	[tilespmem:$0x10800] =	vst v63  }
0x3a: {  	s25 =	simm.s32 $0xA00;
	s23 =	sshll.u32 s29, $0x4;
	_ =	swait.ge [sflag:s13], $0x2800  }
0x3b: {  	s23 =	sadd.s32 s5, s23;
	s22 =	simm.s32 $0xF0;
	[sflag:s13] =	ssyncset.done $0x0  }
0x3c: {  	s22 =	simm.s32 @!p0 $0xF0;
	s30 =	rddreg [dreg:$0x5];
	[sflag:s13] =	ssyncadd.s32 $0xFFFFD800  }
0x3d: {  	[hbm4b:s23+s2] =	stream.linear.scatter [tilespmem:s30], [sflag:$0x8], $0x2800, $0x38;
	[tilespmem:$0x10800] =	vst v63  }
0x3e: {  	s29 =	sshll.u32 s31, $0x4;
	s22 =	sadd.s32 s4, s22;
	_ =	swait.ge [sflag:s14], $0x2800  }
0x3f: {  	s26 =	simm.s32 $0x1400;
	s22 =	sshll.u32 s22, $0x4;
	[sflag:s14] =	ssyncset.done $0x0  }
0x40: {  	s22 =	sadd.s32 s5, s22;
	s28 =	rddreg [dreg:$0x6];
	[sflag:s14] =	ssyncadd.s32 $0xFFFFD800  }
0x41: {  	[hbm4b:s22+s2] =	stream.linear.scatter [tilespmem:s28], [sflag:$0x9], $0x2800, $0x38;
	[tilespmem:$0x10800] =	vst v63  }
0x42: {  	p0 =	por $0x1, $0x1;
	s23 =	simm.s32 $0x280;
	_ =	swait.ge [sflag:s15], $0x2800  }
0x43: {  	s22 =	simm.s32 $0x9;
	s28 =	sadd.s32 s5, s29;
	[sflag:s15] =	ssyncset.done $0x0  }
.LBB2_2:
0x44: {  	s29 =	simm.s32 @p0 $0x6;
	[sflag:s15] =	ssyncadd.s32 $0xFFFFD800  }
0x45: {  	[hbm4b:s28+s2] =	stream.linear.scatter [tilespmem:s10], [sflag:$0xA], $0x2800, $0x38;
	[tilespmem:$0x10800] =	vst v63  }
0x46: {  	s30 =	smov.u32 s26;
	_ =	swait.ge @p0 [sflag:s29], $0x2800  }
0x47: {  	s31 =	simm.s32 @p0 $0x7;
	s25 =	sshra.s32 @p0 s25, $0x2;
	[sflag:s29] =	ssyncset.done @p0 $0x0  }
0x48: {  	s28 =	simm.s32 @p0 $0x4000;
	[sflag:s29] =	ssyncadd.s32 @p0 $0xFFFFD800;
	s29 =	simm.s32 @p0 $0x50  }
0x49: {  	[tilespmem:s28], [sflag:$0x1] =	stream.indirect.gather @p0 [hbm4b:s3+s29], $0x80, s25, s29, $0xb8;
	[tilespmem:$0x10800] =	vst v63  }
0x4a: {  	s0 =	sadd.s32 @p0 $0x100, s25;
	s1 =	sadd.s32 @p0 $0x180, s25;
	_ =	swait.ge @p0 [sflag:s31], $0x2800  }
0x4b: {  	s28 =	sadd.s32 @p0 $0x80, s25;
	s25 =	smov.u32 s30;
	[sflag:s31] =	ssyncset.done @p0 $0x0  }
0x4c: {  	s30 =	simm.s32 @p0 $0x6800;
	[sflag:s31] =	ssyncadd.s32 @p0 $0xFFFFD800;
	s31 =	simm.s32 @p0 $0x8  }
0x4d: {  	[tilespmem:s30], [sflag:$0x2] =	stream.indirect.gather @p0 [hbm4b:s3+s29], $0x80, s28, s29, $0xb8;
	[tilespmem:$0x10800] =	vst v63  }
0x4e: {  	_ =	swait.ge @p0 [sflag:s31], $0x2800  }
0x4f: {  	[sflag:s31] =	ssyncset.done @p0 $0x0  }
0x50: {  	s28 =	simm.s32 @p0 $0x9000;
	s30 =	simm.s32 @p0 $0x9;
	[sflag:s31] =	ssyncadd.s32 @p0 $0xFFFFD800  }
0x51: {  	[tilespmem:s28], [sflag:$0x3] =	stream.indirect.gather @p0 [hbm4b:s3+s29], $0x80, s0, s29, $0xb8;
	[tilespmem:$0x10800] =	vst v63  }
0x52: {  	_ =	swait.ge @p0 [sflag:s30], $0x2800  }
0x53: {  	[sflag:s30] =	ssyncset.done @p0 $0x0  }
0x54: {  	s0 =	simm.s32 @p0 $0xB800;
	s28 =	simm.s32 @p0 $0xA;
	[sflag:s30] =	ssyncadd.s32 @p0 $0xFFFFD800  }
0x55: {  	[tilespmem:s0], [sflag:$0x4] =	stream.indirect.gather @p0 [hbm4b:s3+s29], $0x80, s1, s29, $0xb8;
	[tilespmem:$0x10800] =	vst v63  }
0x56: {  	_ =	swait.ge @p0 [sflag:s28], $0x2800  }
0x57: {  	s0 =	simm.s32 @!p0 $0x4000;
	[sflag:s28] =	ssyncset.done @p0 $0x0  }
0x58: {  	s1 =	simm.s32 @!p0 $0x50;
	[sflag:s28] =	ssyncadd.s32 @p0 $0xFFFFD800;
	s28 =	simm.s32 @!p0 $0x0  }
0x59: {  	[tilespmem:s0], [sflag:$0x1] =	stream.indirect.gather @!p0 [hbm4b:s3+s1], $0x80, s28, s1, $0xb8;
	[tilespmem:$0x10800] =	vst v63  }
0x5a: {  	s30 =	smov.u32 s22;
	s0 =	simm.s32 @!p0 $0x80;
	s28 =	simm.s32 @!p0 $0x6800  }
0x5b: {  	[tilespmem:s28], [sflag:$0x2] =	stream.indirect.gather @!p0 [hbm4b:s3+s1], $0x80, s0, s1, $0xb8;
	[tilespmem:$0x10800] =	vst v63  }
0x5c: {  	s30 =	simm.s32 @!p0 $0x4;
	s0 =	simm.s32 @!p0 $0x100;
	s28 =	simm.s32 @!p0 $0x9000  }
0x5d: {  	[tilespmem:s28], [sflag:$0x3] =	stream.indirect.gather @!p0 [hbm4b:s3+s1], $0x80, s0, s1, $0xb8;
	[tilespmem:$0x10800] =	vst v63  }
0x5e: {  	s29 =	simm.s32 @!p0 $0xB800;
	s0 =	simm.s32 @!p0 $0x180;
	s28 =	sshll.u32 s30, $0x7  }
0x5f: {  	[tilespmem:s29], [sflag:$0x4] =	stream.indirect.gather @!p0 [hbm4b:s3+s1], $0x80, s0, s1, $0xb8;
	[tilespmem:$0x10800] =	vst v63  }
0x60: {  	s31 =	rddreg [dreg:$0x2];
	s30 =	smul.u32 $0x50, s30;
	s29 =	sand.u32 $0x3FFFFF80, s28  }
0x61: {  	[tilespmem:s10], [sflag:$0x5] =	stream.indirect.gather [hbm4b:s3+s31], $0x80, s29, s31, $0xb8;
	[tilespmem:$0x10800] =	vst v63  }
0x62: {  	s28 =	sadd.s32 @p0 $0xFFFFFF60, s23;
	_ =	swait.ge [sflag:s11], $0x2800  }
0x63: {  	s1 =	sadd.s32 s4, s30;
	s28 =	simm.s32 @!p0 $0x50;
	[sflag:s11] =	ssyncset.done $0x0  }
0x64: {  	s30 =	sadd.s32 s4, s28;
	s29 =	rddreg [dreg:$0x3];
	[sflag:s11] =	ssyncadd.s32 $0xFFFFD800  }
0x65: {  	[hbm4b:s24+s2] =	stream.linear.scatter [tilespmem:s29], [sflag:$0x6], $0x2800, $0x38;
	[tilespmem:$0x10800] =	vst v63  }
0x66: {  	s0 =	sshll.u32 s1, $0x4;
	s1 =	sshll.u32 s30, $0x4;
	_ =	swait.ge [sflag:s12], $0x2800  }
0x67: {  	s1 =	sadd.s32 s5, s1;
	s29 =	sadd.s32 @p0 $0xFFFFFFB0, s23;
	[sflag:s12] =	ssyncset.done $0x0  }
0x68: {  	s29 =	simm.s32 @!p0 $0xA0;
	s28 =	rddreg [dreg:$0x4];
	[sflag:s12] =	ssyncadd.s32 $0xFFFFD800  }
0x69: {  	[hbm4b:s1+s2] =	stream.linear.scatter [tilespmem:s28], [sflag:$0x7], $0x2800, $0x38;
	[tilespmem:$0x10800] =	vst v63  }
0x6a: {  	s31 =	sadd.s32 s4, s29;
	_ =	swait.ge [sflag:s13], $0x2800  }
0x6b: {  	s1 =	sshll.u32 s31, $0x4;
	[sflag:s13] =	ssyncset.done $0x0  }
0x6c: {  	s1 =	sadd.s32 s5, s1;
	s28 =	rddreg [dreg:$0x5];
	[sflag:s13] =	ssyncadd.s32 $0xFFFFD800  }
0x6d: {  	[hbm4b:s1+s2] =	stream.linear.scatter [tilespmem:s28], [sflag:$0x8], $0x2800, $0x38;
	[tilespmem:$0x10800] =	vst v63  }
0x6e: {  	s26 =	sadd.s32 $0xA00, s26;
	s1 =	smov.u32 s23  }
0x6f: {  	p1 =	sne.s32 s26, $0xFA00;
	s1 =	simm.s32 @!p0 $0xF0  }
0x70: {  	s22 =	sadd.s32 $0x5, s22;
	_ =	swait.ge [sflag:s14], $0x2800;
	s1 =	sadd.s32 s4, s1  }
.Ltmp0:
0x71: {  	[sflag:s14] =	ssyncset.done $0x0;
	s1 =	sshll.u32 s1, $0x4;
	(pc) =	sbr.rel @p1 .LBB2_2-.Ltmp0, $4  }
0x72: {  	s28 =	rddreg [dreg:$0x6];
	[sflag:s14] =	ssyncadd.s32 $0xFFFFD800;
	s1 =	sadd.s32 s5, s1  }
0x73: {  	[hbm4b:s1+s2] =	stream.linear.scatter [tilespmem:s28], [sflag:$0x9], $0x2800, $0x38;
	[tilespmem:$0x10800] =	vst v63  }
0x74: {  	s24 =	sadd.s32 $0x1900, s24;
	s23 =	sadd.s32 $0x190, s23;
	_ =	swait.ge [sflag:s15], $0x2800  }
0x75: {  	p0 =	sne.s32 s25, $0x0;
	s28 =	sadd.s32 s5, s0;
	[sflag:s15] =	ssyncset.done $0x0  }
0x76: {  	s0 =	simm.s32 @p0 $0x6;
	[sflag:s15] =	ssyncadd.s32 $0xFFFFD800  }
0x77: {  	[hbm4b:s28+s2] =	stream.linear.scatter [tilespmem:s10], [sflag:$0xA], $0x2800, $0x38;
	[tilespmem:$0x10800] =	vst v63  }
0x78: {  	_ =	swait.ge @p0 [sflag:s0], $0x2800  }
0x79: {  	s1 =	simm.s32 @p0 $0x4000;
	s26 =	simm.s32 @p0 $0x7;
	[sflag:s0] =	ssyncset.done @p0 $0x0  }
0x7a: {  	[sflag:s0] =	ssyncadd.s32 @p0 $0xFFFFD800;
	s0 =	sshra.s32 @p0 s25, $0x2;
	s25 =	simm.s32 @p0 $0x50  }
0x7b: {  	[tilespmem:s1], [sflag:$0x1] =	stream.indirect.gather @p0 [hbm4b:s3+s25], $0x80, s0, s25, $0xb8;
	[tilespmem:$0x10800] =	vst v63  }
0x7c: {  	_ =	swait.ge @p0 [sflag:s26], $0x2800  }
0x7d: {  	s28 =	simm.s32 @p0 $0x8;
	[sflag:s26] =	ssyncset.done @p0 $0x0  }
0x7e: {  	s1 =	sadd.s32 @p0 $0x80, s0;
	[sflag:s26] =	ssyncadd.s32 @p0 $0xFFFFD800;
	s26 =	simm.s32 @p0 $0x6800  }
0x7f: {  	[tilespmem:s26], [sflag:$0x2] =	stream.indirect.gather @p0 [hbm4b:s3+s25], $0x80, s1, s25, $0xb8;
	[tilespmem:$0x10800] =	vst v63  }
0x80: {  	_ =	swait.ge @p0 [sflag:s28], $0x2800  }
0x81: {  	s1 =	sadd.s32 @p0 $0x100, s0;
	[sflag:s28] =	ssyncset.done @p0 $0x0  }
0x82: {  	s26 =	simm.s32 @p0 $0x9000;
	[sflag:s28] =	ssyncadd.s32 @p0 $0xFFFFD800;
	s28 =	simm.s32 @p0 $0x9  }
0x83: {  	[tilespmem:s26], [sflag:$0x3] =	stream.indirect.gather @p0 [hbm4b:s3+s25], $0x80, s1, s25, $0xb8;
	[tilespmem:$0x10800] =	vst v63  }
0x84: {  	_ =	swait.ge @p0 [sflag:s28], $0x2800  }
0x85: {  	s0 =	sadd.s32 @p0 $0x180, s0;
	[sflag:s28] =	ssyncset.done @p0 $0x0  }
0x86: {  	s1 =	simm.s32 @p0 $0xB800;
	s26 =	simm.s32 @p0 $0xA;
	[sflag:s28] =	ssyncadd.s32 @p0 $0xFFFFD800  }
0x87: {  	[tilespmem:s1], [sflag:$0x4] =	stream.indirect.gather @p0 [hbm4b:s3+s25], $0x80, s0, s25, $0xb8;
	[tilespmem:$0x10800] =	vst v63  }
0x88: {  	_ =	swait.ge @p0 [sflag:s26], $0x2800  }
0x89: {  	s0 =	simm.s32 @!p0 $0x4000;
	[sflag:s26] =	ssyncset.done @p0 $0x0  }
0x8a: {  	s1 =	simm.s32 @!p0 $0x50;
	s25 =	simm.s32 @!p0 $0x0;
	[sflag:s26] =	ssyncadd.s32 @p0 $0xFFFFD800  }
0x8b: {  	[tilespmem:s0], [sflag:$0x1] =	stream.indirect.gather @!p0 [hbm4b:s3+s1], $0x80, s25, s1, $0xb8;
	[tilespmem:$0x10800] =	vst v63  }
0x8c: {  	s0 =	simm.s32 @!p0 $0x80;
	s25 =	simm.s32 @!p0 $0x6800  }
0x8d: {  	[tilespmem:s25], [sflag:$0x2] =	stream.indirect.gather @!p0 [hbm4b:s3+s1], $0x80, s0, s1, $0xb8;
	[tilespmem:$0x10800] =	vst v63  }
0x8e: {  	s22 =	simm.s32 @!p0 $0x4;
	s0 =	simm.s32 @!p0 $0x100;
	s25 =	simm.s32 @!p0 $0x9000  }
0x8f: {  	[tilespmem:s25], [sflag:$0x3] =	stream.indirect.gather @!p0 [hbm4b:s3+s1], $0x80, s0, s1, $0xb8;
	[tilespmem:$0x10800] =	vst v63  }
0x90: {  	s31 =	sshll.u32 s22, $0x7;
	s26 =	simm.s32 @!p0 $0xB800;
	s0 =	simm.s32 @!p0 $0x180  }
0x91: {  	[tilespmem:s26], [sflag:$0x4] =	stream.indirect.gather @!p0 [hbm4b:s3+s1], $0x80, s0, s1, $0xb8;
	[tilespmem:$0x10800] =	vst v63  }
0x92: {  	s30 =	sand.u32 $0x3FFFFF80, s31;
	s29 =	rddreg [dreg:$0x2]  }
0x93: {  	[tilespmem:s10], [sflag:$0x5] =	stream.indirect.gather [hbm4b:s3+s29], $0x80, s30, s29, $0xb8;
	[tilespmem:$0x10800] =	vst v63  }
0x94: {  	_ =	swait.ge [sflag:s11], $0x2800  }
0x95: {  	s1 =	sadd.s32 @p0 $0xFFFFFF60, s23;
	[sflag:s11] =	ssyncset.done $0x0  }
0x96: {  	s1 =	simm.s32 @!p0 $0x50;
	s31 =	rddreg [dreg:$0x3];
	[sflag:s11] =	ssyncadd.s32 $0xFFFFD800  }
0x97: {  	[hbm4b:s24+s2] =	stream.linear.scatter [tilespmem:s31], [sflag:$0x6], $0x2800, $0x38;
	[tilespmem:$0x10800] =	vst v63  }
0x98: {  	s24 =	sadd.s32 s4, s1  }
0x99: {  	_ =	swait.ge [sflag:s12], $0x2800;
	s0 =	sshll.u32 s24, $0x4  }
0x9a: {  	s24 =	sadd.s32 @p0 $0xFFFFFFB0, s23;
	s25 =	rddreg [dreg:$0x4];
	[sflag:s12] =	ssyncset.done $0x0  }
0x9b: {  	s0 =	sadd.s32 s5, s0;
	s24 =	simm.s32 @!p0 $0xA0;
	[sflag:s12] =	ssyncadd.s32 $0xFFFFD800  }
0x9c: {  	[hbm4b:s0+s2] =	stream.linear.scatter [tilespmem:s25], [sflag:$0x7], $0x2800, $0x38;
	[tilespmem:$0x10800] =	vst v63  }
0x9d: {  	s26 =	sadd.s32 s4, s24;
	_ =	swait.ge [sflag:s13], $0x2800  }
0x9e: {  	s23 =	simm.s32 @!p0 $0xF0;
	s0 =	sshll.u32 s26, $0x4;
	[sflag:s13] =	ssyncset.done $0x0  }
0x9f: {  	s0 =	sadd.s32 s5, s0;
	s28 =	rddreg [dreg:$0x5];
	[sflag:s13] =	ssyncadd.s32 $0xFFFFD800  }
0xa0: {  	[hbm4b:s0+s2] =	stream.linear.scatter [tilespmem:s28], [sflag:$0x8], $0x2800, $0x38;
	[tilespmem:$0x10800] =	vst v63  }
0xa1: {  	s29 =	sadd.s32 s4, s23;
	_ =	swait.ge [sflag:s14], $0x2800  }
0xa2: {  	s22 =	smul.u32 $0x50, s22;
	s0 =	sshll.u32 s29, $0x4;
	[sflag:s14] =	ssyncset.done $0x0  }
0xa3: {  	s0 =	sadd.s32 s5, s0;
	s30 =	rddreg [dreg:$0x6];
	[sflag:s14] =	ssyncadd.s32 $0xFFFFD800  }
0xa4: {  	[hbm4b:s0+s2] =	stream.linear.scatter [tilespmem:s30], [sflag:$0x9], $0x2800, $0x38;
	[tilespmem:$0x10800] =	vst v63  }
0xa5: {  	s31 =	sadd.s32 s4, s22;
	_ =	swait.ge [sflag:s15], $0x2800  }
0xa6: {  	s0 =	sshll.u32 s31, $0x4;
	[sflag:s15] =	ssyncset.done $0x0  }
0xa7: {  	s0 =	sadd.s32 s5, s0;
	[sflag:s15] =	ssyncadd.s32 $0xFFFFD800  }
0xa8: {  	[hbm4b:s0+s2] =	stream.linear.scatter [tilespmem:s10], [sflag:$0xA], $0x2800, $0x38;
	[tilespmem:$0x10800] =	vst v63  }
0xa9: {  	_ =	swait.ge [sflag:s16], $0x2800  }
0xaa: {  	[sflag:s16] =	ssyncset.done $0x0  }
0xab: {  	[sflag:s16] =	ssyncadd.s32 $0xFFFFD800  }
0xac: {  	_ =	swait.ge [sflag:s17], $0x2800  }
0xad: {  	[sflag:s17] =	ssyncset.done $0x0  }
0xae: {  	[sflag:s17] =	ssyncadd.s32 $0xFFFFD800  }
0xaf: {  	_ =	swait.ge [sflag:s18], $0x2800  }
0xb0: {  	[sflag:s18] =	ssyncset.done $0x0  }
0xb1: {  	s21 =	sadd.s32 $0x1, s21;
	[sflag:s18] =	ssyncadd.s32 $0xFFFFD800  }
0xb2: {  	p0 =	sne.s32 s21, s7;
	_ =	swait.ge [sflag:s19], $0x2800  }
.Ltmp1:
0xb3: {  	[sflag:s19] =	ssyncset.done $0x0;
	(pc) =	sbr.rel @p0 .LBB2_1-.Ltmp1, $4  }
0xb4: {  	[sflag:s19] =	ssyncadd.s32 $0xFFFFD800  }
0xb5: {  	_ =	swait.ge [sflag:s20], $0x2800  }
0xb6: {  	[sflag:s20] =	ssyncset.done $0x0  }
0xb7: {  	[sflag:s20] =	ssyncadd.s32 $0xFFFFD800  }
0xb8: {  	_ =	sfence.sel $0x180000  }
0xb9: {  	[bflag:$0x0] =	sbarrier.arrive $0xFFFF  }
0xba: {  	_ =	strace $0x90000047  }
0xbb: {  	s0 =	stileid.u32;
	[bflag:$0x2] =	sbarrier.arrive $0xFFFF  }
0xbc: {  	p0 =	sne.s32 s0, $0x0;
	s0 =	rddreg [dreg:$0x1]  }
0xbd: {  	s0 =	sadd.s32 @!p0 $0x100000, s0  }
0xbe: {  	[sflag:s0] =	ssyncadd.tile.s32 @!p0 $0x1;
	_ =	shalt  }
.Lfunc_end2:
_tile_overlayer_lowered:
.L_overlay_start_2:
0xbf: {  	(tag) =	ssettag $0x2  }
0xc0: {  	s0 =	rddreg [dreg:$0x0];
	s2 =	stileid.u32  }
0xc1: {  	s1 =	rddreg [dreg:$0x1];
	p0 =	sne.s32 s2, $0x0  }
0xc2: {  	s3 =	rddreg [dreg:$0x2];
	[bflag:$0x3] =	sbarrier.arrive $0xFFFF;
	s2 =	simm.s32 @!p0 $0x1C0B  }
0xc3: {  	[timem:s3], [sflag:s2] =	dma.local @!p0 [hbm:s0], s1  }
0xc4: {  	s0 =	simm.s32 @!p0 $0xB  }
0xc5: {  	_ =	swait.ge @!p0 [sflag:s0], s1  }
0xc6: {  	s1 =	ssub.s32 @!p0 $0x0, s1;
	[sflag:s0] =	ssyncset.done @!p0 $0x0  }
0xc7: {  	[sflag:s0] =	ssyncadd.s32 @!p0 s1  }
0xc8: {  	[bflag:$0x3] =	sbarrier.arrive $0xFFFF  }
0xc9: {  	_ =	shalt  }

</sc_bundles>
